<compile_context>
chip_gen: v7x
topology: tpu7x:2x2x1
jax: 0.10.2.dev20260603
libtpu: 0.0.44.dev20260713+nightly
codegen_flags: <defaults>
</compile_context>

<pallas_src>
import functools

import jax
import jax.numpy as jnp
from jax import lax
from jax.experimental import pallas as pl
from jax.experimental.pallas import tpu as pltpu
from jax.experimental.pallas import tpu_sc as plsc

_B, _C, _H, _W, _K = 64, 8, 112, 200, 128
_NC, _NS = 2, 16
_NW = _NC * _NS
_BSC = 32
_BTC = _B - _BSC
_NQ = _BSC * _C // _NW
_EPW = _NQ * _K
_QROWS = _W
_RING = 4
_TBB = 8


@functools.cache
def _make_sc_gather():
    mesh = plsc.VectorSubcoreMesh(core_axis_name="c", subcore_axis_name="s")

    @functools.partial(
        pl.kernel,
        mesh=mesh,
        out_type=jax.ShapeDtypeStruct((_NW, _EPW), jnp.float32),
        compiler_params=pltpu.CompilerParams(needs_layout_passes=False),
        scratch_types=[
            pltpu.VMEM((2 * _K,), jnp.int32),
            pltpu.VMEM((2 * _K,), jnp.int32),
            pltpu.VMEM((2 * _K,), jnp.int32),
            pltpu.VMEM((_RING, _QROWS, _H), jnp.float32),
            pltpu.VMEM((_EPW,), jnp.float32),
            pltpu.SemaphoreType.DMA,
            pltpu.SemaphoreType.DMA,
            pltpu.SemaphoreType.DMA,
            pltpu.SemaphoreType.DMA,
        ],
    )
    def _sc_gather(tab_hbm, ind_hbm, out_hbm, ind_v, w_v, h_v, chunk_v, vals_v,
                   sem0, sem1, sem2, sem3):
        wid = lax.axis_index("s") * _NC + lax.axis_index("c")
        sems = [sem0, sem1, sem2, sem3]
        g0 = wid * _NQ
        b_first = lax.shift_right_logical(g0, 3)
        row00 = g0 * _QROWS

        def issue(q, r):
            return pltpu.async_copy(
                tab_hbm.at[pl.ds(row00 + q * _QROWS, _QROWS)],
                chunk_v.at[r], sems[r])

        for r in range(_RING):
            issue(r, r)

        pltpu.sync_copy(ind_hbm.at[pl.ds(b_first * _K, 2 * _K)], ind_v)

        @pl.loop(0, 2 * _K // 16)
        def _prep(t):
            o = pl.multiple_of(t * 16, 16)
            iv = ind_v[pl.ds(o, 16)]
            h = lax.shift_right_logical(iv * 5243, 20)
            h_v[pl.ds(o, 16)] = h
            w_v[pl.ds(o, 16)] = iv - h * _W

        @pl.loop(0, _NQ, step=_RING)
        def _chunks(q0):
            for r in range(_RING):
                q = q0 + r
                pltpu.make_async_copy(
                    tab_hbm.at[pl.ds(row00, _QROWS)], chunk_v.at[r],
                    sems[r]).wait()
                g = g0 + q
                j0 = (lax.shift_right_logical(g, 3) - b_first) * _K
                for t in range(_K // 16):
                    j = pl.multiple_of(j0 + t * 16, 16)
                    vals = plsc.load_gather(
                        chunk_v.at[r], [w_v[pl.ds(j, 16)], h_v[pl.ds(j, 16)]])
                    p = pl.multiple_of(q * _K + t * 16, 16)
                    vals_v[pl.ds(p, 16)] = vals

                @pl.when(q + _RING < _NQ)
                def _():
                    issue(q + _RING, r)

        pltpu.sync_copy(vals_v, out_hbm.at[wid])

    return _sc_gather


def _tc_gather_body(ind_ref, tab_ref, out_ref):
    iota_w = lax.broadcasted_iota(jnp.int32, (_W, _K), 0)
    iota_h = lax.broadcasted_iota(jnp.int32, (_H, _K), 0)
    for bb in range(_TBB):
        iv = ind_ref[bb:bb + 1, :]
        h = lax.shift_right_logical(iv * 5243, 20)
        w = iv - h * _W
        ohf = (iota_h == jnp.broadcast_to(h, (_H, _K))).astype(jnp.float32)
        owf = (iota_w == jnp.broadcast_to(w, (_W, _K))).astype(jnp.float32)
        for c in range(_C):
            r0 = bb * _C * _W + c * _W
            slab = tab_ref[r0:r0 + _W, :]
            tmp = lax.dot_general(slab, ohf, (((1,), (0,)), ((), ())),
                                  preferred_element_type=jnp.float32)
            val = jnp.sum(owf * tmp, axis=0, keepdims=True)
            out_ref[bb:bb + 1, c * _K:(c + 1) * _K] = val


def _tc_gather(tab, ind):
    return pl.pallas_call(
        _tc_gather_body,
        grid=(_BTC // _TBB,),
        in_specs=[
            pl.BlockSpec((_TBB, _K), lambda i: (i + _BSC // _TBB, 0)),
            pl.BlockSpec((_TBB * _C * _W, _H), lambda i: (i + _BSC // _TBB, 0)),
        ],
        out_specs=pl.BlockSpec((_TBB, _C * _K), lambda i: (i, 0)),
        out_shape=jax.ShapeDtypeStruct((_BTC, _C * _K), jnp.float32),
    )(ind, tab)


def _huber(d):
    ad = jnp.abs(d)
    return jnp.where(ad < 1.0, 0.5 * ad * ad, ad - 0.5)


def _masked_mean_sum(vals, w):
    cnt = jnp.sum(w)
    s = jnp.sum(vals * w)
    return jnp.where(cnt > 0, s / jnp.maximum(cnt, 1.0), 0.0), cnt


def _tc_loss_body(psc_ref, ptc_ref, mask_ref, tb0_ref, tb1_ref, tr0_ref,
                  tr1_ref, out_ref):
    def chan(c):
        return jnp.concatenate(
            [psc_ref[:, c * _K:(c + 1) * _K], ptc_ref[:, c * _K:(c + 1) * _K]],
            axis=0)

    p = [chan(c) for c in range(_C)]
    mf = (mask_ref[...] != 0).astype(jnp.float32)
    tb0 = tb0_ref[...]
    tb1 = tb1_ref[...]
    tr0 = tr0_ref[...]
    tr1 = tr1_ref[...]

    cnt = jnp.sum(mf)

    def ce(pa, pb, tb):
        m = jnp.maximum(pa, pb)
        lse = m + jnp.log(jnp.exp(pa - m) + jnp.exp(pb - m))
        picked = jnp.where(tb == 0, pa, pb)
        s = jnp.sum((lse - picked) * mf)
        return jnp.where(cnt > 0, s / jnp.maximum(cnt, 1.0), 0.0)

    loss_bin1 = ce(p[0], p[1], tb0)
    loss_bin2 = ce(p[4], p[5], tb1)

    w1 = (tb0 != 0).astype(jnp.float32)
    ls1, c1 = _masked_mean_sum(_huber(p[2] - jnp.sin(tr0)), w1)
    lc1, _ = _masked_mean_sum(_huber(p[3] - jnp.cos(tr0)), w1)
    res1 = jnp.where(c1 > 0, ls1 + lc1, 0.0)

    w2 = (tb1 != 0).astype(jnp.float32)
    ls2, c2 = _masked_mean_sum(_huber(p[6] - jnp.sin(tr1)), w2)
    lc2, _ = _masked_mean_sum(_huber(p[7] - jnp.cos(tr1)), w2)
    res2 = jnp.where(c2 > 0, ls2 + lc2, 0.0)

    out_ref[0, 0] = loss_bin1 + loss_bin2 + res1 + res2


def _tc_loss(psc, ptc, mask, tb0, tb1, tr0, tr1):
    return pl.pallas_call(
        _tc_loss_body,
        out_shape=jax.ShapeDtypeStruct((1, 1), jnp.float32),
        out_specs=pl.BlockSpec(memory_space=pltpu.SMEM),
    )(psc, ptc, mask, tb0, tb1, tr0, tr1)


def kernel(output, mask, ind, rotbin, rotres, opt):
    tab = output.transpose(0, 1, 3, 2).reshape(_B * _C * _W, _H)
    pred_sc = _make_sc_gather()(tab, ind.reshape(-1)).reshape(_BSC, _C * _K)
    pred_tc = _tc_gather(tab, ind)
    tb0 = rotbin[:, :, 0]
    tb1 = rotbin[:, :, 1]
    tr0 = rotres[:, :, 0]
    tr1 = rotres[:, :, 1]
    return _tc_loss(pred_sc, pred_tc, mask, tb0, tb1, tr0, tr1)[0, 0]

# --- scband reference (transcript-rebuilt; emitter-appended) ---
"""Pipeline reference for scband-bin-rot-loss-55155970015598 (READ-ONLY COPY).

The authoritative reference and input builder live on the scoring server;
editing this copy changes nothing except your own understanding.
"""

import jax, jax.numpy as jnp
import numpy as np

B, C, H, W = 64, 8, 112, 200
K = 128


def setup_inputs(seed: int = 0):
    key = jax.random.key(seed)
    k1, k2, k3, k4, k5 = jax.random.split(key, 5)
    output = jax.random.normal(k1, (B, C, H, W), dtype=jnp.float32)
    mask = jax.random.randint(k2, (B, K), 0, 2).astype(jnp.int32)
    ind = jax.random.randint(k3, (B, K), 0, H * W).astype(jnp.int32)
    rotbin = jax.random.randint(k4, (B, K, 2), 0, 2).astype(jnp.int32)
    rotres = jax.random.normal(k5, (B, K, 2), dtype=jnp.float32)
    return {"output": output, "mask": mask, "ind": ind, "rotbin": rotbin, "rotres": rotres, "opt": 1}


def _ce_masked(logits2, target, maskf):
    # cross entropy over rows where maskf != 0, mean reduction (matches index_select + CE mean)
    lse = jax.scipy.special.logsumexp(logits2, axis=1)
    picked = jnp.take_along_axis(logits2, target[:, None].astype(jnp.int32), axis=1)[:, 0]
    nll = lse - picked
    cnt = jnp.sum(maskf)
    return jnp.where(cnt > 0, jnp.sum(nll * maskf) / jnp.maximum(cnt, 1.0), 0.0)


def _huber(d):
    ad = jnp.abs(d)
    return jnp.where(ad < 1.0, 0.5 * ad * ad, ad - 0.5)


def _masked_mean(vals, w):
    cnt = jnp.sum(w)
    return jnp.sum(vals * w) / jnp.maximum(cnt, 1.0)


def _rot_loss(pred, tb, tr, m):
    out = pred.reshape(-1, pred.shape[2])
    tb = tb.reshape(-1, 2)
    tr = tr.reshape(-1, 2)
    mf = m.reshape(-1).astype(jnp.float32)
    mf = (mf != 0).astype(jnp.float32)
    loss_bin1 = _ce_masked(out[:, 0:2], tb[:, 0], mf)
    loss_bin2 = _ce_masked(out[:, 4:6], tb[:, 1], mf)
    w1 = (tb[:, 0] != 0).astype(jnp.float32)
    c1 = jnp.sum(w1)
    loss_sin1 = _masked_mean(_huber(out[:, 2] - jnp.sin(tr[:, 0])), w1)
    loss_cos1 = _masked_mean(_huber(out[:, 3] - jnp.cos(tr[:, 0])), w1)
    res1 = jnp.where(c1 > 0, loss_sin1 + loss_cos1, 0.0)
    w2 = (tb[:, 1] != 0).astype(jnp.float32)
    c2 = jnp.sum(w2)
    loss_sin2 = _masked_mean(_huber(out[:, 6] - jnp.sin(tr[:, 1])), w2)
    loss_cos2 = _masked_mean(_huber(out[:, 7] - jnp.cos(tr[:, 1])), w2)
    res2 = jnp.where(c2 > 0, loss_sin2 + loss_cos2, 0.0)
    return loss_bin1 + loss_bin2 + res1 + res2


def reference(output, mask, ind, rotbin, rotres, opt=1):
    Bv, Cv, Hv, Wv = output.shape
    # _tranpose_and_gather_feat: [B,C,H,W] -> [B,H*W,C] -> gather by ind -> [B,K,C]
    feat = jnp.transpose(output, (0, 2, 3, 1)).reshape(Bv, Hv * Wv, Cv)
    pred = jnp.take_along_axis(feat, ind[:, :, None].astype(jnp.int32), axis=1)
    return _rot_loss(pred, rotbin, rotres, mask)

if __name__ == "__main__":
    import jax
    _d = setup_inputs()
    print(jax.jit(kernel)(*tuple(_d.values())))

</pallas_src>

<mosaic_0001>
#map = affine_map<(d0, d1) -> (0, 0)>
#map1 = affine_map<(d0, d1) -> (0)>
module attributes {stable_mosaic.version = 14 : i64} {
  func.func @_sc_gather(%arg0: i32, %arg1: i32, %arg2: memref<102400x112xf32, #tpu.memory_space<hbm>>, %arg3: memref<8192xi32, #tpu.memory_space<hbm>>, %arg4: memref<32x1024xf32, #tpu.memory_space<hbm>>, %arg5: memref<256xi32, #tpu.memory_space<vmem>>, %arg6: memref<256xi32, #tpu.memory_space<vmem>>, %arg7: memref<256xi32, #tpu.memory_space<vmem>>, %arg8: memref<4x200x112xf32, #tpu.memory_space<vmem>>, %arg9: memref<1024xf32, #tpu.memory_space<vmem>>, %arg10: memref<!tpu.dma_semaphore, #tpu.memory_space<semaphore_mem>>, %arg11: memref<!tpu.dma_semaphore, #tpu.memory_space<semaphore_mem>>, %arg12: memref<!tpu.dma_semaphore, #tpu.memory_space<semaphore_mem>>, %arg13: memref<!tpu.dma_semaphore, #tpu.memory_space<semaphore_mem>>) attributes {dimension_semantics = [#tpu.dimension_semantics<core_parallel>, #tpu.dimension_semantics<subcore_parallel>], iteration_bounds = array<i64: 2, 16>, scalar_prefetch = 0 : i64, scratch_operands = 9 : i64, tpu.core_type = #tpu.core_type<sc_vector_subcore>, window_params = [{transform_indices = #map}, {transform_indices = #map1}, {transform_indices = #map}]} {
    %mul3A = arith.constant 2 : i32
    %mul3A_0 = arith.muli %arg1, %mul3A : i32
    %add3A = arith.addi %mul3A_0, %arg0 : i32
    %mul3A_1 = arith.constant 8 : i32
    %mul3A_2 = arith.muli %add3A, %mul3A_1 : i32
    %shift_right_logical3A = arith.constant 3 : i32
    %shift_right_logical3A_3 = arith.shrui %mul3A_2, %shift_right_logical3A : i32
    %mul3A_4 = arith.constant 200 : i32
    %mul3A_5 = arith.muli %mul3A_2, %mul3A_4 : i32
    %add3A_6 = arith.constant 0 : i32
    %add3A_7 = arith.addi %mul3A_5, %add3A_6 : i32
    %dma_start3A = arith.constant 0 : i32
    %dma_start3A_8 = arith.constant 0 : i32
    %dma_start3A_9 = arith.constant 0 : i32
    %dma_start3A_10 = tpu.memref_slice %arg8[%dma_start3A, %dma_start3A_8, %dma_start3A_9] : memref<4x200x112xf32, #tpu.memory_space<vmem>> -> memref<1x200x112xf32, #tpu.memory_space<vmem>>
    %dma_start3A_11 = tpu.memref_squeeze %dma_start3A_10 : memref<1x200x112xf32, #tpu.memory_space<vmem>> -> memref<200x112xf32, #tpu.memory_space<vmem>>
    %dma_start3A_12 = arith.constant 0 : i32
    %dma_start3A_13 = tpu.memref_slice %arg2[%add3A_7, %dma_start3A_12] : memref<102400x112xf32, #tpu.memory_space<hbm>> -> memref<200x112xf32, #tpu.memory_space<hbm>>
    %dma_start3A_14 = arith.constant 0 : i32
    %dma_start3A_15 = arith.constant 0 : i32
    %dma_start3A_16 = tpu.memref_slice %arg8[%dma_start3A, %dma_start3A_14, %dma_start3A_15] : memref<4x200x112xf32, #tpu.memory_space<vmem>> -> memref<1x200x112xf32, #tpu.memory_space<vmem>>
    %dma_start3A_17 = tpu.memref_squeeze %dma_start3A_16 : memref<1x200x112xf32, #tpu.memory_space<vmem>> -> memref<200x112xf32, #tpu.memory_space<vmem>>
    %dma_start3A_18 = arith.constant 0 : i32
    %dma_start3A_19 = tpu.memref_slice %arg2[%add3A_7, %dma_start3A_18] : memref<102400x112xf32, #tpu.memory_space<hbm>> -> memref<200x112xf32, #tpu.memory_space<hbm>>
    tpu.enqueue_dma source(%dma_start3A_19 : memref<200x112xf32, #tpu.memory_space<hbm>>) target(%dma_start3A_17 : memref<200x112xf32, #tpu.memory_space<vmem>>) target_semaphore(%arg10 : memref<!tpu.dma_semaphore, #tpu.memory_space<semaphore_mem>>)
    %add3A_20 = arith.constant 200 : i32
    %add3A_21 = arith.addi %mul3A_5, %add3A_20 : i32
    %dma_start3A_22 = arith.constant 1 : i32
    %dma_start3A_23 = arith.constant 0 : i32
    %dma_start3A_24 = arith.constant 0 : i32
    %dma_start3A_25 = tpu.memref_slice %arg8[%dma_start3A_22, %dma_start3A_23, %dma_start3A_24] : memref<4x200x112xf32, #tpu.memory_space<vmem>> -> memref<1x200x112xf32, #tpu.memory_space<vmem>>
    %dma_start3A_26 = tpu.memref_squeeze %dma_start3A_25 : memref<1x200x112xf32, #tpu.memory_space<vmem>> -> memref<200x112xf32, #tpu.memory_space<vmem>>
    %dma_start3A_27 = arith.constant 0 : i32
    %dma_start3A_28 = tpu.memref_slice %arg2[%add3A_21, %dma_start3A_27] : memref<102400x112xf32, #tpu.memory_space<hbm>> -> memref<200x112xf32, #tpu.memory_space<hbm>>
    %dma_start3A_29 = arith.constant 0 : i32
    %dma_start3A_30 = arith.constant 0 : i32
    %dma_start3A_31 = tpu.memref_slice %arg8[%dma_start3A_22, %dma_start3A_29, %dma_start3A_30] : memref<4x200x112xf32, #tpu.memory_space<vmem>> -> memref<1x200x112xf32, #tpu.memory_space<vmem>>
    %dma_start3A_32 = tpu.memref_squeeze %dma_start3A_31 : memref<1x200x112xf32, #tpu.memory_space<vmem>> -> memref<200x112xf32, #tpu.memory_space<vmem>>
    %dma_start3A_33 = arith.constant 0 : i32
    %dma_start3A_34 = tpu.memref_slice %arg2[%add3A_21, %dma_start3A_33] : memref<102400x112xf32, #tpu.memory_space<hbm>> -> memref<200x112xf32, #tpu.memory_space<hbm>>
    tpu.enqueue_dma source(%dma_start3A_34 : memref<200x112xf32, #tpu.memory_space<hbm>>) target(%dma_start3A_32 : memref<200x112xf32, #tpu.memory_space<vmem>>) target_semaphore(%arg11 : memref<!tpu.dma_semaphore, #tpu.memory_space<semaphore_mem>>)
    %add3A_35 = arith.constant 400 : i32
    %add3A_36 = arith.addi %mul3A_5, %add3A_35 : i32
    %dma_start3A_37 = arith.constant 2 : i32
    %dma_start3A_38 = arith.constant 0 : i32
    %dma_start3A_39 = arith.constant 0 : i32
    %dma_start3A_40 = tpu.memref_slice %arg8[%dma_start3A_37, %dma_start3A_38, %dma_start3A_39] : memref<4x200x112xf32, #tpu.memory_space<vmem>> -> memref<1x200x112xf32, #tpu.memory_space<vmem>>
    %dma_start3A_41 = tpu.memref_squeeze %dma_start3A_40 : memref<1x200x112xf32, #tpu.memory_space<vmem>> -> memref<200x112xf32, #tpu.memory_space<vmem>>
    %dma_start3A_42 = arith.constant 0 : i32
    %dma_start3A_43 = tpu.memref_slice %arg2[%add3A_36, %dma_start3A_42] : memref<102400x112xf32, #tpu.memory_space<hbm>> -> memref<200x112xf32, #tpu.memory_space<hbm>>
    %dma_start3A_44 = arith.constant 0 : i32
    %dma_start3A_45 = arith.constant 0 : i32
    %dma_start3A_46 = tpu.memref_slice %arg8[%dma_start3A_37, %dma_start3A_44, %dma_start3A_45] : memref<4x200x112xf32, #tpu.memory_space<vmem>> -> memref<1x200x112xf32, #tpu.memory_space<vmem>>
    %dma_start3A_47 = tpu.memref_squeeze %dma_start3A_46 : memref<1x200x112xf32, #tpu.memory_space<vmem>> -> memref<200x112xf32, #tpu.memory_space<vmem>>
    %dma_start3A_48 = arith.constant 0 : i32
    %dma_start3A_49 = tpu.memref_slice %arg2[%add3A_36, %dma_start3A_48] : memref<102400x112xf32, #tpu.memory_space<hbm>> -> memref<200x112xf32, #tpu.memory_space<hbm>>
    tpu.enqueue_dma source(%dma_start3A_49 : memref<200x112xf32, #tpu.memory_space<hbm>>) target(%dma_start3A_47 : memref<200x112xf32, #tpu.memory_space<vmem>>) target_semaphore(%arg12 : memref<!tpu.dma_semaphore, #tpu.memory_space<semaphore_mem>>)
    %add3A_50 = arith.constant 600 : i32
    %add3A_51 = arith.addi %mul3A_5, %add3A_50 : i32
    %dma_start3A_52 = arith.constant 3 : i32
    %dma_start3A_53 = arith.constant 0 : i32
    %dma_start3A_54 = arith.constant 0 : i32
    %dma_start3A_55 = tpu.memref_slice %arg8[%dma_start3A_52, %dma_start3A_53, %dma_start3A_54] : memref<4x200x112xf32, #tpu.memory_space<vmem>> -> memref<1x200x112xf32, #tpu.memory_space<vmem>>
    %dma_start3A_56 = tpu.memref_squeeze %dma_start3A_55 : memref<1x200x112xf32, #tpu.memory_space<vmem>> -> memref<200x112xf32, #tpu.memory_space<vmem>>
    %dma_start3A_57 = arith.constant 0 : i32
    %dma_start3A_58 = tpu.memref_slice %arg2[%add3A_51, %dma_start3A_57] : memref<102400x112xf32, #tpu.memory_space<hbm>> -> memref<200x112xf32, #tpu.memory_space<hbm>>
    %dma_start3A_59 = arith.constant 0 : i32
    %dma_start3A_60 = arith.constant 0 : i32
    %dma_start3A_61 = tpu.memref_slice %arg8[%dma_start3A_52, %dma_start3A_59, %dma_start3A_60] : memref<4x200x112xf32, #tpu.memory_space<vmem>> -> memref<1x200x112xf32, #tpu.memory_space<vmem>>
    %dma_start3A_62 = tpu.memref_squeeze %dma_start3A_61 : memref<1x200x112xf32, #tpu.memory_space<vmem>> -> memref<200x112xf32, #tpu.memory_space<vmem>>
    %dma_start3A_63 = arith.constant 0 : i32
    %dma_start3A_64 = tpu.memref_slice %arg2[%add3A_51, %dma_start3A_63] : memref<102400x112xf32, #tpu.memory_space<hbm>> -> memref<200x112xf32, #tpu.memory_space<hbm>>
    tpu.enqueue_dma source(%dma_start3A_64 : memref<200x112xf32, #tpu.memory_space<hbm>>) target(%dma_start3A_62 : memref<200x112xf32, #tpu.memory_space<vmem>>) target_semaphore(%arg13 : memref<!tpu.dma_semaphore, #tpu.memory_space<semaphore_mem>>)
    %mul3A_65 = arith.constant 128 : i32
    %mul3A_66 = arith.muli %shift_right_logical3A_3, %mul3A_65 : i32
    "tpu.region"() ({
      %run_scoped3A = tpu.sem_alloc : memref<!tpu.dma_semaphore, #tpu.memory_space<semaphore_mem>>
      %dma_start3A_76 = tpu.memref_slice %arg3[%mul3A_66] : memref<8192xi32, #tpu.memory_space<hbm>> -> memref<256xi32, #tpu.memory_space<hbm>>
      %dma_start3A_77 = tpu.memref_slice %arg3[%mul3A_66] : memref<8192xi32, #tpu.memory_space<hbm>> -> memref<256xi32, #tpu.memory_space<hbm>>
      tpu.enqueue_dma source(%dma_start3A_77 : memref<256xi32, #tpu.memory_space<hbm>>) target(%arg5 : memref<256xi32, #tpu.memory_space<vmem>>) target_semaphore(%run_scoped3A : memref<!tpu.dma_semaphore, #tpu.memory_space<semaphore_mem>>)
      %dma_wait3A = tpu.memref_slice %arg3[%mul3A_66] : memref<8192xi32, #tpu.memory_space<hbm>> -> memref<256xi32, #tpu.memory_space<hbm>>
      %dma_wait3A_78 = tpu.memref_slice %arg3[%mul3A_66] : memref<8192xi32, #tpu.memory_space<hbm>> -> memref<256xi32, #tpu.memory_space<hbm>>
      tpu.wait_dma2 semaphore(%run_scoped3A : memref<!tpu.dma_semaphore, #tpu.memory_space<semaphore_mem>>) src(%dma_wait3A_78 : memref<256xi32, #tpu.memory_space<hbm>>) dst(%arg5 : memref<256xi32, #tpu.memory_space<vmem>>)
      tpu.yield
    }) : () -> ()
    %scan3A = arith.constant 0 : i32
    %scan3A_67 = arith.constant 16 : i32
    %scan3A_68 = arith.addi %scan3A, %scan3A_67 : i32
    %scan3A_69 = arith.constant 1 : i32
    scf.for %scan3A_76 = %scan3A to %scan3A_68 step %scan3A_69  : i32 {
      %mul3A_77 = arith.constant 1 : i32
      %mul3A_78 = arith.muli %scan3A_76, %mul3A_77 : i32
      %add3A_79 = arith.constant 0 : i32
      %add3A_80 = arith.addi %add3A_79, %mul3A_78 : i32
      %mul3A_81 = arith.constant 16 : i32
      %mul3A_82 = arith.muli %add3A_80, %mul3A_81 : i32
      %multiple_of3A = tpu.assume_multiple %mul3A_82, 16 : i32
      %get3A = arith.index_cast %multiple_of3A : i32 to index
      %get3A_83 = tpu.vector_load %arg5[%get3A] {strides = array<i32>} : memref<256xi32, #tpu.memory_space<vmem>>, vector<16xi32>,
      %mul3A_84 = arith.constant 5243 : i32
      %mul3A_85 = vector.broadcast %mul3A_84 : i32 to vector<16xi32>
      %mul3A_86 = arith.muli %get3A_83, %mul3A_85 : vector<16xi32>
      %shift_right_logical3A_87 = arith.constant 20 : i32
      %shift_right_logical3A_88 = vector.broadcast %shift_right_logical3A_87 : i32 to vector<16xi32>
      %shift_right_logical3A_89 = arith.shrui %mul3A_86, %shift_right_logical3A_88 : vector<16xi32>
      %swap3A = arith.index_cast %multiple_of3A : i32 to index
      %swap3A_90 = tpu.vector_load %arg7[%swap3A] {strides = array<i32>} : memref<256xi32, #tpu.memory_space<vmem>>, vector<16xi32>,
      tpu.vector_store %arg7[%swap3A], %shift_right_logical3A_89 {strides = array<i32>} : memref<256xi32, #tpu.memory_space<vmem>>, vector<16xi32>,
      %mul3A_91 = arith.constant 200 : i32
      %mul3A_92 = vector.broadcast %mul3A_91 : i32 to vector<16xi32>
      %mul3A_93 = arith.muli %shift_right_logical3A_89, %mul3A_92 : vector<16xi32>
      %sub3A = arith.subi %get3A_83, %mul3A_93 : vector<16xi32>
      %swap3A_94 = arith.index_cast %multiple_of3A : i32 to index
      %swap3A_95 = tpu.vector_load %arg6[%swap3A_94] {strides = array<i32>} : memref<256xi32, #tpu.memory_space<vmem>>, vector<16xi32>,
      tpu.vector_store %arg6[%swap3A_94], %sub3A {strides = array<i32>} : memref<256xi32, #tpu.memory_space<vmem>>, vector<16xi32>,
    }
    %scan3A_70 = arith.constant 16 : i32
    %scan3A_71 = arith.constant 0 : i32
    %scan3A_72 = arith.constant 2 : i32
    %scan3A_73 = arith.addi %scan3A_71, %scan3A_72 : i32
    %scan3A_74 = arith.constant 1 : i32
    scf.for %scan3A_76 = %scan3A_71 to %scan3A_73 step %scan3A_74  : i32 {
      %mul3A_77 = arith.constant 4 : i32
      %mul3A_78 = arith.muli %scan3A_76, %mul3A_77 : i32
      %add3A_79 = arith.constant 0 : i32
      %add3A_80 = arith.addi %add3A_79, %mul3A_78 : i32
      %add3A_81 = arith.constant 0 : i32
      %add3A_82 = arith.addi %add3A_80, %add3A_81 : i32
      %dma_wait3A = arith.constant 0 : i32
      %dma_wait3A_83 = arith.constant 0 : i32
      %dma_wait3A_84 = arith.constant 0 : i32
      %dma_wait3A_85 = tpu.memref_slice %arg8[%dma_wait3A, %dma_wait3A_83, %dma_wait3A_84] : memref<4x200x112xf32, #tpu.memory_space<vmem>> -> memref<1x200x112xf32, #tpu.memory_space<vmem>>
      %dma_wait3A_86 = tpu.memref_squeeze %dma_wait3A_85 : memref<1x200x112xf32, #tpu.memory_space<vmem>> -> memref<200x112xf32, #tpu.memory_space<vmem>>
      %dma_wait3A_87 = arith.constant 0 : i32
      %dma_wait3A_88 = tpu.memref_slice %arg2[%mul3A_5, %dma_wait3A_87] : memref<102400x112xf32, #tpu.memory_space<hbm>> -> memref<200x112xf32, #tpu.memory_space<hbm>>
      %dma_wait3A_89 = arith.constant 0 : i32
      %dma_wait3A_90 = arith.constant 0 : i32
      %dma_wait3A_91 = tpu.memref_slice %arg8[%dma_wait3A, %dma_wait3A_89, %dma_wait3A_90] : memref<4x200x112xf32, #tpu.memory_space<vmem>> -> memref<1x200x112xf32, #tpu.memory_space<vmem>>
      %dma_wait3A_92 = tpu.memref_squeeze %dma_wait3A_91 : memref<1x200x112xf32, #tpu.memory_space<vmem>> -> memref<200x112xf32, #tpu.memory_space<vmem>>
      %dma_wait3A_93 = arith.constant 0 : i32
      %dma_wait3A_94 = tpu.memref_slice %arg2[%mul3A_5, %dma_wait3A_93] : memref<102400x112xf32, #tpu.memory_space<hbm>> -> memref<200x112xf32, #tpu.memory_space<hbm>>
      tpu.wait_dma2 semaphore(%arg10 : memref<!tpu.dma_semaphore, #tpu.memory_space<semaphore_mem>>) src(%dma_wait3A_94 : memref<200x112xf32, #tpu.memory_space<hbm>>) dst(%dma_wait3A_92 : memref<200x112xf32, #tpu.memory_space<vmem>>)
      %add3A_95 = arith.addi %mul3A_2, %add3A_82 : i32
      %shift_right_logical3A_96 = arith.constant 3 : i32
      %shift_right_logical3A_97 = arith.shrui %add3A_95, %shift_right_logical3A_96 : i32
      %sub3A = arith.subi %shift_right_logical3A_97, %shift_right_logical3A_3 : i32
      %mul3A_98 = arith.constant 128 : i32
      %mul3A_99 = arith.muli %sub3A, %mul3A_98 : i32
      %add3A_100 = arith.constant 0 : i32
      %add3A_101 = arith.addi %mul3A_99, %add3A_100 : i32
      %multiple_of3A = tpu.assume_multiple %add3A_101, 16 : i32
      %get3A = arith.index_cast %multiple_of3A : i32 to index
      %get3A_102 = tpu.vector_load %arg6[%get3A] {strides = array<i32>} : memref<256xi32, #tpu.memory_space<vmem>>, vector<16xi32>,
      %get3A_103 = arith.index_cast %multiple_of3A : i32 to index
      %get3A_104 = tpu.vector_load %arg7[%get3A_103] {strides = array<i32>} : memref<256xi32, #tpu.memory_space<vmem>>, vector<16xi32>,
      %gather3A = arith.constant 0 : i32
      %gather3A_105 = arith.constant 0 : i32
      %gather3A_106 = arith.constant 0 : i32
      %gather3A_107 = tpu.memref_slice %arg8[%gather3A, %gather3A_105, %gather3A_106] : memref<4x200x112xf32, #tpu.memory_space<vmem>> -> memref<1x200x112xf32, #tpu.memory_space<vmem>>
      %gather3A_108 = tpu.memref_squeeze %gather3A_107 : memref<1x200x112xf32, #tpu.memory_space<vmem>> -> memref<200x112xf32, #tpu.memory_space<vmem>>
      %gather3A_109 = tpu.vector_load_idx %gather3A_108[%get3A_102, %get3A_104] : memref<200x112xf32, #tpu.memory_space<vmem>>[vector<16xi32>, vector<16xi32>], vector<16xf32>,
      %mul3A_110 = arith.constant 128 : i32
      %mul3A_111 = arith.muli %add3A_82, %mul3A_110 : i32
      %add3A_112 = arith.constant 0 : i32
      %add3A_113 = arith.addi %mul3A_111, %add3A_112 : i32
      %multiple_of3A_114 = tpu.assume_multiple %add3A_113, 16 : i32
      %swap3A = arith.index_cast %multiple_of3A_114 : i32 to index
      %swap3A_115 = tpu.vector_load %arg9[%swap3A] {strides = array<i32>} : memref<1024xf32, #tpu.memory_space<vmem>>, vector<16xf32>,
      tpu.vector_store %arg9[%swap3A], %gather3A_109 {strides = array<i32>} : memref<1024xf32, #tpu.memory_space<vmem>>, vector<16xf32>,
      %add3A_116 = arith.constant 16 : i32
      %add3A_117 = arith.addi %mul3A_99, %add3A_116 : i32
      %multiple_of3A_118 = tpu.assume_multiple %add3A_117, 16 : i32
      %get3A_119 = arith.index_cast %multiple_of3A_118 : i32 to index
      %get3A_120 = tpu.vector_load %arg6[%get3A_119] {strides = array<i32>} : memref<256xi32, #tpu.memory_space<vmem>>, vector<16xi32>,
      %get3A_121 = arith.index_cast %multiple_of3A_118 : i32 to index
      %get3A_122 = tpu.vector_load %arg7[%get3A_121] {strides = array<i32>} : memref<256xi32, #tpu.memory_space<vmem>>, vector<16xi32>,
      %gather3A_123 = arith.constant 0 : i32
      %gather3A_124 = arith.constant 0 : i32
      %gather3A_125 = arith.constant 0 : i32
      %gather3A_126 = tpu.memref_slice %arg8[%gather3A_123, %gather3A_124, %gather3A_125] : memref<4x200x112xf32, #tpu.memory_space<vmem>> -> memref<1x200x112xf32, #tpu.memory_space<vmem>>
      %gather3A_127 = tpu.memref_squeeze %gather3A_126 : memref<1x200x112xf32, #tpu.memory_space<vmem>> -> memref<200x112xf32, #tpu.memory_space<vmem>>
      %gather3A_128 = tpu.vector_load_idx %gather3A_127[%get3A_120, %get3A_122] : memref<200x112xf32, #tpu.memory_space<vmem>>[vector<16xi32>, vector<16xi32>], vector<16xf32>,
      %mul3A_129 = arith.constant 128 : i32
      %mul3A_130 = arith.muli %add3A_82, %mul3A_129 : i32
      %add3A_131 = arith.constant 16 : i32
      %add3A_132 = arith.addi %mul3A_130, %add3A_131 : i32
      %multiple_of3A_133 = tpu.assume_multiple %add3A_132, 16 : i32
      %swap3A_134 = arith.index_cast %multiple_of3A_133 : i32 to index
      %swap3A_135 = tpu.vector_load %arg9[%swap3A_134] {strides = array<i32>} : memref<1024xf32, #tpu.memory_space<vmem>>, vector<16xf32>,
      tpu.vector_store %arg9[%swap3A_134], %gather3A_128 {strides = array<i32>} : memref<1024xf32, #tpu.memory_space<vmem>>, vector<16xf32>,
      %add3A_136 = arith.constant 32 : i32
      %add3A_137 = arith.addi %mul3A_99, %add3A_136 : i32
      %multiple_of3A_138 = tpu.assume_multiple %add3A_137, 16 : i32
      %get3A_139 = arith.index_cast %multiple_of3A_138 : i32 to index
      %get3A_140 = tpu.vector_load %arg6[%get3A_139] {strides = array<i32>} : memref<256xi32, #tpu.memory_space<vmem>>, vector<16xi32>,
      %get3A_141 = arith.index_cast %multiple_of3A_138 : i32 to index
      %get3A_142 = tpu.vector_load %arg7[%get3A_141] {strides = array<i32>} : memref<256xi32, #tpu.memory_space<vmem>>, vector<16xi32>,
      %gather3A_143 = arith.constant 0 : i32
      %gather3A_144 = arith.constant 0 : i32
      %gather3A_145 = arith.constant 0 : i32
      %gather3A_146 = tpu.memref_slice %arg8[%gather3A_143, %gather3A_144, %gather3A_145] : memref<4x200x112xf32, #tpu.memory_space<vmem>> -> memref<1x200x112xf32, #tpu.memory_space<vmem>>
      %gather3A_147 = tpu.memref_squeeze %gather3A_146 : memref<1x200x112xf32, #tpu.memory_space<vmem>> -> memref<200x112xf32, #tpu.memory_space<vmem>>
      %gather3A_148 = tpu.vector_load_idx %gather3A_147[%get3A_140, %get3A_142] : memref<200x112xf32, #tpu.memory_space<vmem>>[vector<16xi32>, vector<16xi32>], vector<16xf32>,
      %mul3A_149 = arith.constant 128 : i32
      %mul3A_150 = arith.muli %add3A_82, %mul3A_149 : i32
      %add3A_151 = arith.constant 32 : i32
      %add3A_152 = arith.addi %mul3A_150, %add3A_151 : i32
      %multiple_of3A_153 = tpu.assume_multiple %add3A_152, 16 : i32
      %swap3A_154 = arith.index_cast %multiple_of3A_153 : i32 to index
      %swap3A_155 = tpu.vector_load %arg9[%swap3A_154] {strides = array<i32>} : memref<1024xf32, #tpu.memory_space<vmem>>, vector<16xf32>,
      tpu.vector_store %arg9[%swap3A_154], %gather3A_148 {strides = array<i32>} : memref<1024xf32, #tpu.memory_space<vmem>>, vector<16xf32>,
      %add3A_156 = arith.constant 48 : i32
      %add3A_157 = arith.addi %mul3A_99, %add3A_156 : i32
      %multiple_of3A_158 = tpu.assume_multiple %add3A_157, 16 : i32
      %get3A_159 = arith.index_cast %multiple_of3A_158 : i32 to index
      %get3A_160 = tpu.vector_load %arg6[%get3A_159] {strides = array<i32>} : memref<256xi32, #tpu.memory_space<vmem>>, vector<16xi32>,
      %get3A_161 = arith.index_cast %multiple_of3A_158 : i32 to index
      %get3A_162 = tpu.vector_load %arg7[%get3A_161] {strides = array<i32>} : memref<256xi32, #tpu.memory_space<vmem>>, vector<16xi32>,
      %gather3A_163 = arith.constant 0 : i32
      %gather3A_164 = arith.constant 0 : i32
      %gather3A_165 = arith.constant 0 : i32
      %gather3A_166 = tpu.memref_slice %arg8[%gather3A_163, %gather3A_164, %gather3A_165] : memref<4x200x112xf32, #tpu.memory_space<vmem>> -> memref<1x200x112xf32, #tpu.memory_space<vmem>>
      %gather3A_167 = tpu.memref_squeeze %gather3A_166 : memref<1x200x112xf32, #tpu.memory_space<vmem>> -> memref<200x112xf32, #tpu.memory_space<vmem>>
      %gather3A_168 = tpu.vector_load_idx %gather3A_167[%get3A_160, %get3A_162] : memref<200x112xf32, #tpu.memory_space<vmem>>[vector<16xi32>, vector<16xi32>], vector<16xf32>,
      %mul3A_169 = arith.constant 128 : i32
      %mul3A_170 = arith.muli %add3A_82, %mul3A_169 : i32
      %add3A_171 = arith.constant 48 : i32
      %add3A_172 = arith.addi %mul3A_170, %add3A_171 : i32
      %multiple_of3A_173 = tpu.assume_multiple %add3A_172, 16 : i32
      %swap3A_174 = arith.index_cast %multiple_of3A_173 : i32 to index
      %swap3A_175 = tpu.vector_load %arg9[%swap3A_174] {strides = array<i32>} : memref<1024xf32, #tpu.memory_space<vmem>>, vector<16xf32>,
      tpu.vector_store %arg9[%swap3A_174], %gather3A_168 {strides = array<i32>} : memref<1024xf32, #tpu.memory_space<vmem>>, vector<16xf32>,
      %add3A_176 = arith.constant 64 : i32
      %add3A_177 = arith.addi %mul3A_99, %add3A_176 : i32
      %multiple_of3A_178 = tpu.assume_multiple %add3A_177, 16 : i32
      %get3A_179 = arith.index_cast %multiple_of3A_178 : i32 to index
      %get3A_180 = tpu.vector_load %arg6[%get3A_179] {strides = array<i32>} : memref<256xi32, #tpu.memory_space<vmem>>, vector<16xi32>,
      %get3A_181 = arith.index_cast %multiple_of3A_178 : i32 to index
      %get3A_182 = tpu.vector_load %arg7[%get3A_181] {strides = array<i32>} : memref<256xi32, #tpu.memory_space<vmem>>, vector<16xi32>,
      %gather3A_183 = arith.constant 0 : i32
      %gather3A_184 = arith.constant 0 : i32
      %gather3A_185 = arith.constant 0 : i32
      %gather3A_186 = tpu.memref_slice %arg8[%gather3A_183, %gather3A_184, %gather3A_185] : memref<4x200x112xf32, #tpu.memory_space<vmem>> -> memref<1x200x112xf32, #tpu.memory_space<vmem>>
      %gather3A_187 = tpu.memref_squeeze %gather3A_186 : memref<1x200x112xf32, #tpu.memory_space<vmem>> -> memref<200x112xf32, #tpu.memory_space<vmem>>
      %gather3A_188 = tpu.vector_load_idx %gather3A_187[%get3A_180, %get3A_182] : memref<200x112xf32, #tpu.memory_space<vmem>>[vector<16xi32>, vector<16xi32>], vector<16xf32>,
      %mul3A_189 = arith.constant 128 : i32
      %mul3A_190 = arith.muli %add3A_82, %mul3A_189 : i32
      %add3A_191 = arith.constant 64 : i32
      %add3A_192 = arith.addi %mul3A_190, %add3A_191 : i32
      %multiple_of3A_193 = tpu.assume_multiple %add3A_192, 16 : i32
      %swap3A_194 = arith.index_cast %multiple_of3A_193 : i32 to index
      %swap3A_195 = tpu.vector_load %arg9[%swap3A_194] {strides = array<i32>} : memref<1024xf32, #tpu.memory_space<vmem>>, vector<16xf32>,
      tpu.vector_store %arg9[%swap3A_194], %gather3A_188 {strides = array<i32>} : memref<1024xf32, #tpu.memory_space<vmem>>, vector<16xf32>,
      %add3A_196 = arith.constant 80 : i32
      %add3A_197 = arith.addi %mul3A_99, %add3A_196 : i32
      %multiple_of3A_198 = tpu.assume_multiple %add3A_197, 16 : i32
      %get3A_199 = arith.index_cast %multiple_of3A_198 : i32 to index
      %get3A_200 = tpu.vector_load %arg6[%get3A_199] {strides = array<i32>} : memref<256xi32, #tpu.memory_space<vmem>>, vector<16xi32>,
      %get3A_201 = arith.index_cast %multiple_of3A_198 : i32 to index
      %get3A_202 = tpu.vector_load %arg7[%get3A_201] {strides = array<i32>} : memref<256xi32, #tpu.memory_space<vmem>>, vector<16xi32>,
      %gather3A_203 = arith.constant 0 : i32
      %gather3A_204 = arith.constant 0 : i32
      %gather3A_205 = arith.constant 0 : i32
      %gather3A_206 = tpu.memref_slice %arg8[%gather3A_203, %gather3A_204, %gather3A_205] : memref<4x200x112xf32, #tpu.memory_space<vmem>> -> memref<1x200x112xf32, #tpu.memory_space<vmem>>
      %gather3A_207 = tpu.memref_squeeze %gather3A_206 : memref<1x200x112xf32, #tpu.memory_space<vmem>> -> memref<200x112xf32, #tpu.memory_space<vmem>>
      %gather3A_208 = tpu.vector_load_idx %gather3A_207[%get3A_200, %get3A_202] : memref<200x112xf32, #tpu.memory_space<vmem>>[vector<16xi32>, vector<16xi32>], vector<16xf32>,
      %mul3A_209 = arith.constant 128 : i32
      %mul3A_210 = arith.muli %add3A_82, %mul3A_209 : i32
      %add3A_211 = arith.constant 80 : i32
      %add3A_212 = arith.addi %mul3A_210, %add3A_211 : i32
      %multiple_of3A_213 = tpu.assume_multiple %add3A_212, 16 : i32
      %swap3A_214 = arith.index_cast %multiple_of3A_213 : i32 to index
      %swap3A_215 = tpu.vector_load %arg9[%swap3A_214] {strides = array<i32>} : memref<1024xf32, #tpu.memory_space<vmem>>, vector<16xf32>,
      tpu.vector_store %arg9[%swap3A_214], %gather3A_208 {strides = array<i32>} : memref<1024xf32, #tpu.memory_space<vmem>>, vector<16xf32>,
      %add3A_216 = arith.constant 96 : i32
      %add3A_217 = arith.addi %mul3A_99, %add3A_216 : i32
      %multiple_of3A_218 = tpu.assume_multiple %add3A_217, 16 : i32
      %get3A_219 = arith.index_cast %multiple_of3A_218 : i32 to index
      %get3A_220 = tpu.vector_load %arg6[%get3A_219] {strides = array<i32>} : memref<256xi32, #tpu.memory_space<vmem>>, vector<16xi32>,
      %get3A_221 = arith.index_cast %multiple_of3A_218 : i32 to index
      %get3A_222 = tpu.vector_load %arg7[%get3A_221] {strides = array<i32>} : memref<256xi32, #tpu.memory_space<vmem>>, vector<16xi32>,
      %gather3A_223 = arith.constant 0 : i32
      %gather3A_224 = arith.constant 0 : i32
      %gather3A_225 = arith.constant 0 : i32
      %gather3A_226 = tpu.memref_slice %arg8[%gather3A_223, %gather3A_224, %gather3A_225] : memref<4x200x112xf32, #tpu.memory_space<vmem>> -> memref<1x200x112xf32, #tpu.memory_space<vmem>>
      %gather3A_227 = tpu.memref_squeeze %gather3A_226 : memref<1x200x112xf32, #tpu.memory_space<vmem>> -> memref<200x112xf32, #tpu.memory_space<vmem>>
      %gather3A_228 = tpu.vector_load_idx %gather3A_227[%get3A_220, %get3A_222] : memref<200x112xf32, #tpu.memory_space<vmem>>[vector<16xi32>, vector<16xi32>], vector<16xf32>,
      %mul3A_229 = arith.constant 128 : i32
      %mul3A_230 = arith.muli %add3A_82, %mul3A_229 : i32
      %add3A_231 = arith.constant 96 : i32
      %add3A_232 = arith.addi %mul3A_230, %add3A_231 : i32
      %multiple_of3A_233 = tpu.assume_multiple %add3A_232, 16 : i32
      %swap3A_234 = arith.index_cast %multiple_of3A_233 : i32 to index
      %swap3A_235 = tpu.vector_load %arg9[%swap3A_234] {strides = array<i32>} : memref<1024xf32, #tpu.memory_space<vmem>>, vector<16xf32>,
      tpu.vector_store %arg9[%swap3A_234], %gather3A_228 {strides = array<i32>} : memref<1024xf32, #tpu.memory_space<vmem>>, vector<16xf32>,
      %add3A_236 = arith.constant 112 : i32
      %add3A_237 = arith.addi %mul3A_99, %add3A_236 : i32
      %multiple_of3A_238 = tpu.assume_multiple %add3A_237, 16 : i32
      %get3A_239 = arith.index_cast %multiple_of3A_238 : i32 to index
      %get3A_240 = tpu.vector_load %arg6[%get3A_239] {strides = array<i32>} : memref<256xi32, #tpu.memory_space<vmem>>, vector<16xi32>,
      %get3A_241 = arith.index_cast %multiple_of3A_238 : i32 to index
      %get3A_242 = tpu.vector_load %arg7[%get3A_241] {strides = array<i32>} : memref<256xi32, #tpu.memory_space<vmem>>, vector<16xi32>,
      %gather3A_243 = arith.constant 0 : i32
      %gather3A_244 = arith.constant 0 : i32
      %gather3A_245 = arith.constant 0 : i32
      %gather3A_246 = tpu.memref_slice %arg8[%gather3A_243, %gather3A_244, %gather3A_245] : memref<4x200x112xf32, #tpu.memory_space<vmem>> -> memref<1x200x112xf32, #tpu.memory_space<vmem>>
      %gather3A_247 = tpu.memref_squeeze %gather3A_246 : memref<1x200x112xf32, #tpu.memory_space<vmem>> -> memref<200x112xf32, #tpu.memory_space<vmem>>
      %gather3A_248 = tpu.vector_load_idx %gather3A_247[%get3A_240, %get3A_242] : memref<200x112xf32, #tpu.memory_space<vmem>>[vector<16xi32>, vector<16xi32>], vector<16xf32>,
      %mul3A_249 = arith.constant 128 : i32
      %mul3A_250 = arith.muli %add3A_82, %mul3A_249 : i32
      %add3A_251 = arith.constant 112 : i32
      %add3A_252 = arith.addi %mul3A_250, %add3A_251 : i32
      %multiple_of3A_253 = tpu.assume_multiple %add3A_252, 16 : i32
      %swap3A_254 = arith.index_cast %multiple_of3A_253 : i32 to index
      %swap3A_255 = tpu.vector_load %arg9[%swap3A_254] {strides = array<i32>} : memref<1024xf32, #tpu.memory_space<vmem>>, vector<16xf32>,
      tpu.vector_store %arg9[%swap3A_254], %gather3A_248 {strides = array<i32>} : memref<1024xf32, #tpu.memory_space<vmem>>, vector<16xf32>,
      %add3A_256 = arith.constant 4 : i32
      %add3A_257 = arith.addi %add3A_82, %add3A_256 : i32
      %lt3A = arith.constant 8 : i32
      %lt3A_258 = arith.cmpi slt, %add3A_257, %lt3A : i32
      %convert_element_type3A = arith.extui %lt3A_258 : i1 to i32
      %cond3A = arith.constant 0 : i32
      %cond3A_259 = arith.cmpi ne, %convert_element_type3A, %cond3A : i32
      scf.if %cond3A_259 {
        %add3A_824 = arith.constant 4 : i32
        %add3A_825 = arith.addi %add3A_82, %add3A_824 : i32
        %mul3A_826 = arith.constant 200 : i32
        %mul3A_827 = arith.muli %add3A_825, %mul3A_826 : i32
        %add3A_828 = arith.addi %mul3A_5, %mul3A_827 : i32
        %dma_start3A_829 = arith.constant 0 : i32
        %dma_start3A_830 = arith.constant 0 : i32
        %dma_start3A_831 = arith.constant 0 : i32
        %dma_start3A_832 = tpu.memref_slice %arg8[%dma_start3A_829, %dma_start3A_830, %dma_start3A_831] : memref<4x200x112xf32, #tpu.memory_space<vmem>> -> memref<1x200x112xf32, #tpu.memory_space<vmem>>
        %dma_start3A_833 = tpu.memref_squeeze %dma_start3A_832 : memref<1x200x112xf32, #tpu.memory_space<vmem>> -> memref<200x112xf32, #tpu.memory_space<vmem>>
        %dma_start3A_834 = arith.constant 0 : i32
        %dma_start3A_835 = tpu.memref_slice %arg2[%add3A_828, %dma_start3A_834] : memref<102400x112xf32, #tpu.memory_space<hbm>> -> memref<200x112xf32, #tpu.memory_space<hbm>>
        %dma_start3A_836 = arith.constant 0 : i32
        %dma_start3A_837 = arith.constant 0 : i32
        %dma_start3A_838 = tpu.memref_slice %arg8[%dma_start3A_829, %dma_start3A_836, %dma_start3A_837] : memref<4x200x112xf32, #tpu.memory_space<vmem>> -> memref<1x200x112xf32, #tpu.memory_space<vmem>>
        %dma_start3A_839 = tpu.memref_squeeze %dma_start3A_838 : memref<1x200x112xf32, #tpu.memory_space<vmem>> -> memref<200x112xf32, #tpu.memory_space<vmem>>
        %dma_start3A_840 = arith.constant 0 : i32
        %dma_start3A_841 = tpu.memref_slice %arg2[%add3A_828, %dma_start3A_840] : memref<102400x112xf32, #tpu.memory_space<hbm>> -> memref<200x112xf32, #tpu.memory_space<hbm>>
        tpu.enqueue_dma source(%dma_start3A_841 : memref<200x112xf32, #tpu.memory_space<hbm>>) target(%dma_start3A_839 : memref<200x112xf32, #tpu.memory_space<vmem>>) target_semaphore(%arg10 : memref<!tpu.dma_semaphore, #tpu.memory_space<semaphore_mem>>)
      } else {
      }
      %add3A_260 = arith.constant 1 : i32
      %add3A_261 = arith.addi %add3A_80, %add3A_260 : i32
      %dma_wait3A_262 = arith.constant 1 : i32
      %dma_wait3A_263 = arith.constant 0 : i32
      %dma_wait3A_264 = arith.constant 0 : i32
      %dma_wait3A_265 = tpu.memref_slice %arg8[%dma_wait3A_262, %dma_wait3A_263, %dma_wait3A_264] : memref<4x200x112xf32, #tpu.memory_space<vmem>> -> memref<1x200x112xf32, #tpu.memory_space<vmem>>
      %dma_wait3A_266 = tpu.memref_squeeze %dma_wait3A_265 : memref<1x200x112xf32, #tpu.memory_space<vmem>> -> memref<200x112xf32, #tpu.memory_space<vmem>>
      %dma_wait3A_267 = arith.constant 0 : i32
      %dma_wait3A_268 = tpu.memref_slice %arg2[%mul3A_5, %dma_wait3A_267] : memref<102400x112xf32, #tpu.memory_space<hbm>> -> memref<200x112xf32, #tpu.memory_space<hbm>>
      %dma_wait3A_269 = arith.constant 0 : i32
      %dma_wait3A_270 = arith.constant 0 : i32
      %dma_wait3A_271 = tpu.memref_slice %arg8[%dma_wait3A_262, %dma_wait3A_269, %dma_wait3A_270] : memref<4x200x112xf32, #tpu.memory_space<vmem>> -> memref<1x200x112xf32, #tpu.memory_space<vmem>>
      %dma_wait3A_272 = tpu.memref_squeeze %dma_wait3A_271 : memref<1x200x112xf32, #tpu.memory_space<vmem>> -> memref<200x112xf32, #tpu.memory_space<vmem>>
      %dma_wait3A_273 = arith.constant 0 : i32
      %dma_wait3A_274 = tpu.memref_slice %arg2[%mul3A_5, %dma_wait3A_273] : memref<102400x112xf32, #tpu.memory_space<hbm>> -> memref<200x112xf32, #tpu.memory_space<hbm>>
      tpu.wait_dma2 semaphore(%arg11 : memref<!tpu.dma_semaphore, #tpu.memory_space<semaphore_mem>>) src(%dma_wait3A_274 : memref<200x112xf32, #tpu.memory_space<hbm>>) dst(%dma_wait3A_272 : memref<200x112xf32, #tpu.memory_space<vmem>>)
      %add3A_275 = arith.addi %mul3A_2, %add3A_261 : i32
      %shift_right_logical3A_276 = arith.constant 3 : i32
      %shift_right_logical3A_277 = arith.shrui %add3A_275, %shift_right_logical3A_276 : i32
      %sub3A_278 = arith.subi %shift_right_logical3A_277, %shift_right_logical3A_3 : i32
      %mul3A_279 = arith.constant 128 : i32
      %mul3A_280 = arith.muli %sub3A_278, %mul3A_279 : i32
      %add3A_281 = arith.constant 0 : i32
      %add3A_282 = arith.addi %mul3A_280, %add3A_281 : i32
      %multiple_of3A_283 = tpu.assume_multiple %add3A_282, 16 : i32
      %get3A_284 = arith.index_cast %multiple_of3A_283 : i32 to index
      %get3A_285 = tpu.vector_load %arg6[%get3A_284] {strides = array<i32>} : memref<256xi32, #tpu.memory_space<vmem>>, vector<16xi32>,
      %get3A_286 = arith.index_cast %multiple_of3A_283 : i32 to index
      %get3A_287 = tpu.vector_load %arg7[%get3A_286] {strides = array<i32>} : memref<256xi32, #tpu.memory_space<vmem>>, vector<16xi32>,
      %gather3A_288 = arith.constant 1 : i32
      %gather3A_289 = arith.constant 0 : i32
      %gather3A_290 = arith.constant 0 : i32
      %gather3A_291 = tpu.memref_slice %arg8[%gather3A_288, %gather3A_289, %gather3A_290] : memref<4x200x112xf32, #tpu.memory_space<vmem>> -> memref<1x200x112xf32, #tpu.memory_space<vmem>>
      %gather3A_292 = tpu.memref_squeeze %gather3A_291 : memref<1x200x112xf32, #tpu.memory_space<vmem>> -> memref<200x112xf32, #tpu.memory_space<vmem>>
      %gather3A_293 = tpu.vector_load_idx %gather3A_292[%get3A_285, %get3A_287] : memref<200x112xf32, #tpu.memory_space<vmem>>[vector<16xi32>, vector<16xi32>], vector<16xf32>,
      %mul3A_294 = arith.constant 128 : i32
      %mul3A_295 = arith.muli %add3A_261, %mul3A_294 : i32
      %add3A_296 = arith.constant 0 : i32
      %add3A_297 = arith.addi %mul3A_295, %add3A_296 : i32
      %multiple_of3A_298 = tpu.assume_multiple %add3A_297, 16 : i32
      %swap3A_299 = arith.index_cast %multiple_of3A_298 : i32 to index
      %swap3A_300 = tpu.vector_load %arg9[%swap3A_299] {strides = array<i32>} : memref<1024xf32, #tpu.memory_space<vmem>>, vector<16xf32>,
      tpu.vector_store %arg9[%swap3A_299], %gather3A_293 {strides = array<i32>} : memref<1024xf32, #tpu.memory_space<vmem>>, vector<16xf32>,
      %add3A_301 = arith.constant 16 : i32
      %add3A_302 = arith.addi %mul3A_280, %add3A_301 : i32
      %multiple_of3A_303 = tpu.assume_multiple %add3A_302, 16 : i32
      %get3A_304 = arith.index_cast %multiple_of3A_303 : i32 to index
      %get3A_305 = tpu.vector_load %arg6[%get3A_304] {strides = array<i32>} : memref<256xi32, #tpu.memory_space<vmem>>, vector<16xi32>,
      %get3A_306 = arith.index_cast %multiple_of3A_303 : i32 to index
      %get3A_307 = tpu.vector_load %arg7[%get3A_306] {strides = array<i32>} : memref<256xi32, #tpu.memory_space<vmem>>, vector<16xi32>,
      %gather3A_308 = arith.constant 1 : i32
      %gather3A_309 = arith.constant 0 : i32
      %gather3A_310 = arith.constant 0 : i32
      %gather3A_311 = tpu.memref_slice %arg8[%gather3A_308, %gather3A_309, %gather3A_310] : memref<4x200x112xf32, #tpu.memory_space<vmem>> -> memref<1x200x112xf32, #tpu.memory_space<vmem>>
      %gather3A_312 = tpu.memref_squeeze %gather3A_311 : memref<1x200x112xf32, #tpu.memory_space<vmem>> -> memref<200x112xf32, #tpu.memory_space<vmem>>
      %gather3A_313 = tpu.vector_load_idx %gather3A_312[%get3A_305, %get3A_307] : memref<200x112xf32, #tpu.memory_space<vmem>>[vector<16xi32>, vector<16xi32>], vector<16xf32>,
      %mul3A_314 = arith.constant 128 : i32
      %mul3A_315 = arith.muli %add3A_261, %mul3A_314 : i32
      %add3A_316 = arith.constant 16 : i32
      %add3A_317 = arith.addi %mul3A_315, %add3A_316 : i32
      %multiple_of3A_318 = tpu.assume_multiple %add3A_317, 16 : i32
      %swap3A_319 = arith.index_cast %multiple_of3A_318 : i32 to index
      %swap3A_320 = tpu.vector_load %arg9[%swap3A_319] {strides = array<i32>} : memref<1024xf32, #tpu.memory_space<vmem>>, vector<16xf32>,
      tpu.vector_store %arg9[%swap3A_319], %gather3A_313 {strides = array<i32>} : memref<1024xf32, #tpu.memory_space<vmem>>, vector<16xf32>,
      %add3A_321 = arith.constant 32 : i32
      %add3A_322 = arith.addi %mul3A_280, %add3A_321 : i32
      %multiple_of3A_323 = tpu.assume_multiple %add3A_322, 16 : i32
      %get3A_324 = arith.index_cast %multiple_of3A_323 : i32 to index
      %get3A_325 = tpu.vector_load %arg6[%get3A_324] {strides = array<i32>} : memref<256xi32, #tpu.memory_space<vmem>>, vector<16xi32>,
      %get3A_326 = arith.index_cast %multiple_of3A_323 : i32 to index
      %get3A_327 = tpu.vector_load %arg7[%get3A_326] {strides = array<i32>} : memref<256xi32, #tpu.memory_space<vmem>>, vector<16xi32>,
      %gather3A_328 = arith.constant 1 : i32
      %gather3A_329 = arith.constant 0 : i32
      %gather3A_330 = arith.constant 0 : i32
      %gather3A_331 = tpu.memref_slice %arg8[%gather3A_328, %gather3A_329, %gather3A_330] : memref<4x200x112xf32, #tpu.memory_space<vmem>> -> memref<1x200x112xf32, #tpu.memory_space<vmem>>
      %gather3A_332 = tpu.memref_squeeze %gather3A_331 : memref<1x200x112xf32, #tpu.memory_space<vmem>> -> memref<200x112xf32, #tpu.memory_space<vmem>>
      %gather3A_333 = tpu.vector_load_idx %gather3A_332[%get3A_325, %get3A_327] : memref<200x112xf32, #tpu.memory_space<vmem>>[vector<16xi32>, vector<16xi32>], vector<16xf32>,
      %mul3A_334 = arith.constant 128 : i32
      %mul3A_335 = arith.muli %add3A_261, %mul3A_334 : i32
      %add3A_336 = arith.constant 32 : i32
      %add3A_337 = arith.addi %mul3A_335, %add3A_336 : i32
      %multiple_of3A_338 = tpu.assume_multiple %add3A_337, 16 : i32
      %swap3A_339 = arith.index_cast %multiple_of3A_338 : i32 to index
      %swap3A_340 = tpu.vector_load %arg9[%swap3A_339] {strides = array<i32>} : memref<1024xf32, #tpu.memory_space<vmem>>, vector<16xf32>,
      tpu.vector_store %arg9[%swap3A_339], %gather3A_333 {strides = array<i32>} : memref<1024xf32, #tpu.memory_space<vmem>>, vector<16xf32>,
      %add3A_341 = arith.constant 48 : i32
      %add3A_342 = arith.addi %mul3A_280, %add3A_341 : i32
      %multiple_of3A_343 = tpu.assume_multiple %add3A_342, 16 : i32
      %get3A_344 = arith.index_cast %multiple_of3A_343 : i32 to index
      %get3A_345 = tpu.vector_load %arg6[%get3A_344] {strides = array<i32>} : memref<256xi32, #tpu.memory_space<vmem>>, vector<16xi32>,
      %get3A_346 = arith.index_cast %multiple_of3A_343 : i32 to index
      %get3A_347 = tpu.vector_load %arg7[%get3A_346] {strides = array<i32>} : memref<256xi32, #tpu.memory_space<vmem>>, vector<16xi32>,
      %gather3A_348 = arith.constant 1 : i32
      %gather3A_349 = arith.constant 0 : i32
      %gather3A_350 = arith.constant 0 : i32
      %gather3A_351 = tpu.memref_slice %arg8[%gather3A_348, %gather3A_349, %gather3A_350] : memref<4x200x112xf32, #tpu.memory_space<vmem>> -> memref<1x200x112xf32, #tpu.memory_space<vmem>>
      %gather3A_352 = tpu.memref_squeeze %gather3A_351 : memref<1x200x112xf32, #tpu.memory_space<vmem>> -> memref<200x112xf32, #tpu.memory_space<vmem>>
      %gather3A_353 = tpu.vector_load_idx %gather3A_352[%get3A_345, %get3A_347] : memref<200x112xf32, #tpu.memory_space<vmem>>[vector<16xi32>, vector<16xi32>], vector<16xf32>,
      %mul3A_354 = arith.constant 128 : i32
      %mul3A_355 = arith.muli %add3A_261, %mul3A_354 : i32
      %add3A_356 = arith.constant 48 : i32
      %add3A_357 = arith.addi %mul3A_355, %add3A_356 : i32
      %multiple_of3A_358 = tpu.assume_multiple %add3A_357, 16 : i32
      %swap3A_359 = arith.index_cast %multiple_of3A_358 : i32 to index
      %swap3A_360 = tpu.vector_load %arg9[%swap3A_359] {strides = array<i32>} : memref<1024xf32, #tpu.memory_space<vmem>>, vector<16xf32>,
      tpu.vector_store %arg9[%swap3A_359], %gather3A_353 {strides = array<i32>} : memref<1024xf32, #tpu.memory_space<vmem>>, vector<16xf32>,
      %add3A_361 = arith.constant 64 : i32
      %add3A_362 = arith.addi %mul3A_280, %add3A_361 : i32
      %multiple_of3A_363 = tpu.assume_multiple %add3A_362, 16 : i32
      %get3A_364 = arith.index_cast %multiple_of3A_363 : i32 to index
      %get3A_365 = tpu.vector_load %arg6[%get3A_364] {strides = array<i32>} : memref<256xi32, #tpu.memory_space<vmem>>, vector<16xi32>,
      %get3A_366 = arith.index_cast %multiple_of3A_363 : i32 to index
      %get3A_367 = tpu.vector_load %arg7[%get3A_366] {strides = array<i32>} : memref<256xi32, #tpu.memory_space<vmem>>, vector<16xi32>,
      %gather3A_368 = arith.constant 1 : i32
      %gather3A_369 = arith.constant 0 : i32
      %gather3A_370 = arith.constant 0 : i32
      %gather3A_371 = tpu.memref_slice %arg8[%gather3A_368, %gather3A_369, %gather3A_370] : memref<4x200x112xf32, #tpu.memory_space<vmem>> -> memref<1x200x112xf32, #tpu.memory_space<vmem>>
      %gather3A_372 = tpu.memref_squeeze %gather3A_371 : memref<1x200x112xf32, #tpu.memory_space<vmem>> -> memref<200x112xf32, #tpu.memory_space<vmem>>
      %gather3A_373 = tpu.vector_load_idx %gather3A_372[%get3A_365, %get3A_367] : memref<200x112xf32, #tpu.memory_space<vmem>>[vector<16xi32>, vector<16xi32>], vector<16xf32>,
      %mul3A_374 = arith.constant 128 : i32
      %mul3A_375 = arith.muli %add3A_261, %mul3A_374 : i32
      %add3A_376 = arith.constant 64 : i32
      %add3A_377 = arith.addi %mul3A_375, %add3A_376 : i32
      %multiple_of3A_378 = tpu.assume_multiple %add3A_377, 16 : i32
      %swap3A_379 = arith.index_cast %multiple_of3A_378 : i32 to index
      %swap3A_380 = tpu.vector_load %arg9[%swap3A_379] {strides = array<i32>} : memref<1024xf32, #tpu.memory_space<vmem>>, vector<16xf32>,
      tpu.vector_store %arg9[%swap3A_379], %gather3A_373 {strides = array<i32>} : memref<1024xf32, #tpu.memory_space<vmem>>, vector<16xf32>,
      %add3A_381 = arith.constant 80 : i32
      %add3A_382 = arith.addi %mul3A_280, %add3A_381 : i32
      %multiple_of3A_383 = tpu.assume_multiple %add3A_382, 16 : i32
      %get3A_384 = arith.index_cast %multiple_of3A_383 : i32 to index
      %get3A_385 = tpu.vector_load %arg6[%get3A_384] {strides = array<i32>} : memref<256xi32, #tpu.memory_space<vmem>>, vector<16xi32>,
      %get3A_386 = arith.index_cast %multiple_of3A_383 : i32 to index
      %get3A_387 = tpu.vector_load %arg7[%get3A_386] {strides = array<i32>} : memref<256xi32, #tpu.memory_space<vmem>>, vector<16xi32>,
      %gather3A_388 = arith.constant 1 : i32
      %gather3A_389 = arith.constant 0 : i32
      %gather3A_390 = arith.constant 0 : i32
      %gather3A_391 = tpu.memref_slice %arg8[%gather3A_388, %gather3A_389, %gather3A_390] : memref<4x200x112xf32, #tpu.memory_space<vmem>> -> memref<1x200x112xf32, #tpu.memory_space<vmem>>
      %gather3A_392 = tpu.memref_squeeze %gather3A_391 : memref<1x200x112xf32, #tpu.memory_space<vmem>> -> memref<200x112xf32, #tpu.memory_space<vmem>>
      %gather3A_393 = tpu.vector_load_idx %gather3A_392[%get3A_385, %get3A_387] : memref<200x112xf32, #tpu.memory_space<vmem>>[vector<16xi32>, vector<16xi32>], vector<16xf32>,
      %mul3A_394 = arith.constant 128 : i32
      %mul3A_395 = arith.muli %add3A_261, %mul3A_394 : i32
      %add3A_396 = arith.constant 80 : i32
      %add3A_397 = arith.addi %mul3A_395, %add3A_396 : i32
      %multiple_of3A_398 = tpu.assume_multiple %add3A_397, 16 : i32
      %swap3A_399 = arith.index_cast %multiple_of3A_398 : i32 to index
      %swap3A_400 = tpu.vector_load %arg9[%swap3A_399] {strides = array<i32>} : memref<1024xf32, #tpu.memory_space<vmem>>, vector<16xf32>,
      tpu.vector_store %arg9[%swap3A_399], %gather3A_393 {strides = array<i32>} : memref<1024xf32, #tpu.memory_space<vmem>>, vector<16xf32>,
      %add3A_401 = arith.constant 96 : i32
      %add3A_402 = arith.addi %mul3A_280, %add3A_401 : i32
      %multiple_of3A_403 = tpu.assume_multiple %add3A_402, 16 : i32
      %get3A_404 = arith.index_cast %multiple_of3A_403 : i32 to index
      %get3A_405 = tpu.vector_load %arg6[%get3A_404] {strides = array<i32>} : memref<256xi32, #tpu.memory_space<vmem>>, vector<16xi32>,
      %get3A_406 = arith.index_cast %multiple_of3A_403 : i32 to index
      %get3A_407 = tpu.vector_load %arg7[%get3A_406] {strides = array<i32>} : memref<256xi32, #tpu.memory_space<vmem>>, vector<16xi32>,
      %gather3A_408 = arith.constant 1 : i32
      %gather3A_409 = arith.constant 0 : i32
      %gather3A_410 = arith.constant 0 : i32
      %gather3A_411 = tpu.memref_slice %arg8[%gather3A_408, %gather3A_409, %gather3A_410] : memref<4x200x112xf32, #tpu.memory_space<vmem>> -> memref<1x200x112xf32, #tpu.memory_space<vmem>>
      %gather3A_412 = tpu.memref_squeeze %gather3A_411 : memref<1x200x112xf32, #tpu.memory_space<vmem>> -> memref<200x112xf32, #tpu.memory_space<vmem>>
      %gather3A_413 = tpu.vector_load_idx %gather3A_412[%get3A_405, %get3A_407] : memref<200x112xf32, #tpu.memory_space<vmem>>[vector<16xi32>, vector<16xi32>], vector<16xf32>,
      %mul3A_414 = arith.constant 128 : i32
      %mul3A_415 = arith.muli %add3A_261, %mul3A_414 : i32
      %add3A_416 = arith.constant 96 : i32
      %add3A_417 = arith.addi %mul3A_415, %add3A_416 : i32
      %multiple_of3A_418 = tpu.assume_multiple %add3A_417, 16 : i32
      %swap3A_419 = arith.index_cast %multiple_of3A_418 : i32 to index
      %swap3A_420 = tpu.vector_load %arg9[%swap3A_419] {strides = array<i32>} : memref<1024xf32, #tpu.memory_space<vmem>>, vector<16xf32>,
      tpu.vector_store %arg9[%swap3A_419], %gather3A_413 {strides = array<i32>} : memref<1024xf32, #tpu.memory_space<vmem>>, vector<16xf32>,
      %add3A_421 = arith.constant 112 : i32
      %add3A_422 = arith.addi %mul3A_280, %add3A_421 : i32
      %multiple_of3A_423 = tpu.assume_multiple %add3A_422, 16 : i32
      %get3A_424 = arith.index_cast %multiple_of3A_423 : i32 to index
      %get3A_425 = tpu.vector_load %arg6[%get3A_424] {strides = array<i32>} : memref<256xi32, #tpu.memory_space<vmem>>, vector<16xi32>,
      %get3A_426 = arith.index_cast %multiple_of3A_423 : i32 to index
      %get3A_427 = tpu.vector_load %arg7[%get3A_426] {strides = array<i32>} : memref<256xi32, #tpu.memory_space<vmem>>, vector<16xi32>,
      %gather3A_428 = arith.constant 1 : i32
      %gather3A_429 = arith.constant 0 : i32
      %gather3A_430 = arith.constant 0 : i32
      %gather3A_431 = tpu.memref_slice %arg8[%gather3A_428, %gather3A_429, %gather3A_430] : memref<4x200x112xf32, #tpu.memory_space<vmem>> -> memref<1x200x112xf32, #tpu.memory_space<vmem>>
      %gather3A_432 = tpu.memref_squeeze %gather3A_431 : memref<1x200x112xf32, #tpu.memory_space<vmem>> -> memref<200x112xf32, #tpu.memory_space<vmem>>
      %gather3A_433 = tpu.vector_load_idx %gather3A_432[%get3A_425, %get3A_427] : memref<200x112xf32, #tpu.memory_space<vmem>>[vector<16xi32>, vector<16xi32>], vector<16xf32>,
      %mul3A_434 = arith.constant 128 : i32
      %mul3A_435 = arith.muli %add3A_261, %mul3A_434 : i32
      %add3A_436 = arith.constant 112 : i32
      %add3A_437 = arith.addi %mul3A_435, %add3A_436 : i32
      %multiple_of3A_438 = tpu.assume_multiple %add3A_437, 16 : i32
      %swap3A_439 = arith.index_cast %multiple_of3A_438 : i32 to index
      %swap3A_440 = tpu.vector_load %arg9[%swap3A_439] {strides = array<i32>} : memref<1024xf32, #tpu.memory_space<vmem>>, vector<16xf32>,
      tpu.vector_store %arg9[%swap3A_439], %gather3A_433 {strides = array<i32>} : memref<1024xf32, #tpu.memory_space<vmem>>, vector<16xf32>,
      %add3A_441 = arith.constant 4 : i32
      %add3A_442 = arith.addi %add3A_261, %add3A_441 : i32
      %lt3A_443 = arith.constant 8 : i32
      %lt3A_444 = arith.cmpi slt, %add3A_442, %lt3A_443 : i32
      %convert_element_type3A_445 = arith.extui %lt3A_444 : i1 to i32
      %cond3A_446 = arith.constant 0 : i32
      %cond3A_447 = arith.cmpi ne, %convert_element_type3A_445, %cond3A_446 : i32
      scf.if %cond3A_447 {
        %add3A_824 = arith.constant 4 : i32
        %add3A_825 = arith.addi %add3A_261, %add3A_824 : i32
        %mul3A_826 = arith.constant 200 : i32
        %mul3A_827 = arith.muli %add3A_825, %mul3A_826 : i32
        %add3A_828 = arith.addi %mul3A_5, %mul3A_827 : i32
        %dma_start3A_829 = arith.constant 1 : i32
        %dma_start3A_830 = arith.constant 0 : i32
        %dma_start3A_831 = arith.constant 0 : i32
        %dma_start3A_832 = tpu.memref_slice %arg8[%dma_start3A_829, %dma_start3A_830, %dma_start3A_831] : memref<4x200x112xf32, #tpu.memory_space<vmem>> -> memref<1x200x112xf32, #tpu.memory_space<vmem>>
        %dma_start3A_833 = tpu.memref_squeeze %dma_start3A_832 : memref<1x200x112xf32, #tpu.memory_space<vmem>> -> memref<200x112xf32, #tpu.memory_space<vmem>>
        %dma_start3A_834 = arith.constant 0 : i32
        %dma_start3A_835 = tpu.memref_slice %arg2[%add3A_828, %dma_start3A_834] : memref<102400x112xf32, #tpu.memory_space<hbm>> -> memref<200x112xf32, #tpu.memory_space<hbm>>
        %dma_start3A_836 = arith.constant 0 : i32
        %dma_start3A_837 = arith.constant 0 : i32
        %dma_start3A_838 = tpu.memref_slice %arg8[%dma_start3A_829, %dma_start3A_836, %dma_start3A_837] : memref<4x200x112xf32, #tpu.memory_space<vmem>> -> memref<1x200x112xf32, #tpu.memory_space<vmem>>
        %dma_start3A_839 = tpu.memref_squeeze %dma_start3A_838 : memref<1x200x112xf32, #tpu.memory_space<vmem>> -> memref<200x112xf32, #tpu.memory_space<vmem>>
        %dma_start3A_840 = arith.constant 0 : i32
        %dma_start3A_841 = tpu.memref_slice %arg2[%add3A_828, %dma_start3A_840] : memref<102400x112xf32, #tpu.memory_space<hbm>> -> memref<200x112xf32, #tpu.memory_space<hbm>>
        tpu.enqueue_dma source(%dma_start3A_841 : memref<200x112xf32, #tpu.memory_space<hbm>>) target(%dma_start3A_839 : memref<200x112xf32, #tpu.memory_space<vmem>>) target_semaphore(%arg11 : memref<!tpu.dma_semaphore, #tpu.memory_space<semaphore_mem>>)
      } else {
      }
      %add3A_448 = arith.constant 2 : i32
      %add3A_449 = arith.addi %add3A_80, %add3A_448 : i32
      %dma_wait3A_450 = arith.constant 2 : i32
      %dma_wait3A_451 = arith.constant 0 : i32
      %dma_wait3A_452 = arith.constant 0 : i32
      %dma_wait3A_453 = tpu.memref_slice %arg8[%dma_wait3A_450, %dma_wait3A_451, %dma_wait3A_452] : memref<4x200x112xf32, #tpu.memory_space<vmem>> -> memref<1x200x112xf32, #tpu.memory_space<vmem>>
      %dma_wait3A_454 = tpu.memref_squeeze %dma_wait3A_453 : memref<1x200x112xf32, #tpu.memory_space<vmem>> -> memref<200x112xf32, #tpu.memory_space<vmem>>
      %dma_wait3A_455 = arith.constant 0 : i32
      %dma_wait3A_456 = tpu.memref_slice %arg2[%mul3A_5, %dma_wait3A_455] : memref<102400x112xf32, #tpu.memory_space<hbm>> -> memref<200x112xf32, #tpu.memory_space<hbm>>
      %dma_wait3A_457 = arith.constant 0 : i32
      %dma_wait3A_458 = arith.constant 0 : i32
      %dma_wait3A_459 = tpu.memref_slice %arg8[%dma_wait3A_450, %dma_wait3A_457, %dma_wait3A_458] : memref<4x200x112xf32, #tpu.memory_space<vmem>> -> memref<1x200x112xf32, #tpu.memory_space<vmem>>
      %dma_wait3A_460 = tpu.memref_squeeze %dma_wait3A_459 : memref<1x200x112xf32, #tpu.memory_space<vmem>> -> memref<200x112xf32, #tpu.memory_space<vmem>>
      %dma_wait3A_461 = arith.constant 0 : i32
      %dma_wait3A_462 = tpu.memref_slice %arg2[%mul3A_5, %dma_wait3A_461] : memref<102400x112xf32, #tpu.memory_space<hbm>> -> memref<200x112xf32, #tpu.memory_space<hbm>>
      tpu.wait_dma2 semaphore(%arg12 : memref<!tpu.dma_semaphore, #tpu.memory_space<semaphore_mem>>) src(%dma_wait3A_462 : memref<200x112xf32, #tpu.memory_space<hbm>>) dst(%dma_wait3A_460 : memref<200x112xf32, #tpu.memory_space<vmem>>)
      %add3A_463 = arith.addi %mul3A_2, %add3A_449 : i32
      %shift_right_logical3A_464 = arith.constant 3 : i32
      %shift_right_logical3A_465 = arith.shrui %add3A_463, %shift_right_logical3A_464 : i32
      %sub3A_466 = arith.subi %shift_right_logical3A_465, %shift_right_logical3A_3 : i32
      %mul3A_467 = arith.constant 128 : i32
      %mul3A_468 = arith.muli %sub3A_466, %mul3A_467 : i32
      %add3A_469 = arith.constant 0 : i32
      %add3A_470 = arith.addi %mul3A_468, %add3A_469 : i32
      %multiple_of3A_471 = tpu.assume_multiple %add3A_470, 16 : i32
      %get3A_472 = arith.index_cast %multiple_of3A_471 : i32 to index
      %get3A_473 = tpu.vector_load %arg6[%get3A_472] {strides = array<i32>} : memref<256xi32, #tpu.memory_space<vmem>>, vector<16xi32>,
      %get3A_474 = arith.index_cast %multiple_of3A_471 : i32 to index
      %get3A_475 = tpu.vector_load %arg7[%get3A_474] {strides = array<i32>} : memref<256xi32, #tpu.memory_space<vmem>>, vector<16xi32>,
      %gather3A_476 = arith.constant 2 : i32
      %gather3A_477 = arith.constant 0 : i32
      %gather3A_478 = arith.constant 0 : i32
      %gather3A_479 = tpu.memref_slice %arg8[%gather3A_476, %gather3A_477, %gather3A_478] : memref<4x200x112xf32, #tpu.memory_space<vmem>> -> memref<1x200x112xf32, #tpu.memory_space<vmem>>
      %gather3A_480 = tpu.memref_squeeze %gather3A_479 : memref<1x200x112xf32, #tpu.memory_space<vmem>> -> memref<200x112xf32, #tpu.memory_space<vmem>>
      %gather3A_481 = tpu.vector_load_idx %gather3A_480[%get3A_473, %get3A_475] : memref<200x112xf32, #tpu.memory_space<vmem>>[vector<16xi32>, vector<16xi32>], vector<16xf32>,
      %mul3A_482 = arith.constant 128 : i32
      %mul3A_483 = arith.muli %add3A_449, %mul3A_482 : i32
      %add3A_484 = arith.constant 0 : i32
      %add3A_485 = arith.addi %mul3A_483, %add3A_484 : i32
      %multiple_of3A_486 = tpu.assume_multiple %add3A_485, 16 : i32
      %swap3A_487 = arith.index_cast %multiple_of3A_486 : i32 to index
      %swap3A_488 = tpu.vector_load %arg9[%swap3A_487] {strides = array<i32>} : memref<1024xf32, #tpu.memory_space<vmem>>, vector<16xf32>,
      tpu.vector_store %arg9[%swap3A_487], %gather3A_481 {strides = array<i32>} : memref<1024xf32, #tpu.memory_space<vmem>>, vector<16xf32>,
      %add3A_489 = arith.constant 16 : i32
      %add3A_490 = arith.addi %mul3A_468, %add3A_489 : i32
      %multiple_of3A_491 = tpu.assume_multiple %add3A_490, 16 : i32
      %get3A_492 = arith.index_cast %multiple_of3A_491 : i32 to index
      %get3A_493 = tpu.vector_load %arg6[%get3A_492] {strides = array<i32>} : memref<256xi32, #tpu.memory_space<vmem>>, vector<16xi32>,
      %get3A_494 = arith.index_cast %multiple_of3A_491 : i32 to index
      %get3A_495 = tpu.vector_load %arg7[%get3A_494] {strides = array<i32>} : memref<256xi32, #tpu.memory_space<vmem>>, vector<16xi32>,
      %gather3A_496 = arith.constant 2 : i32
      %gather3A_497 = arith.constant 0 : i32
      %gather3A_498 = arith.constant 0 : i32
      %gather3A_499 = tpu.memref_slice %arg8[%gather3A_496, %gather3A_497, %gather3A_498] : memref<4x200x112xf32, #tpu.memory_space<vmem>> -> memref<1x200x112xf32, #tpu.memory_space<vmem>>
      %gather3A_500 = tpu.memref_squeeze %gather3A_499 : memref<1x200x112xf32, #tpu.memory_space<vmem>> -> memref<200x112xf32, #tpu.memory_space<vmem>>
      %gather3A_501 = tpu.vector_load_idx %gather3A_500[%get3A_493, %get3A_495] : memref<200x112xf32, #tpu.memory_space<vmem>>[vector<16xi32>, vector<16xi32>], vector<16xf32>,
      %mul3A_502 = arith.constant 128 : i32
      %mul3A_503 = arith.muli %add3A_449, %mul3A_502 : i32
      %add3A_504 = arith.constant 16 : i32
      %add3A_505 = arith.addi %mul3A_503, %add3A_504 : i32
      %multiple_of3A_506 = tpu.assume_multiple %add3A_505, 16 : i32
      %swap3A_507 = arith.index_cast %multiple_of3A_506 : i32 to index
      %swap3A_508 = tpu.vector_load %arg9[%swap3A_507] {strides = array<i32>} : memref<1024xf32, #tpu.memory_space<vmem>>, vector<16xf32>,
      tpu.vector_store %arg9[%swap3A_507], %gather3A_501 {strides = array<i32>} : memref<1024xf32, #tpu.memory_space<vmem>>, vector<16xf32>,
      %add3A_509 = arith.constant 32 : i32
      %add3A_510 = arith.addi %mul3A_468, %add3A_509 : i32
      %multiple_of3A_511 = tpu.assume_multiple %add3A_510, 16 : i32
      %get3A_512 = arith.index_cast %multiple_of3A_511 : i32 to index
      %get3A_513 = tpu.vector_load %arg6[%get3A_512] {strides = array<i32>} : memref<256xi32, #tpu.memory_space<vmem>>, vector<16xi32>,
      %get3A_514 = arith.index_cast %multiple_of3A_511 : i32 to index
      %get3A_515 = tpu.vector_load %arg7[%get3A_514] {strides = array<i32>} : memref<256xi32, #tpu.memory_space<vmem>>, vector<16xi32>,
      %gather3A_516 = arith.constant 2 : i32
      %gather3A_517 = arith.constant 0 : i32
      %gather3A_518 = arith.constant 0 : i32
      %gather3A_519 = tpu.memref_slice %arg8[%gather3A_516, %gather3A_517, %gather3A_518] : memref<4x200x112xf32, #tpu.memory_space<vmem>> -> memref<1x200x112xf32, #tpu.memory_space<vmem>>
      %gather3A_520 = tpu.memref_squeeze %gather3A_519 : memref<1x200x112xf32, #tpu.memory_space<vmem>> -> memref<200x112xf32, #tpu.memory_space<vmem>>
      %gather3A_521 = tpu.vector_load_idx %gather3A_520[%get3A_513, %get3A_515] : memref<200x112xf32, #tpu.memory_space<vmem>>[vector<16xi32>, vector<16xi32>], vector<16xf32>,
      %mul3A_522 = arith.constant 128 : i32
      %mul3A_523 = arith.muli %add3A_449, %mul3A_522 : i32
      %add3A_524 = arith.constant 32 : i32
      %add3A_525 = arith.addi %mul3A_523, %add3A_524 : i32
      %multiple_of3A_526 = tpu.assume_multiple %add3A_525, 16 : i32
      %swap3A_527 = arith.index_cast %multiple_of3A_526 : i32 to index
      %swap3A_528 = tpu.vector_load %arg9[%swap3A_527] {strides = array<i32>} : memref<1024xf32, #tpu.memory_space<vmem>>, vector<16xf32>,
      tpu.vector_store %arg9[%swap3A_527], %gather3A_521 {strides = array<i32>} : memref<1024xf32, #tpu.memory_space<vmem>>, vector<16xf32>,
      %add3A_529 = arith.constant 48 : i32
      %add3A_530 = arith.addi %mul3A_468, %add3A_529 : i32
      %multiple_of3A_531 = tpu.assume_multiple %add3A_530, 16 : i32
      %get3A_532 = arith.index_cast %multiple_of3A_531 : i32 to index
      %get3A_533 = tpu.vector_load %arg6[%get3A_532] {strides = array<i32>} : memref<256xi32, #tpu.memory_space<vmem>>, vector<16xi32>,
      %get3A_534 = arith.index_cast %multiple_of3A_531 : i32 to index
      %get3A_535 = tpu.vector_load %arg7[%get3A_534] {strides = array<i32>} : memref<256xi32, #tpu.memory_space<vmem>>, vector<16xi32>,
      %gather3A_536 = arith.constant 2 : i32
      %gather3A_537 = arith.constant 0 : i32
      %gather3A_538 = arith.constant 0 : i32
      %gather3A_539 = tpu.memref_slice %arg8[%gather3A_536, %gather3A_537, %gather3A_538] : memref<4x200x112xf32, #tpu.memory_space<vmem>> -> memref<1x200x112xf32, #tpu.memory_space<vmem>>
      %gather3A_540 = tpu.memref_squeeze %gather3A_539 : memref<1x200x112xf32, #tpu.memory_space<vmem>> -> memref<200x112xf32, #tpu.memory_space<vmem>>
      %gather3A_541 = tpu.vector_load_idx %gather3A_540[%get3A_533, %get3A_535] : memref<200x112xf32, #tpu.memory_space<vmem>>[vector<16xi32>, vector<16xi32>], vector<16xf32>,
      %mul3A_542 = arith.constant 128 : i32
      %mul3A_543 = arith.muli %add3A_449, %mul3A_542 : i32
      %add3A_544 = arith.constant 48 : i32
      %add3A_545 = arith.addi %mul3A_543, %add3A_544 : i32
      %multiple_of3A_546 = tpu.assume_multiple %add3A_545, 16 : i32
      %swap3A_547 = arith.index_cast %multiple_of3A_546 : i32 to index
      %swap3A_548 = tpu.vector_load %arg9[%swap3A_547] {strides = array<i32>} : memref<1024xf32, #tpu.memory_space<vmem>>, vector<16xf32>,
      tpu.vector_store %arg9[%swap3A_547], %gather3A_541 {strides = array<i32>} : memref<1024xf32, #tpu.memory_space<vmem>>, vector<16xf32>,
      %add3A_549 = arith.constant 64 : i32
      %add3A_550 = arith.addi %mul3A_468, %add3A_549 : i32
      %multiple_of3A_551 = tpu.assume_multiple %add3A_550, 16 : i32
      %get3A_552 = arith.index_cast %multiple_of3A_551 : i32 to index
      %get3A_553 = tpu.vector_load %arg6[%get3A_552] {strides = array<i32>} : memref<256xi32, #tpu.memory_space<vmem>>, vector<16xi32>,
      %get3A_554 = arith.index_cast %multiple_of3A_551 : i32 to index
      %get3A_555 = tpu.vector_load %arg7[%get3A_554] {strides = array<i32>} : memref<256xi32, #tpu.memory_space<vmem>>, vector<16xi32>,
      %gather3A_556 = arith.constant 2 : i32
      %gather3A_557 = arith.constant 0 : i32
      %gather3A_558 = arith.constant 0 : i32
      %gather3A_559 = tpu.memref_slice %arg8[%gather3A_556, %gather3A_557, %gather3A_558] : memref<4x200x112xf32, #tpu.memory_space<vmem>> -> memref<1x200x112xf32, #tpu.memory_space<vmem>>
      %gather3A_560 = tpu.memref_squeeze %gather3A_559 : memref<1x200x112xf32, #tpu.memory_space<vmem>> -> memref<200x112xf32, #tpu.memory_space<vmem>>
      %gather3A_561 = tpu.vector_load_idx %gather3A_560[%get3A_553, %get3A_555] : memref<200x112xf32, #tpu.memory_space<vmem>>[vector<16xi32>, vector<16xi32>], vector<16xf32>,
      %mul3A_562 = arith.constant 128 : i32
      %mul3A_563 = arith.muli %add3A_449, %mul3A_562 : i32
      %add3A_564 = arith.constant 64 : i32
      %add3A_565 = arith.addi %mul3A_563, %add3A_564 : i32
      %multiple_of3A_566 = tpu.assume_multiple %add3A_565, 16 : i32
      %swap3A_567 = arith.index_cast %multiple_of3A_566 : i32 to index
      %swap3A_568 = tpu.vector_load %arg9[%swap3A_567] {strides = array<i32>} : memref<1024xf32, #tpu.memory_space<vmem>>, vector<16xf32>,
      tpu.vector_store %arg9[%swap3A_567], %gather3A_561 {strides = array<i32>} : memref<1024xf32, #tpu.memory_space<vmem>>, vector<16xf32>,
      %add3A_569 = arith.constant 80 : i32
      %add3A_570 = arith.addi %mul3A_468, %add3A_569 : i32
      %multiple_of3A_571 = tpu.assume_multiple %add3A_570, 16 : i32
      %get3A_572 = arith.index_cast %multiple_of3A_571 : i32 to index
      %get3A_573 = tpu.vector_load %arg6[%get3A_572] {strides = array<i32>} : memref<256xi32, #tpu.memory_space<vmem>>, vector<16xi32>,
      %get3A_574 = arith.index_cast %multiple_of3A_571 : i32 to index
      %get3A_575 = tpu.vector_load %arg7[%get3A_574] {strides = array<i32>} : memref<256xi32, #tpu.memory_space<vmem>>, vector<16xi32>,
      %gather3A_576 = arith.constant 2 : i32
      %gather3A_577 = arith.constant 0 : i32
      %gather3A_578 = arith.constant 0 : i32
      %gather3A_579 = tpu.memref_slice %arg8[%gather3A_576, %gather3A_577, %gather3A_578] : memref<4x200x112xf32, #tpu.memory_space<vmem>> -> memref<1x200x112xf32, #tpu.memory_space<vmem>>
      %gather3A_580 = tpu.memref_squeeze %gather3A_579 : memref<1x200x112xf32, #tpu.memory_space<vmem>> -> memref<200x112xf32, #tpu.memory_space<vmem>>
      %gather3A_581 = tpu.vector_load_idx %gather3A_580[%get3A_573, %get3A_575] : memref<200x112xf32, #tpu.memory_space<vmem>>[vector<16xi32>, vector<16xi32>], vector<16xf32>,
      %mul3A_582 = arith.constant 128 : i32
      %mul3A_583 = arith.muli %add3A_449, %mul3A_582 : i32
      %add3A_584 = arith.constant 80 : i32
      %add3A_585 = arith.addi %mul3A_583, %add3A_584 : i32
      %multiple_of3A_586 = tpu.assume_multiple %add3A_585, 16 : i32
      %swap3A_587 = arith.index_cast %multiple_of3A_586 : i32 to index
      %swap3A_588 = tpu.vector_load %arg9[%swap3A_587] {strides = array<i32>} : memref<1024xf32, #tpu.memory_space<vmem>>, vector<16xf32>,
      tpu.vector_store %arg9[%swap3A_587], %gather3A_581 {strides = array<i32>} : memref<1024xf32, #tpu.memory_space<vmem>>, vector<16xf32>,
      %add3A_589 = arith.constant 96 : i32
      %add3A_590 = arith.addi %mul3A_468, %add3A_589 : i32
      %multiple_of3A_591 = tpu.assume_multiple %add3A_590, 16 : i32
      %get3A_592 = arith.index_cast %multiple_of3A_591 : i32 to index
      %get3A_593 = tpu.vector_load %arg6[%get3A_592] {strides = array<i32>} : memref<256xi32, #tpu.memory_space<vmem>>, vector<16xi32>,
      %get3A_594 = arith.index_cast %multiple_of3A_591 : i32 to index
      %get3A_595 = tpu.vector_load %arg7[%get3A_594] {strides = array<i32>} : memref<256xi32, #tpu.memory_space<vmem>>, vector<16xi32>,
      %gather3A_596 = arith.constant 2 : i32
      %gather3A_597 = arith.constant 0 : i32
      %gather3A_598 = arith.constant 0 : i32
      %gather3A_599 = tpu.memref_slice %arg8[%gather3A_596, %gather3A_597, %gather3A_598] : memref<4x200x112xf32, #tpu.memory_space<vmem>> -> memref<1x200x112xf32, #tpu.memory_space<vmem>>
      %gather3A_600 = tpu.memref_squeeze %gather3A_599 : memref<1x200x112xf32, #tpu.memory_space<vmem>> -> memref<200x112xf32, #tpu.memory_space<vmem>>
      %gather3A_601 = tpu.vector_load_idx %gather3A_600[%get3A_593, %get3A_595] : memref<200x112xf32, #tpu.memory_space<vmem>>[vector<16xi32>, vector<16xi32>], vector<16xf32>,
      %mul3A_602 = arith.constant 128 : i32
      %mul3A_603 = arith.muli %add3A_449, %mul3A_602 : i32
      %add3A_604 = arith.constant 96 : i32
      %add3A_605 = arith.addi %mul3A_603, %add3A_604 : i32
      %multiple_of3A_606 = tpu.assume_multiple %add3A_605, 16 : i32
      %swap3A_607 = arith.index_cast %multiple_of3A_606 : i32 to index
      %swap3A_608 = tpu.vector_load %arg9[%swap3A_607] {strides = array<i32>} : memref<1024xf32, #tpu.memory_space<vmem>>, vector<16xf32>,
      tpu.vector_store %arg9[%swap3A_607], %gather3A_601 {strides = array<i32>} : memref<1024xf32, #tpu.memory_space<vmem>>, vector<16xf32>,
      %add3A_609 = arith.constant 112 : i32
      %add3A_610 = arith.addi %mul3A_468, %add3A_609 : i32
      %multiple_of3A_611 = tpu.assume_multiple %add3A_610, 16 : i32
      %get3A_612 = arith.index_cast %multiple_of3A_611 : i32 to index
      %get3A_613 = tpu.vector_load %arg6[%get3A_612] {strides = array<i32>} : memref<256xi32, #tpu.memory_space<vmem>>, vector<16xi32>,
      %get3A_614 = arith.index_cast %multiple_of3A_611 : i32 to index
      %get3A_615 = tpu.vector_load %arg7[%get3A_614] {strides = array<i32>} : memref<256xi32, #tpu.memory_space<vmem>>, vector<16xi32>,
      %gather3A_616 = arith.constant 2 : i32
      %gather3A_617 = arith.constant 0 : i32
      %gather3A_618 = arith.constant 0 : i32
      %gather3A_619 = tpu.memref_slice %arg8[%gather3A_616, %gather3A_617, %gather3A_618] : memref<4x200x112xf32, #tpu.memory_space<vmem>> -> memref<1x200x112xf32, #tpu.memory_space<vmem>>
      %gather3A_620 = tpu.memref_squeeze %gather3A_619 : memref<1x200x112xf32, #tpu.memory_space<vmem>> -> memref<200x112xf32, #tpu.memory_space<vmem>>
      %gather3A_621 = tpu.vector_load_idx %gather3A_620[%get3A_613, %get3A_615] : memref<200x112xf32, #tpu.memory_space<vmem>>[vector<16xi32>, vector<16xi32>], vector<16xf32>,
      %mul3A_622 = arith.constant 128 : i32
      %mul3A_623 = arith.muli %add3A_449, %mul3A_622 : i32
      %add3A_624 = arith.constant 112 : i32
      %add3A_625 = arith.addi %mul3A_623, %add3A_624 : i32
      %multiple_of3A_626 = tpu.assume_multiple %add3A_625, 16 : i32
      %swap3A_627 = arith.index_cast %multiple_of3A_626 : i32 to index
      %swap3A_628 = tpu.vector_load %arg9[%swap3A_627] {strides = array<i32>} : memref<1024xf32, #tpu.memory_space<vmem>>, vector<16xf32>,
      tpu.vector_store %arg9[%swap3A_627], %gather3A_621 {strides = array<i32>} : memref<1024xf32, #tpu.memory_space<vmem>>, vector<16xf32>,
      %add3A_629 = arith.constant 4 : i32
      %add3A_630 = arith.addi %add3A_449, %add3A_629 : i32
      %lt3A_631 = arith.constant 8 : i32
      %lt3A_632 = arith.cmpi slt, %add3A_630, %lt3A_631 : i32
      %convert_element_type3A_633 = arith.extui %lt3A_632 : i1 to i32
      %cond3A_634 = arith.constant 0 : i32
      %cond3A_635 = arith.cmpi ne, %convert_element_type3A_633, %cond3A_634 : i32
      scf.if %cond3A_635 {
        %add3A_824 = arith.constant 4 : i32
        %add3A_825 = arith.addi %add3A_449, %add3A_824 : i32
        %mul3A_826 = arith.constant 200 : i32
        %mul3A_827 = arith.muli %add3A_825, %mul3A_826 : i32
        %add3A_828 = arith.addi %mul3A_5, %mul3A_827 : i32
        %dma_start3A_829 = arith.constant 2 : i32
        %dma_start3A_830 = arith.constant 0 : i32
        %dma_start3A_831 = arith.constant 0 : i32
        %dma_start3A_832 = tpu.memref_slice %arg8[%dma_start3A_829, %dma_start3A_830, %dma_start3A_831] : memref<4x200x112xf32, #tpu.memory_space<vmem>> -> memref<1x200x112xf32, #tpu.memory_space<vmem>>
        %dma_start3A_833 = tpu.memref_squeeze %dma_start3A_832 : memref<1x200x112xf32, #tpu.memory_space<vmem>> -> memref<200x112xf32, #tpu.memory_space<vmem>>
        %dma_start3A_834 = arith.constant 0 : i32
        %dma_start3A_835 = tpu.memref_slice %arg2[%add3A_828, %dma_start3A_834] : memref<102400x112xf32, #tpu.memory_space<hbm>> -> memref<200x112xf32, #tpu.memory_space<hbm>>
        %dma_start3A_836 = arith.constant 0 : i32
        %dma_start3A_837 = arith.constant 0 : i32
        %dma_start3A_838 = tpu.memref_slice %arg8[%dma_start3A_829, %dma_start3A_836, %dma_start3A_837] : memref<4x200x112xf32, #tpu.memory_space<vmem>> -> memref<1x200x112xf32, #tpu.memory_space<vmem>>
        %dma_start3A_839 = tpu.memref_squeeze %dma_start3A_838 : memref<1x200x112xf32, #tpu.memory_space<vmem>> -> memref<200x112xf32, #tpu.memory_space<vmem>>
        %dma_start3A_840 = arith.constant 0 : i32
        %dma_start3A_841 = tpu.memref_slice %arg2[%add3A_828, %dma_start3A_840] : memref<102400x112xf32, #tpu.memory_space<hbm>> -> memref<200x112xf32, #tpu.memory_space<hbm>>
        tpu.enqueue_dma source(%dma_start3A_841 : memref<200x112xf32, #tpu.memory_space<hbm>>) target(%dma_start3A_839 : memref<200x112xf32, #tpu.memory_space<vmem>>) target_semaphore(%arg12 : memref<!tpu.dma_semaphore, #tpu.memory_space<semaphore_mem>>)
      } else {
      }
      %add3A_636 = arith.constant 3 : i32
      %add3A_637 = arith.addi %add3A_80, %add3A_636 : i32
      %dma_wait3A_638 = arith.constant 3 : i32
      %dma_wait3A_639 = arith.constant 0 : i32
      %dma_wait3A_640 = arith.constant 0 : i32
      %dma_wait3A_641 = tpu.memref_slice %arg8[%dma_wait3A_638, %dma_wait3A_639, %dma_wait3A_640] : memref<4x200x112xf32, #tpu.memory_space<vmem>> -> memref<1x200x112xf32, #tpu.memory_space<vmem>>
      %dma_wait3A_642 = tpu.memref_squeeze %dma_wait3A_641 : memref<1x200x112xf32, #tpu.memory_space<vmem>> -> memref<200x112xf32, #tpu.memory_space<vmem>>
      %dma_wait3A_643 = arith.constant 0 : i32
      %dma_wait3A_644 = tpu.memref_slice %arg2[%mul3A_5, %dma_wait3A_643] : memref<102400x112xf32, #tpu.memory_space<hbm>> -> memref<200x112xf32, #tpu.memory_space<hbm>>
      %dma_wait3A_645 = arith.constant 0 : i32
      %dma_wait3A_646 = arith.constant 0 : i32
      %dma_wait3A_647 = tpu.memref_slice %arg8[%dma_wait3A_638, %dma_wait3A_645, %dma_wait3A_646] : memref<4x200x112xf32, #tpu.memory_space<vmem>> -> memref<1x200x112xf32, #tpu.memory_space<vmem>>
      %dma_wait3A_648 = tpu.memref_squeeze %dma_wait3A_647 : memref<1x200x112xf32, #tpu.memory_space<vmem>> -> memref<200x112xf32, #tpu.memory_space<vmem>>
      %dma_wait3A_649 = arith.constant 0 : i32
      %dma_wait3A_650 = tpu.memref_slice %arg2[%mul3A_5, %dma_wait3A_649] : memref<102400x112xf32, #tpu.memory_space<hbm>> -> memref<200x112xf32, #tpu.memory_space<hbm>>
      tpu.wait_dma2 semaphore(%arg13 : memref<!tpu.dma_semaphore, #tpu.memory_space<semaphore_mem>>) src(%dma_wait3A_650 : memref<200x112xf32, #tpu.memory_space<hbm>>) dst(%dma_wait3A_648 : memref<200x112xf32, #tpu.memory_space<vmem>>)
      %add3A_651 = arith.addi %mul3A_2, %add3A_637 : i32
      %shift_right_logical3A_652 = arith.constant 3 : i32
      %shift_right_logical3A_653 = arith.shrui %add3A_651, %shift_right_logical3A_652 : i32
      %sub3A_654 = arith.subi %shift_right_logical3A_653, %shift_right_logical3A_3 : i32
      %mul3A_655 = arith.constant 128 : i32
      %mul3A_656 = arith.muli %sub3A_654, %mul3A_655 : i32
      %add3A_657 = arith.constant 0 : i32
      %add3A_658 = arith.addi %mul3A_656, %add3A_657 : i32
      %multiple_of3A_659 = tpu.assume_multiple %add3A_658, 16 : i32
      %get3A_660 = arith.index_cast %multiple_of3A_659 : i32 to index
      %get3A_661 = tpu.vector_load %arg6[%get3A_660] {strides = array<i32>} : memref<256xi32, #tpu.memory_space<vmem>>, vector<16xi32>,
      %get3A_662 = arith.index_cast %multiple_of3A_659 : i32 to index
      %get3A_663 = tpu.vector_load %arg7[%get3A_662] {strides = array<i32>} : memref<256xi32, #tpu.memory_space<vmem>>, vector<16xi32>,
      %gather3A_664 = arith.constant 3 : i32
      %gather3A_665 = arith.constant 0 : i32
      %gather3A_666 = arith.constant 0 : i32
      %gather3A_667 = tpu.memref_slice %arg8[%gather3A_664, %gather3A_665, %gather3A_666] : memref<4x200x112xf32, #tpu.memory_space<vmem>> -> memref<1x200x112xf32, #tpu.memory_space<vmem>>
      %gather3A_668 = tpu.memref_squeeze %gather3A_667 : memref<1x200x112xf32, #tpu.memory_space<vmem>> -> memref<200x112xf32, #tpu.memory_space<vmem>>
      %gather3A_669 = tpu.vector_load_idx %gather3A_668[%get3A_661, %get3A_663] : memref<200x112xf32, #tpu.memory_space<vmem>>[vector<16xi32>, vector<16xi32>], vector<16xf32>,
      %mul3A_670 = arith.constant 128 : i32
      %mul3A_671 = arith.muli %add3A_637, %mul3A_670 : i32
      %add3A_672 = arith.constant 0 : i32
      %add3A_673 = arith.addi %mul3A_671, %add3A_672 : i32
      %multiple_of3A_674 = tpu.assume_multiple %add3A_673, 16 : i32
      %swap3A_675 = arith.index_cast %multiple_of3A_674 : i32 to index
      %swap3A_676 = tpu.vector_load %arg9[%swap3A_675] {strides = array<i32>} : memref<1024xf32, #tpu.memory_space<vmem>>, vector<16xf32>,
      tpu.vector_store %arg9[%swap3A_675], %gather3A_669 {strides = array<i32>} : memref<1024xf32, #tpu.memory_space<vmem>>, vector<16xf32>,
      %add3A_677 = arith.constant 16 : i32
      %add3A_678 = arith.addi %mul3A_656, %add3A_677 : i32
      %multiple_of3A_679 = tpu.assume_multiple %add3A_678, 16 : i32
      %get3A_680 = arith.index_cast %multiple_of3A_679 : i32 to index
      %get3A_681 = tpu.vector_load %arg6[%get3A_680] {strides = array<i32>} : memref<256xi32, #tpu.memory_space<vmem>>, vector<16xi32>,
      %get3A_682 = arith.index_cast %multiple_of3A_679 : i32 to index
      %get3A_683 = tpu.vector_load %arg7[%get3A_682] {strides = array<i32>} : memref<256xi32, #tpu.memory_space<vmem>>, vector<16xi32>,
      %gather3A_684 = arith.constant 3 : i32
      %gather3A_685 = arith.constant 0 : i32
      %gather3A_686 = arith.constant 0 : i32
      %gather3A_687 = tpu.memref_slice %arg8[%gather3A_684, %gather3A_685, %gather3A_686] : memref<4x200x112xf32, #tpu.memory_space<vmem>> -> memref<1x200x112xf32, #tpu.memory_space<vmem>>
      %gather3A_688 = tpu.memref_squeeze %gather3A_687 : memref<1x200x112xf32, #tpu.memory_space<vmem>> -> memref<200x112xf32, #tpu.memory_space<vmem>>
      %gather3A_689 = tpu.vector_load_idx %gather3A_688[%get3A_681, %get3A_683] : memref<200x112xf32, #tpu.memory_space<vmem>>[vector<16xi32>, vector<16xi32>], vector<16xf32>,
      %mul3A_690 = arith.constant 128 : i32
      %mul3A_691 = arith.muli %add3A_637, %mul3A_690 : i32
      %add3A_692 = arith.constant 16 : i32
      %add3A_693 = arith.addi %mul3A_691, %add3A_692 : i32
      %multiple_of3A_694 = tpu.assume_multiple %add3A_693, 16 : i32
      %swap3A_695 = arith.index_cast %multiple_of3A_694 : i32 to index
      %swap3A_696 = tpu.vector_load %arg9[%swap3A_695] {strides = array<i32>} : memref<1024xf32, #tpu.memory_space<vmem>>, vector<16xf32>,
      tpu.vector_store %arg9[%swap3A_695], %gather3A_689 {strides = array<i32>} : memref<1024xf32, #tpu.memory_space<vmem>>, vector<16xf32>,
      %add3A_697 = arith.constant 32 : i32
      %add3A_698 = arith.addi %mul3A_656, %add3A_697 : i32
      %multiple_of3A_699 = tpu.assume_multiple %add3A_698, 16 : i32
      %get3A_700 = arith.index_cast %multiple_of3A_699 : i32 to index
      %get3A_701 = tpu.vector_load %arg6[%get3A_700] {strides = array<i32>} : memref<256xi32, #tpu.memory_space<vmem>>, vector<16xi32>,
      %get3A_702 = arith.index_cast %multiple_of3A_699 : i32 to index
      %get3A_703 = tpu.vector_load %arg7[%get3A_702] {strides = array<i32>} : memref<256xi32, #tpu.memory_space<vmem>>, vector<16xi32>,
      %gather3A_704 = arith.constant 3 : i32
      %gather3A_705 = arith.constant 0 : i32
      %gather3A_706 = arith.constant 0 : i32
      %gather3A_707 = tpu.memref_slice %arg8[%gather3A_704, %gather3A_705, %gather3A_706] : memref<4x200x112xf32, #tpu.memory_space<vmem>> -> memref<1x200x112xf32, #tpu.memory_space<vmem>>
      %gather3A_708 = tpu.memref_squeeze %gather3A_707 : memref<1x200x112xf32, #tpu.memory_space<vmem>> -> memref<200x112xf32, #tpu.memory_space<vmem>>
      %gather3A_709 = tpu.vector_load_idx %gather3A_708[%get3A_701, %get3A_703] : memref<200x112xf32, #tpu.memory_space<vmem>>[vector<16xi32>, vector<16xi32>], vector<16xf32>,
      %mul3A_710 = arith.constant 128 : i32
      %mul3A_711 = arith.muli %add3A_637, %mul3A_710 : i32
      %add3A_712 = arith.constant 32 : i32
      %add3A_713 = arith.addi %mul3A_711, %add3A_712 : i32
      %multiple_of3A_714 = tpu.assume_multiple %add3A_713, 16 : i32
      %swap3A_715 = arith.index_cast %multiple_of3A_714 : i32 to index
      %swap3A_716 = tpu.vector_load %arg9[%swap3A_715] {strides = array<i32>} : memref<1024xf32, #tpu.memory_space<vmem>>, vector<16xf32>,
      tpu.vector_store %arg9[%swap3A_715], %gather3A_709 {strides = array<i32>} : memref<1024xf32, #tpu.memory_space<vmem>>, vector<16xf32>,
      %add3A_717 = arith.constant 48 : i32
      %add3A_718 = arith.addi %mul3A_656, %add3A_717 : i32
      %multiple_of3A_719 = tpu.assume_multiple %add3A_718, 16 : i32
      %get3A_720 = arith.index_cast %multiple_of3A_719 : i32 to index
      %get3A_721 = tpu.vector_load %arg6[%get3A_720] {strides = array<i32>} : memref<256xi32, #tpu.memory_space<vmem>>, vector<16xi32>,
      %get3A_722 = arith.index_cast %multiple_of3A_719 : i32 to index
      %get3A_723 = tpu.vector_load %arg7[%get3A_722] {strides = array<i32>} : memref<256xi32, #tpu.memory_space<vmem>>, vector<16xi32>,
      %gather3A_724 = arith.constant 3 : i32
      %gather3A_725 = arith.constant 0 : i32
      %gather3A_726 = arith.constant 0 : i32
      %gather3A_727 = tpu.memref_slice %arg8[%gather3A_724, %gather3A_725, %gather3A_726] : memref<4x200x112xf32, #tpu.memory_space<vmem>> -> memref<1x200x112xf32, #tpu.memory_space<vmem>>
      %gather3A_728 = tpu.memref_squeeze %gather3A_727 : memref<1x200x112xf32, #tpu.memory_space<vmem>> -> memref<200x112xf32, #tpu.memory_space<vmem>>
      %gather3A_729 = tpu.vector_load_idx %gather3A_728[%get3A_721, %get3A_723] : memref<200x112xf32, #tpu.memory_space<vmem>>[vector<16xi32>, vector<16xi32>], vector<16xf32>,
      %mul3A_730 = arith.constant 128 : i32
      %mul3A_731 = arith.muli %add3A_637, %mul3A_730 : i32
      %add3A_732 = arith.constant 48 : i32
      %add3A_733 = arith.addi %mul3A_731, %add3A_732 : i32
      %multiple_of3A_734 = tpu.assume_multiple %add3A_733, 16 : i32
      %swap3A_735 = arith.index_cast %multiple_of3A_734 : i32 to index
      %swap3A_736 = tpu.vector_load %arg9[%swap3A_735] {strides = array<i32>} : memref<1024xf32, #tpu.memory_space<vmem>>, vector<16xf32>,
      tpu.vector_store %arg9[%swap3A_735], %gather3A_729 {strides = array<i32>} : memref<1024xf32, #tpu.memory_space<vmem>>, vector<16xf32>,
      %add3A_737 = arith.constant 64 : i32
      %add3A_738 = arith.addi %mul3A_656, %add3A_737 : i32
      %multiple_of3A_739 = tpu.assume_multiple %add3A_738, 16 : i32
      %get3A_740 = arith.index_cast %multiple_of3A_739 : i32 to index
      %get3A_741 = tpu.vector_load %arg6[%get3A_740] {strides = array<i32>} : memref<256xi32, #tpu.memory_space<vmem>>, vector<16xi32>,
      %get3A_742 = arith.index_cast %multiple_of3A_739 : i32 to index
      %get3A_743 = tpu.vector_load %arg7[%get3A_742] {strides = array<i32>} : memref<256xi32, #tpu.memory_space<vmem>>, vector<16xi32>,
      %gather3A_744 = arith.constant 3 : i32
      %gather3A_745 = arith.constant 0 : i32
      %gather3A_746 = arith.constant 0 : i32
      %gather3A_747 = tpu.memref_slice %arg8[%gather3A_744, %gather3A_745, %gather3A_746] : memref<4x200x112xf32, #tpu.memory_space<vmem>> -> memref<1x200x112xf32, #tpu.memory_space<vmem>>
      %gather3A_748 = tpu.memref_squeeze %gather3A_747 : memref<1x200x112xf32, #tpu.memory_space<vmem>> -> memref<200x112xf32, #tpu.memory_space<vmem>>
      %gather3A_749 = tpu.vector_load_idx %gather3A_748[%get3A_741, %get3A_743] : memref<200x112xf32, #tpu.memory_space<vmem>>[vector<16xi32>, vector<16xi32>], vector<16xf32>,
      %mul3A_750 = arith.constant 128 : i32
      %mul3A_751 = arith.muli %add3A_637, %mul3A_750 : i32
      %add3A_752 = arith.constant 64 : i32
      %add3A_753 = arith.addi %mul3A_751, %add3A_752 : i32
      %multiple_of3A_754 = tpu.assume_multiple %add3A_753, 16 : i32
      %swap3A_755 = arith.index_cast %multiple_of3A_754 : i32 to index
      %swap3A_756 = tpu.vector_load %arg9[%swap3A_755] {strides = array<i32>} : memref<1024xf32, #tpu.memory_space<vmem>>, vector<16xf32>,
      tpu.vector_store %arg9[%swap3A_755], %gather3A_749 {strides = array<i32>} : memref<1024xf32, #tpu.memory_space<vmem>>, vector<16xf32>,
      %add3A_757 = arith.constant 80 : i32
      %add3A_758 = arith.addi %mul3A_656, %add3A_757 : i32
      %multiple_of3A_759 = tpu.assume_multiple %add3A_758, 16 : i32
      %get3A_760 = arith.index_cast %multiple_of3A_759 : i32 to index
      %get3A_761 = tpu.vector_load %arg6[%get3A_760] {strides = array<i32>} : memref<256xi32, #tpu.memory_space<vmem>>, vector<16xi32>,
      %get3A_762 = arith.index_cast %multiple_of3A_759 : i32 to index
      %get3A_763 = tpu.vector_load %arg7[%get3A_762] {strides = array<i32>} : memref<256xi32, #tpu.memory_space<vmem>>, vector<16xi32>,
      %gather3A_764 = arith.constant 3 : i32
      %gather3A_765 = arith.constant 0 : i32
      %gather3A_766 = arith.constant 0 : i32
      %gather3A_767 = tpu.memref_slice %arg8[%gather3A_764, %gather3A_765, %gather3A_766] : memref<4x200x112xf32, #tpu.memory_space<vmem>> -> memref<1x200x112xf32, #tpu.memory_space<vmem>>
      %gather3A_768 = tpu.memref_squeeze %gather3A_767 : memref<1x200x112xf32, #tpu.memory_space<vmem>> -> memref<200x112xf32, #tpu.memory_space<vmem>>
      %gather3A_769 = tpu.vector_load_idx %gather3A_768[%get3A_761, %get3A_763] : memref<200x112xf32, #tpu.memory_space<vmem>>[vector<16xi32>, vector<16xi32>], vector<16xf32>,
      %mul3A_770 = arith.constant 128 : i32
      %mul3A_771 = arith.muli %add3A_637, %mul3A_770 : i32
      %add3A_772 = arith.constant 80 : i32
      %add3A_773 = arith.addi %mul3A_771, %add3A_772 : i32
      %multiple_of3A_774 = tpu.assume_multiple %add3A_773, 16 : i32
      %swap3A_775 = arith.index_cast %multiple_of3A_774 : i32 to index
      %swap3A_776 = tpu.vector_load %arg9[%swap3A_775] {strides = array<i32>} : memref<1024xf32, #tpu.memory_space<vmem>>, vector<16xf32>,
      tpu.vector_store %arg9[%swap3A_775], %gather3A_769 {strides = array<i32>} : memref<1024xf32, #tpu.memory_space<vmem>>, vector<16xf32>,
      %add3A_777 = arith.constant 96 : i32
      %add3A_778 = arith.addi %mul3A_656, %add3A_777 : i32
      %multiple_of3A_779 = tpu.assume_multiple %add3A_778, 16 : i32
      %get3A_780 = arith.index_cast %multiple_of3A_779 : i32 to index
      %get3A_781 = tpu.vector_load %arg6[%get3A_780] {strides = array<i32>} : memref<256xi32, #tpu.memory_space<vmem>>, vector<16xi32>,
      %get3A_782 = arith.index_cast %multiple_of3A_779 : i32 to index
      %get3A_783 = tpu.vector_load %arg7[%get3A_782] {strides = array<i32>} : memref<256xi32, #tpu.memory_space<vmem>>, vector<16xi32>,
      %gather3A_784 = arith.constant 3 : i32
      %gather3A_785 = arith.constant 0 : i32
      %gather3A_786 = arith.constant 0 : i32
      %gather3A_787 = tpu.memref_slice %arg8[%gather3A_784, %gather3A_785, %gather3A_786] : memref<4x200x112xf32, #tpu.memory_space<vmem>> -> memref<1x200x112xf32, #tpu.memory_space<vmem>>
      %gather3A_788 = tpu.memref_squeeze %gather3A_787 : memref<1x200x112xf32, #tpu.memory_space<vmem>> -> memref<200x112xf32, #tpu.memory_space<vmem>>
      %gather3A_789 = tpu.vector_load_idx %gather3A_788[%get3A_781, %get3A_783] : memref<200x112xf32, #tpu.memory_space<vmem>>[vector<16xi32>, vector<16xi32>], vector<16xf32>,
      %mul3A_790 = arith.constant 128 : i32
      %mul3A_791 = arith.muli %add3A_637, %mul3A_790 : i32
      %add3A_792 = arith.constant 96 : i32
      %add3A_793 = arith.addi %mul3A_791, %add3A_792 : i32
      %multiple_of3A_794 = tpu.assume_multiple %add3A_793, 16 : i32
      %swap3A_795 = arith.index_cast %multiple_of3A_794 : i32 to index
      %swap3A_796 = tpu.vector_load %arg9[%swap3A_795] {strides = array<i32>} : memref<1024xf32, #tpu.memory_space<vmem>>, vector<16xf32>,
      tpu.vector_store %arg9[%swap3A_795], %gather3A_789 {strides = array<i32>} : memref<1024xf32, #tpu.memory_space<vmem>>, vector<16xf32>,
      %add3A_797 = arith.constant 112 : i32
      %add3A_798 = arith.addi %mul3A_656, %add3A_797 : i32
      %multiple_of3A_799 = tpu.assume_multiple %add3A_798, 16 : i32
      %get3A_800 = arith.index_cast %multiple_of3A_799 : i32 to index
      %get3A_801 = tpu.vector_load %arg6[%get3A_800] {strides = array<i32>} : memref<256xi32, #tpu.memory_space<vmem>>, vector<16xi32>,
      %get3A_802 = arith.index_cast %multiple_of3A_799 : i32 to index
      %get3A_803 = tpu.vector_load %arg7[%get3A_802] {strides = array<i32>} : memref<256xi32, #tpu.memory_space<vmem>>, vector<16xi32>,
      %gather3A_804 = arith.constant 3 : i32
      %gather3A_805 = arith.constant 0 : i32
      %gather3A_806 = arith.constant 0 : i32
      %gather3A_807 = tpu.memref_slice %arg8[%gather3A_804, %gather3A_805, %gather3A_806] : memref<4x200x112xf32, #tpu.memory_space<vmem>> -> memref<1x200x112xf32, #tpu.memory_space<vmem>>
      %gather3A_808 = tpu.memref_squeeze %gather3A_807 : memref<1x200x112xf32, #tpu.memory_space<vmem>> -> memref<200x112xf32, #tpu.memory_space<vmem>>
      %gather3A_809 = tpu.vector_load_idx %gather3A_808[%get3A_801, %get3A_803] : memref<200x112xf32, #tpu.memory_space<vmem>>[vector<16xi32>, vector<16xi32>], vector<16xf32>,
      %mul3A_810 = arith.constant 128 : i32
      %mul3A_811 = arith.muli %add3A_637, %mul3A_810 : i32
      %add3A_812 = arith.constant 112 : i32
      %add3A_813 = arith.addi %mul3A_811, %add3A_812 : i32
      %multiple_of3A_814 = tpu.assume_multiple %add3A_813, 16 : i32
      %swap3A_815 = arith.index_cast %multiple_of3A_814 : i32 to index
      %swap3A_816 = tpu.vector_load %arg9[%swap3A_815] {strides = array<i32>} : memref<1024xf32, #tpu.memory_space<vmem>>, vector<16xf32>,
      tpu.vector_store %arg9[%swap3A_815], %gather3A_809 {strides = array<i32>} : memref<1024xf32, #tpu.memory_space<vmem>>, vector<16xf32>,
      %add3A_817 = arith.constant 4 : i32
      %add3A_818 = arith.addi %add3A_637, %add3A_817 : i32
      %lt3A_819 = arith.constant 8 : i32
      %lt3A_820 = arith.cmpi slt, %add3A_818, %lt3A_819 : i32
      %convert_element_type3A_821 = arith.extui %lt3A_820 : i1 to i32
      %cond3A_822 = arith.constant 0 : i32
      %cond3A_823 = arith.cmpi ne, %convert_element_type3A_821, %cond3A_822 : i32
      scf.if %cond3A_823 {
        %add3A_824 = arith.constant 4 : i32
        %add3A_825 = arith.addi %add3A_637, %add3A_824 : i32
        %mul3A_826 = arith.constant 200 : i32
        %mul3A_827 = arith.muli %add3A_825, %mul3A_826 : i32
        %add3A_828 = arith.addi %mul3A_5, %mul3A_827 : i32
        %dma_start3A_829 = arith.constant 3 : i32
        %dma_start3A_830 = arith.constant 0 : i32
        %dma_start3A_831 = arith.constant 0 : i32
        %dma_start3A_832 = tpu.memref_slice %arg8[%dma_start3A_829, %dma_start3A_830, %dma_start3A_831] : memref<4x200x112xf32, #tpu.memory_space<vmem>> -> memref<1x200x112xf32, #tpu.memory_space<vmem>>
        %dma_start3A_833 = tpu.memref_squeeze %dma_start3A_832 : memref<1x200x112xf32, #tpu.memory_space<vmem>> -> memref<200x112xf32, #tpu.memory_space<vmem>>
        %dma_start3A_834 = arith.constant 0 : i32
        %dma_start3A_835 = tpu.memref_slice %arg2[%add3A_828, %dma_start3A_834] : memref<102400x112xf32, #tpu.memory_space<hbm>> -> memref<200x112xf32, #tpu.memory_space<hbm>>
        %dma_start3A_836 = arith.constant 0 : i32
        %dma_start3A_837 = arith.constant 0 : i32
        %dma_start3A_838 = tpu.memref_slice %arg8[%dma_start3A_829, %dma_start3A_836, %dma_start3A_837] : memref<4x200x112xf32, #tpu.memory_space<vmem>> -> memref<1x200x112xf32, #tpu.memory_space<vmem>>
        %dma_start3A_839 = tpu.memref_squeeze %dma_start3A_838 : memref<1x200x112xf32, #tpu.memory_space<vmem>> -> memref<200x112xf32, #tpu.memory_space<vmem>>
        %dma_start3A_840 = arith.constant 0 : i32
        %dma_start3A_841 = tpu.memref_slice %arg2[%add3A_828, %dma_start3A_840] : memref<102400x112xf32, #tpu.memory_space<hbm>> -> memref<200x112xf32, #tpu.memory_space<hbm>>
        tpu.enqueue_dma source(%dma_start3A_841 : memref<200x112xf32, #tpu.memory_space<hbm>>) target(%dma_start3A_839 : memref<200x112xf32, #tpu.memory_space<vmem>>) target_semaphore(%arg13 : memref<!tpu.dma_semaphore, #tpu.memory_space<semaphore_mem>>)
      } else {
      }
    }
    %scan3A_75 = arith.constant 2 : i32
    "tpu.region"() ({
      %run_scoped3A = tpu.sem_alloc : memref<!tpu.dma_semaphore, #tpu.memory_space<semaphore_mem>>
      %dma_start3A_76 = arith.constant 0 : i32
      %dma_start3A_77 = tpu.memref_slice %arg4[%add3A, %dma_start3A_76] : memref<32x1024xf32, #tpu.memory_space<hbm>> -> memref<1x1024xf32, #tpu.memory_space<hbm>>
      %dma_start3A_78 = tpu.memref_squeeze %dma_start3A_77 : memref<1x1024xf32, #tpu.memory_space<hbm>> -> memref<1024xf32, #tpu.memory_space<hbm>>
      %dma_start3A_79 = arith.constant 0 : i32
      %dma_start3A_80 = tpu.memref_slice %arg4[%add3A, %dma_start3A_79] : memref<32x1024xf32, #tpu.memory_space<hbm>> -> memref<1x1024xf32, #tpu.memory_space<hbm>>
      %dma_start3A_81 = tpu.memref_squeeze %dma_start3A_80 : memref<1x1024xf32, #tpu.memory_space<hbm>> -> memref<1024xf32, #tpu.memory_space<hbm>>
      tpu.enqueue_dma source(%arg9 : memref<1024xf32, #tpu.memory_space<vmem>>) target(%dma_start3A_81 : memref<1024xf32, #tpu.memory_space<hbm>>) target_semaphore(%run_scoped3A : memref<!tpu.dma_semaphore, #tpu.memory_space<semaphore_mem>>)
      %dma_wait3A = arith.constant 0 : i32
      %dma_wait3A_82 = tpu.memref_slice %arg4[%add3A, %dma_wait3A] : memref<32x1024xf32, #tpu.memory_space<hbm>> -> memref<1x1024xf32, #tpu.memory_space<hbm>>
      %dma_wait3A_83 = tpu.memref_squeeze %dma_wait3A_82 : memref<1x1024xf32, #tpu.memory_space<hbm>> -> memref<1024xf32, #tpu.memory_space<hbm>>
      %dma_wait3A_84 = arith.constant 0 : i32
      %dma_wait3A_85 = tpu.memref_slice %arg4[%add3A, %dma_wait3A_84] : memref<32x1024xf32, #tpu.memory_space<hbm>> -> memref<1x1024xf32, #tpu.memory_space<hbm>>
      %dma_wait3A_86 = tpu.memref_squeeze %dma_wait3A_85 : memref<1x1024xf32, #tpu.memory_space<hbm>> -> memref<1024xf32, #tpu.memory_space<hbm>>
      tpu.wait_dma2 semaphore(%run_scoped3A : memref<!tpu.dma_semaphore, #tpu.memory_space<semaphore_mem>>) src(%arg9 : memref<1024xf32, #tpu.memory_space<vmem>>) dst(%dma_wait3A_86 : memref<1024xf32, #tpu.memory_space<hbm>>)
      tpu.yield
    }) : () -> ()
    return
  }
}

module attributes {stable_mosaic.version = 14 : i64} {
  func.func @_tc_loss_body(%arg0: memref<32x1024xf32, #tpu.memory_space<vmem>>, %arg1: memref<32x1024xf32, #tpu.memory_space<vmem>>, %arg2: memref<64x128xi32, #tpu.memory_space<vmem>>, %arg3: memref<64x128xi32, #tpu.memory_space<vmem>>, %arg4: memref<64x128xi32, #tpu.memory_space<vmem>>, %arg5: memref<64x128xf32, #tpu.memory_space<vmem>>, %arg6: memref<64x128xf32, #tpu.memory_space<vmem>>, %arg7: memref<1x1xf32, #tpu.memory_space<smem>>) attributes {dimension_semantics = [], scalar_prefetch = 0 : i64, scratch_operands = 0 : i64, tpu.core_type = #tpu.core_type<tc>} {
    %get3A = arith.constant 0 : index
    %get3A_0 = arith.constant 0 : index
    %get3A_1 = vector.load %arg0[%get3A, %get3A_0] : memref<32x1024xf32, #tpu.memory_space<vmem>>, vector<32x128xf32>
    %get3A_2 = arith.constant 0 : index
    %get3A_3 = arith.constant 0 : index
    %get3A_4 = vector.load %arg1[%get3A_2, %get3A_3] : memref<32x1024xf32, #tpu.memory_space<vmem>>, vector<32x128xf32>
    %concatenate3A = tpu.concatenate %get3A_1, %get3A_4 in 0 : vector<32x128xf32>, vector<32x128xf32> -> vector<64x128xf32>
    %get3A_5 = arith.constant 0 : index
    %get3A_6 = arith.constant 128 : index
    %get3A_7 = vector.load %arg0[%get3A_5, %get3A_6] : memref<32x1024xf32, #tpu.memory_space<vmem>>, vector<32x128xf32>
    %get3A_8 = arith.constant 0 : index
    %get3A_9 = arith.constant 128 : index
    %get3A_10 = vector.load %arg1[%get3A_8, %get3A_9] : memref<32x1024xf32, #tpu.memory_space<vmem>>, vector<32x128xf32>
    %concatenate3A_11 = tpu.concatenate %get3A_7, %get3A_10 in 0 : vector<32x128xf32>, vector<32x128xf32> -> vector<64x128xf32>
    %get3A_12 = arith.constant 0 : index
    %get3A_13 = arith.constant 256 : index
    %get3A_14 = vector.load %arg0[%get3A_12, %get3A_13] : memref<32x1024xf32, #tpu.memory_space<vmem>>, vector<32x128xf32>
    %get3A_15 = arith.constant 0 : index
    %get3A_16 = arith.constant 256 : index
    %get3A_17 = vector.load %arg1[%get3A_15, %get3A_16] : memref<32x1024xf32, #tpu.memory_space<vmem>>, vector<32x128xf32>
    %concatenate3A_18 = tpu.concatenate %get3A_14, %get3A_17 in 0 : vector<32x128xf32>, vector<32x128xf32> -> vector<64x128xf32>
    %get3A_19 = arith.constant 0 : index
    %get3A_20 = arith.constant 384 : index
    %get3A_21 = vector.load %arg0[%get3A_19, %get3A_20] : memref<32x1024xf32, #tpu.memory_space<vmem>>, vector<32x128xf32>
    %get3A_22 = arith.constant 0 : index
    %get3A_23 = arith.constant 384 : index
    %get3A_24 = vector.load %arg1[%get3A_22, %get3A_23] : memref<32x1024xf32, #tpu.memory_space<vmem>>, vector<32x128xf32>
    %concatenate3A_25 = tpu.concatenate %get3A_21, %get3A_24 in 0 : vector<32x128xf32>, vector<32x128xf32> -> vector<64x128xf32>
    %get3A_26 = arith.constant 0 : index
    %get3A_27 = arith.constant 512 : index
    %get3A_28 = vector.load %arg0[%get3A_26, %get3A_27] : memref<32x1024xf32, #tpu.memory_space<vmem>>, vector<32x128xf32>
    %get3A_29 = arith.constant 0 : index
    %get3A_30 = arith.constant 512 : index
    %get3A_31 = vector.load %arg1[%get3A_29, %get3A_30] : memref<32x1024xf32, #tpu.memory_space<vmem>>, vector<32x128xf32>
    %concatenate3A_32 = tpu.concatenate %get3A_28, %get3A_31 in 0 : vector<32x128xf32>, vector<32x128xf32> -> vector<64x128xf32>
    %get3A_33 = arith.constant 0 : index
    %get3A_34 = arith.constant 640 : index
    %get3A_35 = vector.load %arg0[%get3A_33, %get3A_34] : memref<32x1024xf32, #tpu.memory_space<vmem>>, vector<32x128xf32>
    %get3A_36 = arith.constant 0 : index
    %get3A_37 = arith.constant 640 : index
    %get3A_38 = vector.load %arg1[%get3A_36, %get3A_37] : memref<32x1024xf32, #tpu.memory_space<vmem>>, vector<32x128xf32>
    %concatenate3A_39 = tpu.concatenate %get3A_35, %get3A_38 in 0 : vector<32x128xf32>, vector<32x128xf32> -> vector<64x128xf32>
    %get3A_40 = arith.constant 0 : index
    %get3A_41 = arith.constant 768 : index
    %get3A_42 = vector.load %arg0[%get3A_40, %get3A_41] : memref<32x1024xf32, #tpu.memory_space<vmem>>, vector<32x128xf32>
    %get3A_43 = arith.constant 0 : index
    %get3A_44 = arith.constant 768 : index
    %get3A_45 = vector.load %arg1[%get3A_43, %get3A_44] : memref<32x1024xf32, #tpu.memory_space<vmem>>, vector<32x128xf32>
    %concatenate3A_46 = tpu.concatenate %get3A_42, %get3A_45 in 0 : vector<32x128xf32>, vector<32x128xf32> -> vector<64x128xf32>
    %get3A_47 = arith.constant 0 : index
    %get3A_48 = arith.constant 896 : index
    %get3A_49 = vector.load %arg0[%get3A_47, %get3A_48] : memref<32x1024xf32, #tpu.memory_space<vmem>>, vector<32x128xf32>
    %get3A_50 = arith.constant 0 : index
    %get3A_51 = arith.constant 896 : index
    %get3A_52 = vector.load %arg1[%get3A_50, %get3A_51] : memref<32x1024xf32, #tpu.memory_space<vmem>>, vector<32x128xf32>
    %concatenate3A_53 = tpu.concatenate %get3A_49, %get3A_52 in 0 : vector<32x128xf32>, vector<32x128xf32> -> vector<64x128xf32>
    %get3A_54 = arith.constant 0 : index
    %get3A_55 = arith.constant 0 : index
    %get3A_56 = vector.load %arg2[%get3A_54, %get3A_55] : memref<64x128xi32, #tpu.memory_space<vmem>>, vector<64x128xi32>
    %ne3A = arith.constant 0 : i32
    %ne3A_57 = vector.broadcast %ne3A : i32 to vector<64x128xi32>
    %ne3A_58 = arith.cmpi ne, %get3A_56, %ne3A_57 : vector<64x128xi32>
    %convert_element_type3A = arith.extui %ne3A_58 : vector<64x128xi1> to vector<64x128xi32>
    %convert_element_type3A_59 = arith.sitofp %convert_element_type3A : vector<64x128xi32> to vector<64x128xf32>
    %get3A_60 = arith.constant 0 : index
    %get3A_61 = arith.constant 0 : index
    %get3A_62 = vector.load %arg3[%get3A_60, %get3A_61] : memref<64x128xi32, #tpu.memory_space<vmem>>, vector<64x128xi32>
    %get3A_63 = arith.constant 0 : index
    %get3A_64 = arith.constant 0 : index
    %get3A_65 = vector.load %arg4[%get3A_63, %get3A_64] : memref<64x128xi32, #tpu.memory_space<vmem>>, vector<64x128xi32>
    %get3A_66 = arith.constant 0 : index
    %get3A_67 = arith.constant 0 : index
    %get3A_68 = vector.load %arg5[%get3A_66, %get3A_67] : memref<64x128xf32, #tpu.memory_space<vmem>>, vector<64x128xf32>
    %get3A_69 = arith.constant 0 : index
    %get3A_70 = arith.constant 0 : index
    %get3A_71 = vector.load %arg6[%get3A_69, %get3A_70] : memref<64x128xf32, #tpu.memory_space<vmem>>, vector<64x128xf32>
    %reduce_sum3A = vector.shape_cast %convert_element_type3A_59 : vector<64x128xf32> to vector<1x64x128xf32>
    %reduce_sum3A_72 = arith.constant dense<0.000000e+00> : vector<1xf32>
    %reduce_sum3A_73 = vector.multi_reduction <add>, %reduce_sum3A, %reduce_sum3A_72 [1, 2] : vector<1x64x128xf32> to vector<1xf32>
    %reduce_sum3A_74 = vector.shape_cast %reduce_sum3A_73 : vector<1xf32> to vector<1x1x1xf32>
    %reduce_sum3A_75 = vector.extract %reduce_sum3A_74[0, 0, 0] : f32 from vector<1x1x1xf32>
    %max3A = arith.maximumf %concatenate3A, %concatenate3A_11 : vector<64x128xf32>
    %sub3A = arith.subf %concatenate3A, %max3A : vector<64x128xf32>
    %exp3A = math.exp %sub3A : vector<64x128xf32>
    %sub3A_76 = arith.subf %concatenate3A_11, %max3A : vector<64x128xf32>
    %exp3A_77 = math.exp %sub3A_76 : vector<64x128xf32>
    %add3A = arith.addf %exp3A, %exp3A_77 : vector<64x128xf32>
    %log3A = math.log %add3A : vector<64x128xf32>
    %add3A_78 = arith.addf %max3A, %log3A : vector<64x128xf32>
    %eq3A = arith.constant 0 : i32
    %eq3A_79 = vector.broadcast %eq3A : i32 to vector<64x128xi32>
    %eq3A_80 = arith.cmpi eq, %get3A_62, %eq3A_79 : vector<64x128xi32>
    %select_n3A = arith.select %eq3A_80, %concatenate3A, %concatenate3A_11 : vector<64x128xi1>, vector<64x128xf32>
    %sub3A_81 = arith.subf %add3A_78, %select_n3A : vector<64x128xf32>
    %mul3A = arith.mulf %sub3A_81, %convert_element_type3A_59 : vector<64x128xf32>
    %reduce_sum3A_82 = vector.shape_cast %mul3A : vector<64x128xf32> to vector<1x64x128xf32>
    %reduce_sum3A_83 = arith.constant dense<0.000000e+00> : vector<1xf32>
    %reduce_sum3A_84 = vector.multi_reduction <add>, %reduce_sum3A_82, %reduce_sum3A_83 [1, 2] : vector<1x64x128xf32> to vector<1xf32>
    %reduce_sum3A_85 = vector.shape_cast %reduce_sum3A_84 : vector<1xf32> to vector<1x1x1xf32>
    %reduce_sum3A_86 = vector.extract %reduce_sum3A_85[0, 0, 0] : f32 from vector<1x1x1xf32>
    %gt3A = arith.constant 0.000000e+00 : f32
    %gt3A_87 = arith.cmpf ogt, %reduce_sum3A_75, %gt3A : f32
    %max3A_88 = arith.constant 1.000000e+00 : f32
    %max3A_89 = arith.maximumf %reduce_sum3A_75, %max3A_88 : f32
    %div3A = arith.divf %reduce_sum3A_86, %max3A_89 : f32
    %jit3A = arith.constant 0.000000e+00 : f32
    %select_n3A_90 = arith.select %gt3A_87, %div3A, %jit3A : f32
    %max3A_91 = arith.maximumf %concatenate3A_32, %concatenate3A_39 : vector<64x128xf32>
    %sub3A_92 = arith.subf %concatenate3A_32, %max3A_91 : vector<64x128xf32>
    %exp3A_93 = math.exp %sub3A_92 : vector<64x128xf32>
    %sub3A_94 = arith.subf %concatenate3A_39, %max3A_91 : vector<64x128xf32>
    %exp3A_95 = math.exp %sub3A_94 : vector<64x128xf32>
    %add3A_96 = arith.addf %exp3A_93, %exp3A_95 : vector<64x128xf32>
    %log3A_97 = math.log %add3A_96 : vector<64x128xf32>
    %add3A_98 = arith.addf %max3A_91, %log3A_97 : vector<64x128xf32>
    %eq3A_99 = arith.constant 0 : i32
    %eq3A_100 = vector.broadcast %eq3A_99 : i32 to vector<64x128xi32>
    %eq3A_101 = arith.cmpi eq, %get3A_65, %eq3A_100 : vector<64x128xi32>
    %select_n3A_102 = arith.select %eq3A_101, %concatenate3A_32, %concatenate3A_39 : vector<64x128xi1>, vector<64x128xf32>
    %sub3A_103 = arith.subf %add3A_98, %select_n3A_102 : vector<64x128xf32>
    %mul3A_104 = arith.mulf %sub3A_103, %convert_element_type3A_59 : vector<64x128xf32>
    %reduce_sum3A_105 = vector.shape_cast %mul3A_104 : vector<64x128xf32> to vector<1x64x128xf32>
    %reduce_sum3A_106 = arith.constant dense<0.000000e+00> : vector<1xf32>
    %reduce_sum3A_107 = vector.multi_reduction <add>, %reduce_sum3A_105, %reduce_sum3A_106 [1, 2] : vector<1x64x128xf32> to vector<1xf32>
    %reduce_sum3A_108 = vector.shape_cast %reduce_sum3A_107 : vector<1xf32> to vector<1x1x1xf32>
    %reduce_sum3A_109 = vector.extract %reduce_sum3A_108[0, 0, 0] : f32 from vector<1x1x1xf32>
    %gt3A_110 = arith.constant 0.000000e+00 : f32
    %gt3A_111 = arith.cmpf ogt, %reduce_sum3A_75, %gt3A_110 : f32
    %max3A_112 = arith.constant 1.000000e+00 : f32
    %max3A_113 = arith.maximumf %reduce_sum3A_75, %max3A_112 : f32
    %div3A_114 = arith.divf %reduce_sum3A_109, %max3A_113 : f32
    %jit3A_115 = arith.constant 0.000000e+00 : f32
    %select_n3A_116 = arith.select %gt3A_111, %div3A_114, %jit3A_115 : f32
    %ne3A_117 = arith.constant 0 : i32
    %ne3A_118 = vector.broadcast %ne3A_117 : i32 to vector<64x128xi32>
    %ne3A_119 = arith.cmpi ne, %get3A_62, %ne3A_118 : vector<64x128xi32>
    %convert_element_type3A_120 = arith.extui %ne3A_119 : vector<64x128xi1> to vector<64x128xi32>
    %convert_element_type3A_121 = arith.sitofp %convert_element_type3A_120 : vector<64x128xi32> to vector<64x128xf32>
    %sin3A = math.sin %get3A_68 : vector<64x128xf32>
    %sub3A_122 = arith.subf %concatenate3A_18, %sin3A : vector<64x128xf32>
    %abs3A = math.absf %sub3A_122 : vector<64x128xf32>
    %lt3A = arith.constant 1.000000e+00 : f32
    %lt3A_123 = vector.broadcast %lt3A : f32 to vector<64x128xf32>
    %lt3A_124 = arith.cmpf olt, %abs3A, %lt3A_123 : vector<64x128xf32>
    %mul3A_125 = arith.constant 5.000000e-01 : f32
    %mul3A_126 = vector.broadcast %mul3A_125 : f32 to vector<64x128xf32>
    %mul3A_127 = arith.mulf %mul3A_126, %abs3A : vector<64x128xf32>
    %mul3A_128 = arith.mulf %mul3A_127, %abs3A : vector<64x128xf32>
    %sub3A_129 = arith.constant 5.000000e-01 : f32
    %sub3A_130 = vector.broadcast %sub3A_129 : f32 to vector<64x128xf32>
    %sub3A_131 = arith.subf %abs3A, %sub3A_130 : vector<64x128xf32>
    %select_n3A_132 = arith.select %lt3A_124, %mul3A_128, %sub3A_131 : vector<64x128xi1>, vector<64x128xf32>
    %reduce_sum3A_133 = vector.shape_cast %convert_element_type3A_121 : vector<64x128xf32> to vector<1x64x128xf32>
    %reduce_sum3A_134 = arith.constant dense<0.000000e+00> : vector<1xf32>
    %reduce_sum3A_135 = vector.multi_reduction <add>, %reduce_sum3A_133, %reduce_sum3A_134 [1, 2] : vector<1x64x128xf32> to vector<1xf32>
    %reduce_sum3A_136 = vector.shape_cast %reduce_sum3A_135 : vector<1xf32> to vector<1x1x1xf32>
    %reduce_sum3A_137 = vector.extract %reduce_sum3A_136[0, 0, 0] : f32 from vector<1x1x1xf32>
    %mul3A_138 = arith.mulf %select_n3A_132, %convert_element_type3A_121 : vector<64x128xf32>
    %reduce_sum3A_139 = vector.shape_cast %mul3A_138 : vector<64x128xf32> to vector<1x64x128xf32>
    %reduce_sum3A_140 = arith.constant dense<0.000000e+00> : vector<1xf32>
    %reduce_sum3A_141 = vector.multi_reduction <add>, %reduce_sum3A_139, %reduce_sum3A_140 [1, 2] : vector<1x64x128xf32> to vector<1xf32>
    %reduce_sum3A_142 = vector.shape_cast %reduce_sum3A_141 : vector<1xf32> to vector<1x1x1xf32>
    %reduce_sum3A_143 = vector.extract %reduce_sum3A_142[0, 0, 0] : f32 from vector<1x1x1xf32>
    %gt3A_144 = arith.constant 0.000000e+00 : f32
    %gt3A_145 = arith.cmpf ogt, %reduce_sum3A_137, %gt3A_144 : f32
    %max3A_146 = arith.constant 1.000000e+00 : f32
    %max3A_147 = arith.maximumf %reduce_sum3A_137, %max3A_146 : f32
    %div3A_148 = arith.divf %reduce_sum3A_143, %max3A_147 : f32
    %jit3A_149 = arith.constant 0.000000e+00 : f32
    %select_n3A_150 = arith.select %gt3A_145, %div3A_148, %jit3A_149 : f32
    %cos3A = math.cos %get3A_68 : vector<64x128xf32>
    %sub3A_151 = arith.subf %concatenate3A_25, %cos3A : vector<64x128xf32>
    %abs3A_152 = math.absf %sub3A_151 : vector<64x128xf32>
    %lt3A_153 = arith.constant 1.000000e+00 : f32
    %lt3A_154 = vector.broadcast %lt3A_153 : f32 to vector<64x128xf32>
    %lt3A_155 = arith.cmpf olt, %abs3A_152, %lt3A_154 : vector<64x128xf32>
    %mul3A_156 = arith.constant 5.000000e-01 : f32
    %mul3A_157 = vector.broadcast %mul3A_156 : f32 to vector<64x128xf32>
    %mul3A_158 = arith.mulf %mul3A_157, %abs3A_152 : vector<64x128xf32>
    %mul3A_159 = arith.mulf %mul3A_158, %abs3A_152 : vector<64x128xf32>
    %sub3A_160 = arith.constant 5.000000e-01 : f32
    %sub3A_161 = vector.broadcast %sub3A_160 : f32 to vector<64x128xf32>
    %sub3A_162 = arith.subf %abs3A_152, %sub3A_161 : vector<64x128xf32>
    %select_n3A_163 = arith.select %lt3A_155, %mul3A_159, %sub3A_162 : vector<64x128xi1>, vector<64x128xf32>
    %reduce_sum3A_164 = vector.shape_cast %convert_element_type3A_121 : vector<64x128xf32> to vector<1x64x128xf32>
    %reduce_sum3A_165 = arith.constant dense<0.000000e+00> : vector<1xf32>
    %reduce_sum3A_166 = vector.multi_reduction <add>, %reduce_sum3A_164, %reduce_sum3A_165 [1, 2] : vector<1x64x128xf32> to vector<1xf32>
    %reduce_sum3A_167 = vector.shape_cast %reduce_sum3A_166 : vector<1xf32> to vector<1x1x1xf32>
    %reduce_sum3A_168 = vector.extract %reduce_sum3A_167[0, 0, 0] : f32 from vector<1x1x1xf32>
    %mul3A_169 = arith.mulf %select_n3A_163, %convert_element_type3A_121 : vector<64x128xf32>
    %reduce_sum3A_170 = vector.shape_cast %mul3A_169 : vector<64x128xf32> to vector<1x64x128xf32>
    %reduce_sum3A_171 = arith.constant dense<0.000000e+00> : vector<1xf32>
    %reduce_sum3A_172 = vector.multi_reduction <add>, %reduce_sum3A_170, %reduce_sum3A_171 [1, 2] : vector<1x64x128xf32> to vector<1xf32>
    %reduce_sum3A_173 = vector.shape_cast %reduce_sum3A_172 : vector<1xf32> to vector<1x1x1xf32>
    %reduce_sum3A_174 = vector.extract %reduce_sum3A_173[0, 0, 0] : f32 from vector<1x1x1xf32>
    %gt3A_175 = arith.constant 0.000000e+00 : f32
    %gt3A_176 = arith.cmpf ogt, %reduce_sum3A_168, %gt3A_175 : f32
    %max3A_177 = arith.constant 1.000000e+00 : f32
    %max3A_178 = arith.maximumf %reduce_sum3A_168, %max3A_177 : f32
    %div3A_179 = arith.divf %reduce_sum3A_174, %max3A_178 : f32
    %jit3A_180 = arith.constant 0.000000e+00 : f32
    %select_n3A_181 = arith.select %gt3A_176, %div3A_179, %jit3A_180 : f32
    %gt3A_182 = arith.constant 0.000000e+00 : f32
    %gt3A_183 = arith.cmpf ogt, %reduce_sum3A_137, %gt3A_182 : f32
    %add3A_184 = arith.addf %select_n3A_150, %select_n3A_181 : f32
    %jit3A_185 = arith.constant 0.000000e+00 : f32
    %select_n3A_186 = arith.select %gt3A_183, %add3A_184, %jit3A_185 : f32
    %ne3A_187 = arith.constant 0 : i32
    %ne3A_188 = vector.broadcast %ne3A_187 : i32 to vector<64x128xi32>
    %ne3A_189 = arith.cmpi ne, %get3A_65, %ne3A_188 : vector<64x128xi32>
    %convert_element_type3A_190 = arith.extui %ne3A_189 : vector<64x128xi1> to vector<64x128xi32>
    %convert_element_type3A_191 = arith.sitofp %convert_element_type3A_190 : vector<64x128xi32> to vector<64x128xf32>
    %sin3A_192 = math.sin %get3A_71 : vector<64x128xf32>
    %sub3A_193 = arith.subf %concatenate3A_46, %sin3A_192 : vector<64x128xf32>
    %abs3A_194 = math.absf %sub3A_193 : vector<64x128xf32>
    %lt3A_195 = arith.constant 1.000000e+00 : f32
    %lt3A_196 = vector.broadcast %lt3A_195 : f32 to vector<64x128xf32>
    %lt3A_197 = arith.cmpf olt, %abs3A_194, %lt3A_196 : vector<64x128xf32>
    %mul3A_198 = arith.constant 5.000000e-01 : f32
    %mul3A_199 = vector.broadcast %mul3A_198 : f32 to vector<64x128xf32>
    %mul3A_200 = arith.mulf %mul3A_199, %abs3A_194 : vector<64x128xf32>
    %mul3A_201 = arith.mulf %mul3A_200, %abs3A_194 : vector<64x128xf32>
    %sub3A_202 = arith.constant 5.000000e-01 : f32
    %sub3A_203 = vector.broadcast %sub3A_202 : f32 to vector<64x128xf32>
    %sub3A_204 = arith.subf %abs3A_194, %sub3A_203 : vector<64x128xf32>
    %select_n3A_205 = arith.select %lt3A_197, %mul3A_201, %sub3A_204 : vector<64x128xi1>, vector<64x128xf32>
    %reduce_sum3A_206 = vector.shape_cast %convert_element_type3A_191 : vector<64x128xf32> to vector<1x64x128xf32>
    %reduce_sum3A_207 = arith.constant dense<0.000000e+00> : vector<1xf32>
    %reduce_sum3A_208 = vector.multi_reduction <add>, %reduce_sum3A_206, %reduce_sum3A_207 [1, 2] : vector<1x64x128xf32> to vector<1xf32>
    %reduce_sum3A_209 = vector.shape_cast %reduce_sum3A_208 : vector<1xf32> to vector<1x1x1xf32>
    %reduce_sum3A_210 = vector.extract %reduce_sum3A_209[0, 0, 0] : f32 from vector<1x1x1xf32>
    %mul3A_211 = arith.mulf %select_n3A_205, %convert_element_type3A_191 : vector<64x128xf32>
    %reduce_sum3A_212 = vector.shape_cast %mul3A_211 : vector<64x128xf32> to vector<1x64x128xf32>
    %reduce_sum3A_213 = arith.constant dense<0.000000e+00> : vector<1xf32>
    %reduce_sum3A_214 = vector.multi_reduction <add>, %reduce_sum3A_212, %reduce_sum3A_213 [1, 2] : vector<1x64x128xf32> to vector<1xf32>
    %reduce_sum3A_215 = vector.shape_cast %reduce_sum3A_214 : vector<1xf32> to vector<1x1x1xf32>
    %reduce_sum3A_216 = vector.extract %reduce_sum3A_215[0, 0, 0] : f32 from vector<1x1x1xf32>
    %gt3A_217 = arith.constant 0.000000e+00 : f32
    %gt3A_218 = arith.cmpf ogt, %reduce_sum3A_210, %gt3A_217 : f32
    %max3A_219 = arith.constant 1.000000e+00 : f32
    %max3A_220 = arith.maximumf %reduce_sum3A_210, %max3A_219 : f32
    %div3A_221 = arith.divf %reduce_sum3A_216, %max3A_220 : f32
    %jit3A_222 = arith.constant 0.000000e+00 : f32
    %select_n3A_223 = arith.select %gt3A_218, %div3A_221, %jit3A_222 : f32
    %cos3A_224 = math.cos %get3A_71 : vector<64x128xf32>
    %sub3A_225 = arith.subf %concatenate3A_53, %cos3A_224 : vector<64x128xf32>
    %abs3A_226 = math.absf %sub3A_225 : vector<64x128xf32>
    %lt3A_227 = arith.constant 1.000000e+00 : f32
    %lt3A_228 = vector.broadcast %lt3A_227 : f32 to vector<64x128xf32>
    %lt3A_229 = arith.cmpf olt, %abs3A_226, %lt3A_228 : vector<64x128xf32>
    %mul3A_230 = arith.constant 5.000000e-01 : f32
    %mul3A_231 = vector.broadcast %mul3A_230 : f32 to vector<64x128xf32>
    %mul3A_232 = arith.mulf %mul3A_231, %abs3A_226 : vector<64x128xf32>
    %mul3A_233 = arith.mulf %mul3A_232, %abs3A_226 : vector<64x128xf32>
    %sub3A_234 = arith.constant 5.000000e-01 : f32
    %sub3A_235 = vector.broadcast %sub3A_234 : f32 to vector<64x128xf32>
    %sub3A_236 = arith.subf %abs3A_226, %sub3A_235 : vector<64x128xf32>
    %select_n3A_237 = arith.select %lt3A_229, %mul3A_233, %sub3A_236 : vector<64x128xi1>, vector<64x128xf32>
    %reduce_sum3A_238 = vector.shape_cast %convert_element_type3A_191 : vector<64x128xf32> to vector<1x64x128xf32>
    %reduce_sum3A_239 = arith.constant dense<0.000000e+00> : vector<1xf32>
    %reduce_sum3A_240 = vector.multi_reduction <add>, %reduce_sum3A_238, %reduce_sum3A_239 [1, 2] : vector<1x64x128xf32> to vector<1xf32>
    %reduce_sum3A_241 = vector.shape_cast %reduce_sum3A_240 : vector<1xf32> to vector<1x1x1xf32>
    %reduce_sum3A_242 = vector.extract %reduce_sum3A_241[0, 0, 0] : f32 from vector<1x1x1xf32>
    %mul3A_243 = arith.mulf %select_n3A_237, %convert_element_type3A_191 : vector<64x128xf32>
    %reduce_sum3A_244 = vector.shape_cast %mul3A_243 : vector<64x128xf32> to vector<1x64x128xf32>
    %reduce_sum3A_245 = arith.constant dense<0.000000e+00> : vector<1xf32>
    %reduce_sum3A_246 = vector.multi_reduction <add>, %reduce_sum3A_244, %reduce_sum3A_245 [1, 2] : vector<1x64x128xf32> to vector<1xf32>
    %reduce_sum3A_247 = vector.shape_cast %reduce_sum3A_246 : vector<1xf32> to vector<1x1x1xf32>
    %reduce_sum3A_248 = vector.extract %reduce_sum3A_247[0, 0, 0] : f32 from vector<1x1x1xf32>
    %gt3A_249 = arith.constant 0.000000e+00 : f32
    %gt3A_250 = arith.cmpf ogt, %reduce_sum3A_242, %gt3A_249 : f32
    %max3A_251 = arith.constant 1.000000e+00 : f32
    %max3A_252 = arith.maximumf %reduce_sum3A_242, %max3A_251 : f32
    %div3A_253 = arith.divf %reduce_sum3A_248, %max3A_252 : f32
    %jit3A_254 = arith.constant 0.000000e+00 : f32
    %select_n3A_255 = arith.select %gt3A_250, %div3A_253, %jit3A_254 : f32
    %gt3A_256 = arith.constant 0.000000e+00 : f32
    %gt3A_257 = arith.cmpf ogt, %reduce_sum3A_210, %gt3A_256 : f32
    %add3A_258 = arith.addf %select_n3A_223, %select_n3A_255 : f32
    %jit3A_259 = arith.constant 0.000000e+00 : f32
    %select_n3A_260 = arith.select %gt3A_257, %add3A_258, %jit3A_259 : f32
    %add3A_261 = arith.addf %select_n3A_90, %select_n3A_116 : f32
    %add3A_262 = arith.addf %add3A_261, %select_n3A_186 : f32
    %add3A_263 = arith.addf %add3A_262, %select_n3A_260 : f32
    %swap3A = arith.constant 0 : index
    %swap3A_264 = arith.constant 0 : index
    %swap3A_265 = memref.load %arg7[%swap3A, %swap3A_264] : memref<1x1xf32, #tpu.memory_space<smem>>
    memref.store %add3A_263, %arg7[%swap3A, %swap3A_264] : memref<1x1xf32, #tpu.memory_space<smem>>
    return
  }
}

module attributes {stable_mosaic.version = 14 : i64} {
  func.func @_tc_gather_body(%arg0: i32, %arg1: memref<8x128xi32, #tpu.memory_space<vmem>>, %arg2: memref<12800x112xf32, #tpu.memory_space<vmem>>, %arg3: memref<8x1024xf32, #tpu.memory_space<vmem>>) attributes {dimension_semantics = [#tpu.dimension_semantics<arbitrary>], iteration_bounds = array<i64: 4>, scalar_prefetch = 0 : i64, scratch_operands = 0 : i64, tpu.core_type = #tpu.core_type<tc>, window_params = [{transform_indices = @transform_0, window_bounds = array<i64: 8, 128>}, {transform_indices = @transform_1, window_bounds = array<i64: 12800, 112>}, {transform_indices = @transform_2, window_bounds = array<i64: 8, 1024>}]} {
    %iota3A = tpu.iota {dimensions = array<i32: 0>} : vector<200x128xi32>
    %iota3A_0 = tpu.iota {dimensions = array<i32: 0>} : vector<112x128xi32>
    %get3A = arith.constant 0 : index
    %get3A_1 = arith.constant 0 : index
    %get3A_2 = vector.load %arg1[%get3A, %get3A_1] : memref<8x128xi32, #tpu.memory_space<vmem>>, vector<1x128xi32>
    %mul3A = arith.constant 5243 : i32
    %mul3A_3 = vector.broadcast %mul3A : i32 to vector<1x128xi32>
    %mul3A_4 = arith.muli %get3A_2, %mul3A_3 : vector<1x128xi32>
    %shift_right_logical3A = arith.constant 20 : i32
    %shift_right_logical3A_5 = vector.broadcast %shift_right_logical3A : i32 to vector<1x128xi32>
    %shift_right_logical3A_6 = arith.shrui %mul3A_4, %shift_right_logical3A_5 : vector<1x128xi32>
    %mul3A_7 = arith.constant 200 : i32
    %mul3A_8 = vector.broadcast %mul3A_7 : i32 to vector<1x128xi32>
    %mul3A_9 = arith.muli %shift_right_logical3A_6, %mul3A_8 : vector<1x128xi32>
    %sub3A = arith.subi %get3A_2, %mul3A_9 : vector<1x128xi32>
    %broadcast_in_dim3A = vector.shape_cast %shift_right_logical3A_6 : vector<1x128xi32> to vector<1x128xi32>
    %broadcast_in_dim3A_10 = vector.broadcast %broadcast_in_dim3A : vector<1x128xi32> to vector<112x128xi32>
    %eq3A = arith.cmpi eq, %iota3A_0, %broadcast_in_dim3A_10 : vector<112x128xi32>
    %convert_element_type3A = arith.extui %eq3A : vector<112x128xi1> to vector<112x128xi32>
    %convert_element_type3A_11 = arith.sitofp %convert_element_type3A : vector<112x128xi32> to vector<112x128xf32>
    %broadcast_in_dim3A_12 = vector.shape_cast %sub3A : vector<1x128xi32> to vector<1x128xi32>
    %broadcast_in_dim3A_13 = vector.broadcast %broadcast_in_dim3A_12 : vector<1x128xi32> to vector<200x128xi32>
    %eq3A_14 = arith.cmpi eq, %iota3A, %broadcast_in_dim3A_13 : vector<200x128xi32>
    %convert_element_type3A_15 = arith.extui %eq3A_14 : vector<200x128xi1> to vector<200x128xi32>
    %convert_element_type3A_16 = arith.sitofp %convert_element_type3A_15 : vector<200x128xi32> to vector<200x128xf32>
    %get3A_17 = arith.constant 0 : index
    %get3A_18 = arith.constant 0 : index
    %get3A_19 = vector.load %arg2[%get3A_17, %get3A_18] : memref<12800x112xf32, #tpu.memory_space<vmem>>, vector<200x112xf32>
    %dot_general3A = arith.constant dense<0.000000e+00> : vector<200x128xf32>
    %dot_general3A_20 = tpu.matmul %get3A_19, %convert_element_type3A_11, %dot_general3A {dimension_numbers = #tpu.dot_dimension_numbers<[1], [0], [0], [1], [0, 0, 1, 1], [], []>, transpose_lhs_hint = false} : vector<200x112xf32>, vector<112x128xf32>, vector<200x128xf32> -> vector<200x128xf32>
    %mul3A_21 = arith.mulf %convert_element_type3A_16, %dot_general3A_20 : vector<200x128xf32>
    %reduce_sum3A = arith.constant dense<0.000000e+00> : vector<128xf32>
    %reduce_sum3A_22 = vector.multi_reduction <add>, %mul3A_21, %reduce_sum3A [0] : vector<200x128xf32> to vector<128xf32>
    %broadcast_in_dim3A_23 = vector.shape_cast %reduce_sum3A_22 : vector<128xf32> to vector<1x128xf32>
    %swap3A = arith.constant 0 : index
    %swap3A_24 = arith.constant 0 : index
    %swap3A_25 = vector.load %arg3[%swap3A, %swap3A_24] : memref<8x1024xf32, #tpu.memory_space<vmem>>, vector<1x128xf32>
    tpu.vector_store %arg3[%swap3A, %swap3A_24], %broadcast_in_dim3A_23 {strides = array<i32>} : memref<8x1024xf32, #tpu.memory_space<vmem>>, vector<1x128xf32>,
    %get3A_26 = arith.constant 200 : index
    %get3A_27 = arith.constant 0 : index
    %get3A_28 = vector.load %arg2[%get3A_26, %get3A_27] : memref<12800x112xf32, #tpu.memory_space<vmem>>, vector<200x112xf32>
    %dot_general3A_29 = arith.constant dense<0.000000e+00> : vector<200x128xf32>
    %dot_general3A_30 = tpu.matmul %get3A_28, %convert_element_type3A_11, %dot_general3A_29 {dimension_numbers = #tpu.dot_dimension_numbers<[1], [0], [0], [1], [0, 0, 1, 1], [], []>, transpose_lhs_hint = false} : vector<200x112xf32>, vector<112x128xf32>, vector<200x128xf32> -> vector<200x128xf32>
    %mul3A_31 = arith.mulf %convert_element_type3A_16, %dot_general3A_30 : vector<200x128xf32>
    %reduce_sum3A_32 = arith.constant dense<0.000000e+00> : vector<128xf32>
    %reduce_sum3A_33 = vector.multi_reduction <add>, %mul3A_31, %reduce_sum3A_32 [0] : vector<200x128xf32> to vector<128xf32>
    %broadcast_in_dim3A_34 = vector.shape_cast %reduce_sum3A_33 : vector<128xf32> to vector<1x128xf32>
    %swap3A_35 = arith.constant 0 : index
    %swap3A_36 = arith.constant 128 : index
    %swap3A_37 = vector.load %arg3[%swap3A_35, %swap3A_36] : memref<8x1024xf32, #tpu.memory_space<vmem>>, vector<1x128xf32>
    tpu.vector_store %arg3[%swap3A_35, %swap3A_36], %broadcast_in_dim3A_34 {strides = array<i32>} : memref<8x1024xf32, #tpu.memory_space<vmem>>, vector<1x128xf32>,
    %get3A_38 = arith.constant 400 : index
    %get3A_39 = arith.constant 0 : index
    %get3A_40 = vector.load %arg2[%get3A_38, %get3A_39] : memref<12800x112xf32, #tpu.memory_space<vmem>>, vector<200x112xf32>
    %dot_general3A_41 = arith.constant dense<0.000000e+00> : vector<200x128xf32>
    %dot_general3A_42 = tpu.matmul %get3A_40, %convert_element_type3A_11, %dot_general3A_41 {dimension_numbers = #tpu.dot_dimension_numbers<[1], [0], [0], [1], [0, 0, 1, 1], [], []>, transpose_lhs_hint = false} : vector<200x112xf32>, vector<112x128xf32>, vector<200x128xf32> -> vector<200x128xf32>
    %mul3A_43 = arith.mulf %convert_element_type3A_16, %dot_general3A_42 : vector<200x128xf32>
    %reduce_sum3A_44 = arith.constant dense<0.000000e+00> : vector<128xf32>
    %reduce_sum3A_45 = vector.multi_reduction <add>, %mul3A_43, %reduce_sum3A_44 [0] : vector<200x128xf32> to vector<128xf32>
    %broadcast_in_dim3A_46 = vector.shape_cast %reduce_sum3A_45 : vector<128xf32> to vector<1x128xf32>
    %swap3A_47 = arith.constant 0 : index
    %swap3A_48 = arith.constant 256 : index
    %swap3A_49 = vector.load %arg3[%swap3A_47, %swap3A_48] : memref<8x1024xf32, #tpu.memory_space<vmem>>, vector<1x128xf32>
    tpu.vector_store %arg3[%swap3A_47, %swap3A_48], %broadcast_in_dim3A_46 {strides = array<i32>} : memref<8x1024xf32, #tpu.memory_space<vmem>>, vector<1x128xf32>,
    %get3A_50 = arith.constant 600 : index
    %get3A_51 = arith.constant 0 : index
    %get3A_52 = vector.load %arg2[%get3A_50, %get3A_51] : memref<12800x112xf32, #tpu.memory_space<vmem>>, vector<200x112xf32>
    %dot_general3A_53 = arith.constant dense<0.000000e+00> : vector<200x128xf32>
    %dot_general3A_54 = tpu.matmul %get3A_52, %convert_element_type3A_11, %dot_general3A_53 {dimension_numbers = #tpu.dot_dimension_numbers<[1], [0], [0], [1], [0, 0, 1, 1], [], []>, transpose_lhs_hint = false} : vector<200x112xf32>, vector<112x128xf32>, vector<200x128xf32> -> vector<200x128xf32>
    %mul3A_55 = arith.mulf %convert_element_type3A_16, %dot_general3A_54 : vector<200x128xf32>
    %reduce_sum3A_56 = arith.constant dense<0.000000e+00> : vector<128xf32>
    %reduce_sum3A_57 = vector.multi_reduction <add>, %mul3A_55, %reduce_sum3A_56 [0] : vector<200x128xf32> to vector<128xf32>
    %broadcast_in_dim3A_58 = vector.shape_cast %reduce_sum3A_57 : vector<128xf32> to vector<1x128xf32>
    %swap3A_59 = arith.constant 0 : index
    %swap3A_60 = arith.constant 384 : index
    %swap3A_61 = vector.load %arg3[%swap3A_59, %swap3A_60] : memref<8x1024xf32, #tpu.memory_space<vmem>>, vector<1x128xf32>
    tpu.vector_store %arg3[%swap3A_59, %swap3A_60], %broadcast_in_dim3A_58 {strides = array<i32>} : memref<8x1024xf32, #tpu.memory_space<vmem>>, vector<1x128xf32>,
    %get3A_62 = arith.constant 800 : index
    %get3A_63 = arith.constant 0 : index
    %get3A_64 = vector.load %arg2[%get3A_62, %get3A_63] : memref<12800x112xf32, #tpu.memory_space<vmem>>, vector<200x112xf32>
    %dot_general3A_65 = arith.constant dense<0.000000e+00> : vector<200x128xf32>
    %dot_general3A_66 = tpu.matmul %get3A_64, %convert_element_type3A_11, %dot_general3A_65 {dimension_numbers = #tpu.dot_dimension_numbers<[1], [0], [0], [1], [0, 0, 1, 1], [], []>, transpose_lhs_hint = false} : vector<200x112xf32>, vector<112x128xf32>, vector<200x128xf32> -> vector<200x128xf32>
    %mul3A_67 = arith.mulf %convert_element_type3A_16, %dot_general3A_66 : vector<200x128xf32>
    %reduce_sum3A_68 = arith.constant dense<0.000000e+00> : vector<128xf32>
    %reduce_sum3A_69 = vector.multi_reduction <add>, %mul3A_67, %reduce_sum3A_68 [0] : vector<200x128xf32> to vector<128xf32>
    %broadcast_in_dim3A_70 = vector.shape_cast %reduce_sum3A_69 : vector<128xf32> to vector<1x128xf32>
    %swap3A_71 = arith.constant 0 : index
    %swap3A_72 = arith.constant 512 : index
    %swap3A_73 = vector.load %arg3[%swap3A_71, %swap3A_72] : memref<8x1024xf32, #tpu.memory_space<vmem>>, vector<1x128xf32>
    tpu.vector_store %arg3[%swap3A_71, %swap3A_72], %broadcast_in_dim3A_70 {strides = array<i32>} : memref<8x1024xf32, #tpu.memory_space<vmem>>, vector<1x128xf32>,
    %get3A_74 = arith.constant 1000 : index
    %get3A_75 = arith.constant 0 : index
    %get3A_76 = vector.load %arg2[%get3A_74, %get3A_75] : memref<12800x112xf32, #tpu.memory_space<vmem>>, vector<200x112xf32>
    %dot_general3A_77 = arith.constant dense<0.000000e+00> : vector<200x128xf32>
    %dot_general3A_78 = tpu.matmul %get3A_76, %convert_element_type3A_11, %dot_general3A_77 {dimension_numbers = #tpu.dot_dimension_numbers<[1], [0], [0], [1], [0, 0, 1, 1], [], []>, transpose_lhs_hint = false} : vector<200x112xf32>, vector<112x128xf32>, vector<200x128xf32> -> vector<200x128xf32>
    %mul3A_79 = arith.mulf %convert_element_type3A_16, %dot_general3A_78 : vector<200x128xf32>
    %reduce_sum3A_80 = arith.constant dense<0.000000e+00> : vector<128xf32>
    %reduce_sum3A_81 = vector.multi_reduction <add>, %mul3A_79, %reduce_sum3A_80 [0] : vector<200x128xf32> to vector<128xf32>
    %broadcast_in_dim3A_82 = vector.shape_cast %reduce_sum3A_81 : vector<128xf32> to vector<1x128xf32>
    %swap3A_83 = arith.constant 0 : index
    %swap3A_84 = arith.constant 640 : index
    %swap3A_85 = vector.load %arg3[%swap3A_83, %swap3A_84] : memref<8x1024xf32, #tpu.memory_space<vmem>>, vector<1x128xf32>
    tpu.vector_store %arg3[%swap3A_83, %swap3A_84], %broadcast_in_dim3A_82 {strides = array<i32>} : memref<8x1024xf32, #tpu.memory_space<vmem>>, vector<1x128xf32>,
    %get3A_86 = arith.constant 1200 : index
    %get3A_87 = arith.constant 0 : index
    %get3A_88 = vector.load %arg2[%get3A_86, %get3A_87] : memref<12800x112xf32, #tpu.memory_space<vmem>>, vector<200x112xf32>
    %dot_general3A_89 = arith.constant dense<0.000000e+00> : vector<200x128xf32>
    %dot_general3A_90 = tpu.matmul %get3A_88, %convert_element_type3A_11, %dot_general3A_89 {dimension_numbers = #tpu.dot_dimension_numbers<[1], [0], [0], [1], [0, 0, 1, 1], [], []>, transpose_lhs_hint = false} : vector<200x112xf32>, vector<112x128xf32>, vector<200x128xf32> -> vector<200x128xf32>
    %mul3A_91 = arith.mulf %convert_element_type3A_16, %dot_general3A_90 : vector<200x128xf32>
    %reduce_sum3A_92 = arith.constant dense<0.000000e+00> : vector<128xf32>
    %reduce_sum3A_93 = vector.multi_reduction <add>, %mul3A_91, %reduce_sum3A_92 [0] : vector<200x128xf32> to vector<128xf32>
    %broadcast_in_dim3A_94 = vector.shape_cast %reduce_sum3A_93 : vector<128xf32> to vector<1x128xf32>
    %swap3A_95 = arith.constant 0 : index
    %swap3A_96 = arith.constant 768 : index
    %swap3A_97 = vector.load %arg3[%swap3A_95, %swap3A_96] : memref<8x1024xf32, #tpu.memory_space<vmem>>, vector<1x128xf32>
    tpu.vector_store %arg3[%swap3A_95, %swap3A_96], %broadcast_in_dim3A_94 {strides = array<i32>} : memref<8x1024xf32, #tpu.memory_space<vmem>>, vector<1x128xf32>,
    %get3A_98 = arith.constant 1400 : index
    %get3A_99 = arith.constant 0 : index
    %get3A_100 = vector.load %arg2[%get3A_98, %get3A_99] : memref<12800x112xf32, #tpu.memory_space<vmem>>, vector<200x112xf32>
    %dot_general3A_101 = arith.constant dense<0.000000e+00> : vector<200x128xf32>
    %dot_general3A_102 = tpu.matmul %get3A_100, %convert_element_type3A_11, %dot_general3A_101 {dimension_numbers = #tpu.dot_dimension_numbers<[1], [0], [0], [1], [0, 0, 1, 1], [], []>, transpose_lhs_hint = false} : vector<200x112xf32>, vector<112x128xf32>, vector<200x128xf32> -> vector<200x128xf32>
    %mul3A_103 = arith.mulf %convert_element_type3A_16, %dot_general3A_102 : vector<200x128xf32>
    %reduce_sum3A_104 = arith.constant dense<0.000000e+00> : vector<128xf32>
    %reduce_sum3A_105 = vector.multi_reduction <add>, %mul3A_103, %reduce_sum3A_104 [0] : vector<200x128xf32> to vector<128xf32>
    %broadcast_in_dim3A_106 = vector.shape_cast %reduce_sum3A_105 : vector<128xf32> to vector<1x128xf32>
    %swap3A_107 = arith.constant 0 : index
    %swap3A_108 = arith.constant 896 : index
    %swap3A_109 = vector.load %arg3[%swap3A_107, %swap3A_108] : memref<8x1024xf32, #tpu.memory_space<vmem>>, vector<1x128xf32>
    tpu.vector_store %arg3[%swap3A_107, %swap3A_108], %broadcast_in_dim3A_106 {strides = array<i32>} : memref<8x1024xf32, #tpu.memory_space<vmem>>, vector<1x128xf32>,
    %get3A_110 = arith.constant 1 : index
    %get3A_111 = arith.constant 0 : index
    %get3A_112 = vector.load %arg1[%get3A_110, %get3A_111] : memref<8x128xi32, #tpu.memory_space<vmem>>, vector<1x128xi32>
    %mul3A_113 = arith.constant 5243 : i32
    %mul3A_114 = vector.broadcast %mul3A_113 : i32 to vector<1x128xi32>
    %mul3A_115 = arith.muli %get3A_112, %mul3A_114 : vector<1x128xi32>
    %shift_right_logical3A_116 = arith.constant 20 : i32
    %shift_right_logical3A_117 = vector.broadcast %shift_right_logical3A_116 : i32 to vector<1x128xi32>
    %shift_right_logical3A_118 = arith.shrui %mul3A_115, %shift_right_logical3A_117 : vector<1x128xi32>
    %mul3A_119 = arith.constant 200 : i32
    %mul3A_120 = vector.broadcast %mul3A_119 : i32 to vector<1x128xi32>
    %mul3A_121 = arith.muli %shift_right_logical3A_118, %mul3A_120 : vector<1x128xi32>
    %sub3A_122 = arith.subi %get3A_112, %mul3A_121 : vector<1x128xi32>
    %broadcast_in_dim3A_123 = vector.shape_cast %shift_right_logical3A_118 : vector<1x128xi32> to vector<1x128xi32>
    %broadcast_in_dim3A_124 = vector.broadcast %broadcast_in_dim3A_123 : vector<1x128xi32> to vector<112x128xi32>
    %eq3A_125 = arith.cmpi eq, %iota3A_0, %broadcast_in_dim3A_124 : vector<112x128xi32>
    %convert_element_type3A_126 = arith.extui %eq3A_125 : vector<112x128xi1> to vector<112x128xi32>
    %convert_element_type3A_127 = arith.sitofp %convert_element_type3A_126 : vector<112x128xi32> to vector<112x128xf32>
    %broadcast_in_dim3A_128 = vector.shape_cast %sub3A_122 : vector<1x128xi32> to vector<1x128xi32>
    %broadcast_in_dim3A_129 = vector.broadcast %broadcast_in_dim3A_128 : vector<1x128xi32> to vector<200x128xi32>
    %eq3A_130 = arith.cmpi eq, %iota3A, %broadcast_in_dim3A_129 : vector<200x128xi32>
    %convert_element_type3A_131 = arith.extui %eq3A_130 : vector<200x128xi1> to vector<200x128xi32>
    %convert_element_type3A_132 = arith.sitofp %convert_element_type3A_131 : vector<200x128xi32> to vector<200x128xf32>
    %get3A_133 = arith.constant 1600 : index
    %get3A_134 = arith.constant 0 : index
    %get3A_135 = vector.load %arg2[%get3A_133, %get3A_134] : memref<12800x112xf32, #tpu.memory_space<vmem>>, vector<200x112xf32>
    %dot_general3A_136 = arith.constant dense<0.000000e+00> : vector<200x128xf32>
    %dot_general3A_137 = tpu.matmul %get3A_135, %convert_element_type3A_127, %dot_general3A_136 {dimension_numbers = #tpu.dot_dimension_numbers<[1], [0], [0], [1], [0, 0, 1, 1], [], []>, transpose_lhs_hint = false} : vector<200x112xf32>, vector<112x128xf32>, vector<200x128xf32> -> vector<200x128xf32>
    %mul3A_138 = arith.mulf %convert_element_type3A_132, %dot_general3A_137 : vector<200x128xf32>
    %reduce_sum3A_139 = arith.constant dense<0.000000e+00> : vector<128xf32>
    %reduce_sum3A_140 = vector.multi_reduction <add>, %mul3A_138, %reduce_sum3A_139 [0] : vector<200x128xf32> to vector<128xf32>
    %broadcast_in_dim3A_141 = vector.shape_cast %reduce_sum3A_140 : vector<128xf32> to vector<1x128xf32>
    %swap3A_142 = arith.constant 1 : index
    %swap3A_143 = arith.constant 0 : index
    %swap3A_144 = vector.load %arg3[%swap3A_142, %swap3A_143] : memref<8x1024xf32, #tpu.memory_space<vmem>>, vector<1x128xf32>
    tpu.vector_store %arg3[%swap3A_142, %swap3A_143], %broadcast_in_dim3A_141 {strides = array<i32>} : memref<8x1024xf32, #tpu.memory_space<vmem>>, vector<1x128xf32>,
    %get3A_145 = arith.constant 1800 : index
    %get3A_146 = arith.constant 0 : index
    %get3A_147 = vector.load %arg2[%get3A_145, %get3A_146] : memref<12800x112xf32, #tpu.memory_space<vmem>>, vector<200x112xf32>
    %dot_general3A_148 = arith.constant dense<0.000000e+00> : vector<200x128xf32>
    %dot_general3A_149 = tpu.matmul %get3A_147, %convert_element_type3A_127, %dot_general3A_148 {dimension_numbers = #tpu.dot_dimension_numbers<[1], [0], [0], [1], [0, 0, 1, 1], [], []>, transpose_lhs_hint = false} : vector<200x112xf32>, vector<112x128xf32>, vector<200x128xf32> -> vector<200x128xf32>
    %mul3A_150 = arith.mulf %convert_element_type3A_132, %dot_general3A_149 : vector<200x128xf32>
    %reduce_sum3A_151 = arith.constant dense<0.000000e+00> : vector<128xf32>
    %reduce_sum3A_152 = vector.multi_reduction <add>, %mul3A_150, %reduce_sum3A_151 [0] : vector<200x128xf32> to vector<128xf32>
    %broadcast_in_dim3A_153 = vector.shape_cast %reduce_sum3A_152 : vector<128xf32> to vector<1x128xf32>
    %swap3A_154 = arith.constant 1 : index
    %swap3A_155 = arith.constant 128 : index
    %swap3A_156 = vector.load %arg3[%swap3A_154, %swap3A_155] : memref<8x1024xf32, #tpu.memory_space<vmem>>, vector<1x128xf32>
    tpu.vector_store %arg3[%swap3A_154, %swap3A_155], %broadcast_in_dim3A_153 {strides = array<i32>} : memref<8x1024xf32, #tpu.memory_space<vmem>>, vector<1x128xf32>,
    %get3A_157 = arith.constant 2000 : index
    %get3A_158 = arith.constant 0 : index
    %get3A_159 = vector.load %arg2[%get3A_157, %get3A_158] : memref<12800x112xf32, #tpu.memory_space<vmem>>, vector<200x112xf32>
    %dot_general3A_160 = arith.constant dense<0.000000e+00> : vector<200x128xf32>
    %dot_general3A_161 = tpu.matmul %get3A_159, %convert_element_type3A_127, %dot_general3A_160 {dimension_numbers = #tpu.dot_dimension_numbers<[1], [0], [0], [1], [0, 0, 1, 1], [], []>, transpose_lhs_hint = false} : vector<200x112xf32>, vector<112x128xf32>, vector<200x128xf32> -> vector<200x128xf32>
    %mul3A_162 = arith.mulf %convert_element_type3A_132, %dot_general3A_161 : vector<200x128xf32>
    %reduce_sum3A_163 = arith.constant dense<0.000000e+00> : vector<128xf32>
    %reduce_sum3A_164 = vector.multi_reduction <add>, %mul3A_162, %reduce_sum3A_163 [0] : vector<200x128xf32> to vector<128xf32>
    %broadcast_in_dim3A_165 = vector.shape_cast %reduce_sum3A_164 : vector<128xf32> to vector<1x128xf32>
    %swap3A_166 = arith.constant 1 : index
    %swap3A_167 = arith.constant 256 : index
    %swap3A_168 = vector.load %arg3[%swap3A_166, %swap3A_167] : memref<8x1024xf32, #tpu.memory_space<vmem>>, vector<1x128xf32>
    tpu.vector_store %arg3[%swap3A_166, %swap3A_167], %broadcast_in_dim3A_165 {strides = array<i32>} : memref<8x1024xf32, #tpu.memory_space<vmem>>, vector<1x128xf32>,
    %get3A_169 = arith.constant 2200 : index
    %get3A_170 = arith.constant 0 : index
    %get3A_171 = vector.load %arg2[%get3A_169, %get3A_170] : memref<12800x112xf32, #tpu.memory_space<vmem>>, vector<200x112xf32>
    %dot_general3A_172 = arith.constant dense<0.000000e+00> : vector<200x128xf32>
    %dot_general3A_173 = tpu.matmul %get3A_171, %convert_element_type3A_127, %dot_general3A_172 {dimension_numbers = #tpu.dot_dimension_numbers<[1], [0], [0], [1], [0, 0, 1, 1], [], []>, transpose_lhs_hint = false} : vector<200x112xf32>, vector<112x128xf32>, vector<200x128xf32> -> vector<200x128xf32>
    %mul3A_174 = arith.mulf %convert_element_type3A_132, %dot_general3A_173 : vector<200x128xf32>
    %reduce_sum3A_175 = arith.constant dense<0.000000e+00> : vector<128xf32>
    %reduce_sum3A_176 = vector.multi_reduction <add>, %mul3A_174, %reduce_sum3A_175 [0] : vector<200x128xf32> to vector<128xf32>
    %broadcast_in_dim3A_177 = vector.shape_cast %reduce_sum3A_176 : vector<128xf32> to vector<1x128xf32>
    %swap3A_178 = arith.constant 1 : index
    %swap3A_179 = arith.constant 384 : index
    %swap3A_180 = vector.load %arg3[%swap3A_178, %swap3A_179] : memref<8x1024xf32, #tpu.memory_space<vmem>>, vector<1x128xf32>
    tpu.vector_store %arg3[%swap3A_178, %swap3A_179], %broadcast_in_dim3A_177 {strides = array<i32>} : memref<8x1024xf32, #tpu.memory_space<vmem>>, vector<1x128xf32>,
    %get3A_181 = arith.constant 2400 : index
    %get3A_182 = arith.constant 0 : index
    %get3A_183 = vector.load %arg2[%get3A_181, %get3A_182] : memref<12800x112xf32, #tpu.memory_space<vmem>>, vector<200x112xf32>
    %dot_general3A_184 = arith.constant dense<0.000000e+00> : vector<200x128xf32>
    %dot_general3A_185 = tpu.matmul %get3A_183, %convert_element_type3A_127, %dot_general3A_184 {dimension_numbers = #tpu.dot_dimension_numbers<[1], [0], [0], [1], [0, 0, 1, 1], [], []>, transpose_lhs_hint = false} : vector<200x112xf32>, vector<112x128xf32>, vector<200x128xf32> -> vector<200x128xf32>
    %mul3A_186 = arith.mulf %convert_element_type3A_132, %dot_general3A_185 : vector<200x128xf32>
    %reduce_sum3A_187 = arith.constant dense<0.000000e+00> : vector<128xf32>
    %reduce_sum3A_188 = vector.multi_reduction <add>, %mul3A_186, %reduce_sum3A_187 [0] : vector<200x128xf32> to vector<128xf32>
    %broadcast_in_dim3A_189 = vector.shape_cast %reduce_sum3A_188 : vector<128xf32> to vector<1x128xf32>
    %swap3A_190 = arith.constant 1 : index
    %swap3A_191 = arith.constant 512 : index
    %swap3A_192 = vector.load %arg3[%swap3A_190, %swap3A_191] : memref<8x1024xf32, #tpu.memory_space<vmem>>, vector<1x128xf32>
    tpu.vector_store %arg3[%swap3A_190, %swap3A_191], %broadcast_in_dim3A_189 {strides = array<i32>} : memref<8x1024xf32, #tpu.memory_space<vmem>>, vector<1x128xf32>,
    %get3A_193 = arith.constant 2600 : index
    %get3A_194 = arith.constant 0 : index
    %get3A_195 = vector.load %arg2[%get3A_193, %get3A_194] : memref<12800x112xf32, #tpu.memory_space<vmem>>, vector<200x112xf32>
    %dot_general3A_196 = arith.constant dense<0.000000e+00> : vector<200x128xf32>
    %dot_general3A_197 = tpu.matmul %get3A_195, %convert_element_type3A_127, %dot_general3A_196 {dimension_numbers = #tpu.dot_dimension_numbers<[1], [0], [0], [1], [0, 0, 1, 1], [], []>, transpose_lhs_hint = false} : vector<200x112xf32>, vector<112x128xf32>, vector<200x128xf32> -> vector<200x128xf32>
    %mul3A_198 = arith.mulf %convert_element_type3A_132, %dot_general3A_197 : vector<200x128xf32>
    %reduce_sum3A_199 = arith.constant dense<0.000000e+00> : vector<128xf32>
    %reduce_sum3A_200 = vector.multi_reduction <add>, %mul3A_198, %reduce_sum3A_199 [0] : vector<200x128xf32> to vector<128xf32>
    %broadcast_in_dim3A_201 = vector.shape_cast %reduce_sum3A_200 : vector<128xf32> to vector<1x128xf32>
    %swap3A_202 = arith.constant 1 : index
    %swap3A_203 = arith.constant 640 : index
    %swap3A_204 = vector.load %arg3[%swap3A_202, %swap3A_203] : memref<8x1024xf32, #tpu.memory_space<vmem>>, vector<1x128xf32>
    tpu.vector_store %arg3[%swap3A_202, %swap3A_203], %broadcast_in_dim3A_201 {strides = array<i32>} : memref<8x1024xf32, #tpu.memory_space<vmem>>, vector<1x128xf32>,
    %get3A_205 = arith.constant 2800 : index
    %get3A_206 = arith.constant 0 : index
    %get3A_207 = vector.load %arg2[%get3A_205, %get3A_206] : memref<12800x112xf32, #tpu.memory_space<vmem>>, vector<200x112xf32>
    %dot_general3A_208 = arith.constant dense<0.000000e+00> : vector<200x128xf32>
    %dot_general3A_209 = tpu.matmul %get3A_207, %convert_element_type3A_127, %dot_general3A_208 {dimension_numbers = #tpu.dot_dimension_numbers<[1], [0], [0], [1], [0, 0, 1, 1], [], []>, transpose_lhs_hint = false} : vector<200x112xf32>, vector<112x128xf32>, vector<200x128xf32> -> vector<200x128xf32>
    %mul3A_210 = arith.mulf %convert_element_type3A_132, %dot_general3A_209 : vector<200x128xf32>
    %reduce_sum3A_211 = arith.constant dense<0.000000e+00> : vector<128xf32>
    %reduce_sum3A_212 = vector.multi_reduction <add>, %mul3A_210, %reduce_sum3A_211 [0] : vector<200x128xf32> to vector<128xf32>
    %broadcast_in_dim3A_213 = vector.shape_cast %reduce_sum3A_212 : vector<128xf32> to vector<1x128xf32>
    %swap3A_214 = arith.constant 1 : index
    %swap3A_215 = arith.constant 768 : index
    %swap3A_216 = vector.load %arg3[%swap3A_214, %swap3A_215] : memref<8x1024xf32, #tpu.memory_space<vmem>>, vector<1x128xf32>
    tpu.vector_store %arg3[%swap3A_214, %swap3A_215], %broadcast_in_dim3A_213 {strides = array<i32>} : memref<8x1024xf32, #tpu.memory_space<vmem>>, vector<1x128xf32>,
    %get3A_217 = arith.constant 3000 : index
    %get3A_218 = arith.constant 0 : index
    %get3A_219 = vector.load %arg2[%get3A_217, %get3A_218] : memref<12800x112xf32, #tpu.memory_space<vmem>>, vector<200x112xf32>
    %dot_general3A_220 = arith.constant dense<0.000000e+00> : vector<200x128xf32>
    %dot_general3A_221 = tpu.matmul %get3A_219, %convert_element_type3A_127, %dot_general3A_220 {dimension_numbers = #tpu.dot_dimension_numbers<[1], [0], [0], [1], [0, 0, 1, 1], [], []>, transpose_lhs_hint = false} : vector<200x112xf32>, vector<112x128xf32>, vector<200x128xf32> -> vector<200x128xf32>
    %mul3A_222 = arith.mulf %convert_element_type3A_132, %dot_general3A_221 : vector<200x128xf32>
    %reduce_sum3A_223 = arith.constant dense<0.000000e+00> : vector<128xf32>
    %reduce_sum3A_224 = vector.multi_reduction <add>, %mul3A_222, %reduce_sum3A_223 [0] : vector<200x128xf32> to vector<128xf32>
    %broadcast_in_dim3A_225 = vector.shape_cast %reduce_sum3A_224 : vector<128xf32> to vector<1x128xf32>
    %swap3A_226 = arith.constant 1 : index
    %swap3A_227 = arith.constant 896 : index
    %swap3A_228 = vector.load %arg3[%swap3A_226, %swap3A_227] : memref<8x1024xf32, #tpu.memory_space<vmem>>, vector<1x128xf32>
    tpu.vector_store %arg3[%swap3A_226, %swap3A_227], %broadcast_in_dim3A_225 {strides = array<i32>} : memref<8x1024xf32, #tpu.memory_space<vmem>>, vector<1x128xf32>,
    %get3A_229 = arith.constant 2 : index
    %get3A_230 = arith.constant 0 : index
    %get3A_231 = vector.load %arg1[%get3A_229, %get3A_230] : memref<8x128xi32, #tpu.memory_space<vmem>>, vector<1x128xi32>
    %mul3A_232 = arith.constant 5243 : i32
    %mul3A_233 = vector.broadcast %mul3A_232 : i32 to vector<1x128xi32>
    %mul3A_234 = arith.muli %get3A_231, %mul3A_233 : vector<1x128xi32>
    %shift_right_logical3A_235 = arith.constant 20 : i32
    %shift_right_logical3A_236 = vector.broadcast %shift_right_logical3A_235 : i32 to vector<1x128xi32>
    %shift_right_logical3A_237 = arith.shrui %mul3A_234, %shift_right_logical3A_236 : vector<1x128xi32>
    %mul3A_238 = arith.constant 200 : i32
    %mul3A_239 = vector.broadcast %mul3A_238 : i32 to vector<1x128xi32>
    %mul3A_240 = arith.muli %shift_right_logical3A_237, %mul3A_239 : vector<1x128xi32>
    %sub3A_241 = arith.subi %get3A_231, %mul3A_240 : vector<1x128xi32>
    %broadcast_in_dim3A_242 = vector.shape_cast %shift_right_logical3A_237 : vector<1x128xi32> to vector<1x128xi32>
    %broadcast_in_dim3A_243 = vector.broadcast %broadcast_in_dim3A_242 : vector<1x128xi32> to vector<112x128xi32>
    %eq3A_244 = arith.cmpi eq, %iota3A_0, %broadcast_in_dim3A_243 : vector<112x128xi32>
    %convert_element_type3A_245 = arith.extui %eq3A_244 : vector<112x128xi1> to vector<112x128xi32>
    %convert_element_type3A_246 = arith.sitofp %convert_element_type3A_245 : vector<112x128xi32> to vector<112x128xf32>
    %broadcast_in_dim3A_247 = vector.shape_cast %sub3A_241 : vector<1x128xi32> to vector<1x128xi32>
    %broadcast_in_dim3A_248 = vector.broadcast %broadcast_in_dim3A_247 : vector<1x128xi32> to vector<200x128xi32>
    %eq3A_249 = arith.cmpi eq, %iota3A, %broadcast_in_dim3A_248 : vector<200x128xi32>
    %convert_element_type3A_250 = arith.extui %eq3A_249 : vector<200x128xi1> to vector<200x128xi32>
    %convert_element_type3A_251 = arith.sitofp %convert_element_type3A_250 : vector<200x128xi32> to vector<200x128xf32>
    %get3A_252 = arith.constant 3200 : index
    %get3A_253 = arith.constant 0 : index
    %get3A_254 = vector.load %arg2[%get3A_252, %get3A_253] : memref<12800x112xf32, #tpu.memory_space<vmem>>, vector<200x112xf32>
    %dot_general3A_255 = arith.constant dense<0.000000e+00> : vector<200x128xf32>
    %dot_general3A_256 = tpu.matmul %get3A_254, %convert_element_type3A_246, %dot_general3A_255 {dimension_numbers = #tpu.dot_dimension_numbers<[1], [0], [0], [1], [0, 0, 1, 1], [], []>, transpose_lhs_hint = false} : vector<200x112xf32>, vector<112x128xf32>, vector<200x128xf32> -> vector<200x128xf32>
    %mul3A_257 = arith.mulf %convert_element_type3A_251, %dot_general3A_256 : vector<200x128xf32>
    %reduce_sum3A_258 = arith.constant dense<0.000000e+00> : vector<128xf32>
    %reduce_sum3A_259 = vector.multi_reduction <add>, %mul3A_257, %reduce_sum3A_258 [0] : vector<200x128xf32> to vector<128xf32>
    %broadcast_in_dim3A_260 = vector.shape_cast %reduce_sum3A_259 : vector<128xf32> to vector<1x128xf32>
    %swap3A_261 = arith.constant 2 : index
    %swap3A_262 = arith.constant 0 : index
    %swap3A_263 = vector.load %arg3[%swap3A_261, %swap3A_262] : memref<8x1024xf32, #tpu.memory_space<vmem>>, vector<1x128xf32>
    tpu.vector_store %arg3[%swap3A_261, %swap3A_262], %broadcast_in_dim3A_260 {strides = array<i32>} : memref<8x1024xf32, #tpu.memory_space<vmem>>, vector<1x128xf32>,
    %get3A_264 = arith.constant 3400 : index
    %get3A_265 = arith.constant 0 : index
    %get3A_266 = vector.load %arg2[%get3A_264, %get3A_265] : memref<12800x112xf32, #tpu.memory_space<vmem>>, vector<200x112xf32>
    %dot_general3A_267 = arith.constant dense<0.000000e+00> : vector<200x128xf32>
    %dot_general3A_268 = tpu.matmul %get3A_266, %convert_element_type3A_246, %dot_general3A_267 {dimension_numbers = #tpu.dot_dimension_numbers<[1], [0], [0], [1], [0, 0, 1, 1], [], []>, transpose_lhs_hint = false} : vector<200x112xf32>, vector<112x128xf32>, vector<200x128xf32> -> vector<200x128xf32>
    %mul3A_269 = arith.mulf %convert_element_type3A_251, %dot_general3A_268 : vector<200x128xf32>
    %reduce_sum3A_270 = arith.constant dense<0.000000e+00> : vector<128xf32>
    %reduce_sum3A_271 = vector.multi_reduction <add>, %mul3A_269, %reduce_sum3A_270 [0] : vector<200x128xf32> to vector<128xf32>
    %broadcast_in_dim3A_272 = vector.shape_cast %reduce_sum3A_271 : vector<128xf32> to vector<1x128xf32>
    %swap3A_273 = arith.constant 2 : index
    %swap3A_274 = arith.constant 128 : index
    %swap3A_275 = vector.load %arg3[%swap3A_273, %swap3A_274] : memref<8x1024xf32, #tpu.memory_space<vmem>>, vector<1x128xf32>
    tpu.vector_store %arg3[%swap3A_273, %swap3A_274], %broadcast_in_dim3A_272 {strides = array<i32>} : memref<8x1024xf32, #tpu.memory_space<vmem>>, vector<1x128xf32>,
    %get3A_276 = arith.constant 3600 : index
    %get3A_277 = arith.constant 0 : index
    %get3A_278 = vector.load %arg2[%get3A_276, %get3A_277] : memref<12800x112xf32, #tpu.memory_space<vmem>>, vector<200x112xf32>
    %dot_general3A_279 = arith.constant dense<0.000000e+00> : vector<200x128xf32>
    %dot_general3A_280 = tpu.matmul %get3A_278, %convert_element_type3A_246, %dot_general3A_279 {dimension_numbers = #tpu.dot_dimension_numbers<[1], [0], [0], [1], [0, 0, 1, 1], [], []>, transpose_lhs_hint = false} : vector<200x112xf32>, vector<112x128xf32>, vector<200x128xf32> -> vector<200x128xf32>
    %mul3A_281 = arith.mulf %convert_element_type3A_251, %dot_general3A_280 : vector<200x128xf32>
    %reduce_sum3A_282 = arith.constant dense<0.000000e+00> : vector<128xf32>
    %reduce_sum3A_283 = vector.multi_reduction <add>, %mul3A_281, %reduce_sum3A_282 [0] : vector<200x128xf32> to vector<128xf32>
    %broadcast_in_dim3A_284 = vector.shape_cast %reduce_sum3A_283 : vector<128xf32> to vector<1x128xf32>
    %swap3A_285 = arith.constant 2 : index
    %swap3A_286 = arith.constant 256 : index
    %swap3A_287 = vector.load %arg3[%swap3A_285, %swap3A_286] : memref<8x1024xf32, #tpu.memory_space<vmem>>, vector<1x128xf32>
    tpu.vector_store %arg3[%swap3A_285, %swap3A_286], %broadcast_in_dim3A_284 {strides = array<i32>} : memref<8x1024xf32, #tpu.memory_space<vmem>>, vector<1x128xf32>,
    %get3A_288 = arith.constant 3800 : index
    %get3A_289 = arith.constant 0 : index
    %get3A_290 = vector.load %arg2[%get3A_288, %get3A_289] : memref<12800x112xf32, #tpu.memory_space<vmem>>, vector<200x112xf32>
    %dot_general3A_291 = arith.constant dense<0.000000e+00> : vector<200x128xf32>
    %dot_general3A_292 = tpu.matmul %get3A_290, %convert_element_type3A_246, %dot_general3A_291 {dimension_numbers = #tpu.dot_dimension_numbers<[1], [0], [0], [1], [0, 0, 1, 1], [], []>, transpose_lhs_hint = false} : vector<200x112xf32>, vector<112x128xf32>, vector<200x128xf32> -> vector<200x128xf32>
    %mul3A_293 = arith.mulf %convert_element_type3A_251, %dot_general3A_292 : vector<200x128xf32>
    %reduce_sum3A_294 = arith.constant dense<0.000000e+00> : vector<128xf32>
    %reduce_sum3A_295 = vector.multi_reduction <add>, %mul3A_293, %reduce_sum3A_294 [0] : vector<200x128xf32> to vector<128xf32>
    %broadcast_in_dim3A_296 = vector.shape_cast %reduce_sum3A_295 : vector<128xf32> to vector<1x128xf32>
    %swap3A_297 = arith.constant 2 : index
    %swap3A_298 = arith.constant 384 : index
    %swap3A_299 = vector.load %arg3[%swap3A_297, %swap3A_298] : memref<8x1024xf32, #tpu.memory_space<vmem>>, vector<1x128xf32>
    tpu.vector_store %arg3[%swap3A_297, %swap3A_298], %broadcast_in_dim3A_296 {strides = array<i32>} : memref<8x1024xf32, #tpu.memory_space<vmem>>, vector<1x128xf32>,
    %get3A_300 = arith.constant 4000 : index
    %get3A_301 = arith.constant 0 : index
    %get3A_302 = vector.load %arg2[%get3A_300, %get3A_301] : memref<12800x112xf32, #tpu.memory_space<vmem>>, vector<200x112xf32>
    %dot_general3A_303 = arith.constant dense<0.000000e+00> : vector<200x128xf32>
    %dot_general3A_304 = tpu.matmul %get3A_302, %convert_element_type3A_246, %dot_general3A_303 {dimension_numbers = #tpu.dot_dimension_numbers<[1], [0], [0], [1], [0, 0, 1, 1], [], []>, transpose_lhs_hint = false} : vector<200x112xf32>, vector<112x128xf32>, vector<200x128xf32> -> vector<200x128xf32>
    %mul3A_305 = arith.mulf %convert_element_type3A_251, %dot_general3A_304 : vector<200x128xf32>
    %reduce_sum3A_306 = arith.constant dense<0.000000e+00> : vector<128xf32>
    %reduce_sum3A_307 = vector.multi_reduction <add>, %mul3A_305, %reduce_sum3A_306 [0] : vector<200x128xf32> to vector<128xf32>
    %broadcast_in_dim3A_308 = vector.shape_cast %reduce_sum3A_307 : vector<128xf32> to vector<1x128xf32>
    %swap3A_309 = arith.constant 2 : index
    %swap3A_310 = arith.constant 512 : index
    %swap3A_311 = vector.load %arg3[%swap3A_309, %swap3A_310] : memref<8x1024xf32, #tpu.memory_space<vmem>>, vector<1x128xf32>
    tpu.vector_store %arg3[%swap3A_309, %swap3A_310], %broadcast_in_dim3A_308 {strides = array<i32>} : memref<8x1024xf32, #tpu.memory_space<vmem>>, vector<1x128xf32>,
    %get3A_312 = arith.constant 4200 : index
    %get3A_313 = arith.constant 0 : index
    %get3A_314 = vector.load %arg2[%get3A_312, %get3A_313] : memref<12800x112xf32, #tpu.memory_space<vmem>>, vector<200x112xf32>
    %dot_general3A_315 = arith.constant dense<0.000000e+00> : vector<200x128xf32>
    %dot_general3A_316 = tpu.matmul %get3A_314, %convert_element_type3A_246, %dot_general3A_315 {dimension_numbers = #tpu.dot_dimension_numbers<[1], [0], [0], [1], [0, 0, 1, 1], [], []>, transpose_lhs_hint = false} : vector<200x112xf32>, vector<112x128xf32>, vector<200x128xf32> -> vector<200x128xf32>
    %mul3A_317 = arith.mulf %convert_element_type3A_251, %dot_general3A_316 : vector<200x128xf32>
    %reduce_sum3A_318 = arith.constant dense<0.000000e+00> : vector<128xf32>
    %reduce_sum3A_319 = vector.multi_reduction <add>, %mul3A_317, %reduce_sum3A_318 [0] : vector<200x128xf32> to vector<128xf32>
    %broadcast_in_dim3A_320 = vector.shape_cast %reduce_sum3A_319 : vector<128xf32> to vector<1x128xf32>
    %swap3A_321 = arith.constant 2 : index
    %swap3A_322 = arith.constant 640 : index
    %swap3A_323 = vector.load %arg3[%swap3A_321, %swap3A_322] : memref<8x1024xf32, #tpu.memory_space<vmem>>, vector<1x128xf32>
    tpu.vector_store %arg3[%swap3A_321, %swap3A_322], %broadcast_in_dim3A_320 {strides = array<i32>} : memref<8x1024xf32, #tpu.memory_space<vmem>>, vector<1x128xf32>,
    %get3A_324 = arith.constant 4400 : index
    %get3A_325 = arith.constant 0 : index
    %get3A_326 = vector.load %arg2[%get3A_324, %get3A_325] : memref<12800x112xf32, #tpu.memory_space<vmem>>, vector<200x112xf32>
    %dot_general3A_327 = arith.constant dense<0.000000e+00> : vector<200x128xf32>
    %dot_general3A_328 = tpu.matmul %get3A_326, %convert_element_type3A_246, %dot_general3A_327 {dimension_numbers = #tpu.dot_dimension_numbers<[1], [0], [0], [1], [0, 0, 1, 1], [], []>, transpose_lhs_hint = false} : vector<200x112xf32>, vector<112x128xf32>, vector<200x128xf32> -> vector<200x128xf32>
    %mul3A_329 = arith.mulf %convert_element_type3A_251, %dot_general3A_328 : vector<200x128xf32>
    %reduce_sum3A_330 = arith.constant dense<0.000000e+00> : vector<128xf32>
    %reduce_sum3A_331 = vector.multi_reduction <add>, %mul3A_329, %reduce_sum3A_330 [0] : vector<200x128xf32> to vector<128xf32>
    %broadcast_in_dim3A_332 = vector.shape_cast %reduce_sum3A_331 : vector<128xf32> to vector<1x128xf32>
    %swap3A_333 = arith.constant 2 : index
    %swap3A_334 = arith.constant 768 : index
    %swap3A_335 = vector.load %arg3[%swap3A_333, %swap3A_334] : memref<8x1024xf32, #tpu.memory_space<vmem>>, vector<1x128xf32>
    tpu.vector_store %arg3[%swap3A_333, %swap3A_334], %broadcast_in_dim3A_332 {strides = array<i32>} : memref<8x1024xf32, #tpu.memory_space<vmem>>, vector<1x128xf32>,
    %get3A_336 = arith.constant 4600 : index
    %get3A_337 = arith.constant 0 : index
    %get3A_338 = vector.load %arg2[%get3A_336, %get3A_337] : memref<12800x112xf32, #tpu.memory_space<vmem>>, vector<200x112xf32>
    %dot_general3A_339 = arith.constant dense<0.000000e+00> : vector<200x128xf32>
    %dot_general3A_340 = tpu.matmul %get3A_338, %convert_element_type3A_246, %dot_general3A_339 {dimension_numbers = #tpu.dot_dimension_numbers<[1], [0], [0], [1], [0, 0, 1, 1], [], []>, transpose_lhs_hint = false} : vector<200x112xf32>, vector<112x128xf32>, vector<200x128xf32> -> vector<200x128xf32>
    %mul3A_341 = arith.mulf %convert_element_type3A_251, %dot_general3A_340 : vector<200x128xf32>
    %reduce_sum3A_342 = arith.constant dense<0.000000e+00> : vector<128xf32>
    %reduce_sum3A_343 = vector.multi_reduction <add>, %mul3A_341, %reduce_sum3A_342 [0] : vector<200x128xf32> to vector<128xf32>
    %broadcast_in_dim3A_344 = vector.shape_cast %reduce_sum3A_343 : vector<128xf32> to vector<1x128xf32>
    %swap3A_345 = arith.constant 2 : index
    %swap3A_346 = arith.constant 896 : index
    %swap3A_347 = vector.load %arg3[%swap3A_345, %swap3A_346] : memref<8x1024xf32, #tpu.memory_space<vmem>>, vector<1x128xf32>
    tpu.vector_store %arg3[%swap3A_345, %swap3A_346], %broadcast_in_dim3A_344 {strides = array<i32>} : memref<8x1024xf32, #tpu.memory_space<vmem>>, vector<1x128xf32>,
    %get3A_348 = arith.constant 3 : index
    %get3A_349 = arith.constant 0 : index
    %get3A_350 = vector.load %arg1[%get3A_348, %get3A_349] : memref<8x128xi32, #tpu.memory_space<vmem>>, vector<1x128xi32>
    %mul3A_351 = arith.constant 5243 : i32
    %mul3A_352 = vector.broadcast %mul3A_351 : i32 to vector<1x128xi32>
    %mul3A_353 = arith.muli %get3A_350, %mul3A_352 : vector<1x128xi32>
    %shift_right_logical3A_354 = arith.constant 20 : i32
    %shift_right_logical3A_355 = vector.broadcast %shift_right_logical3A_354 : i32 to vector<1x128xi32>
    %shift_right_logical3A_356 = arith.shrui %mul3A_353, %shift_right_logical3A_355 : vector<1x128xi32>
    %mul3A_357 = arith.constant 200 : i32
    %mul3A_358 = vector.broadcast %mul3A_357 : i32 to vector<1x128xi32>
    %mul3A_359 = arith.muli %shift_right_logical3A_356, %mul3A_358 : vector<1x128xi32>
    %sub3A_360 = arith.subi %get3A_350, %mul3A_359 : vector<1x128xi32>
    %broadcast_in_dim3A_361 = vector.shape_cast %shift_right_logical3A_356 : vector<1x128xi32> to vector<1x128xi32>
    %broadcast_in_dim3A_362 = vector.broadcast %broadcast_in_dim3A_361 : vector<1x128xi32> to vector<112x128xi32>
    %eq3A_363 = arith.cmpi eq, %iota3A_0, %broadcast_in_dim3A_362 : vector<112x128xi32>
    %convert_element_type3A_364 = arith.extui %eq3A_363 : vector<112x128xi1> to vector<112x128xi32>
    %convert_element_type3A_365 = arith.sitofp %convert_element_type3A_364 : vector<112x128xi32> to vector<112x128xf32>
    %broadcast_in_dim3A_366 = vector.shape_cast %sub3A_360 : vector<1x128xi32> to vector<1x128xi32>
    %broadcast_in_dim3A_367 = vector.broadcast %broadcast_in_dim3A_366 : vector<1x128xi32> to vector<200x128xi32>
    %eq3A_368 = arith.cmpi eq, %iota3A, %broadcast_in_dim3A_367 : vector<200x128xi32>
    %convert_element_type3A_369 = arith.extui %eq3A_368 : vector<200x128xi1> to vector<200x128xi32>
    %convert_element_type3A_370 = arith.sitofp %convert_element_type3A_369 : vector<200x128xi32> to vector<200x128xf32>
    %get3A_371 = arith.constant 4800 : index
    %get3A_372 = arith.constant 0 : index
    %get3A_373 = vector.load %arg2[%get3A_371, %get3A_372] : memref<12800x112xf32, #tpu.memory_space<vmem>>, vector<200x112xf32>
    %dot_general3A_374 = arith.constant dense<0.000000e+00> : vector<200x128xf32>
    %dot_general3A_375 = tpu.matmul %get3A_373, %convert_element_type3A_365, %dot_general3A_374 {dimension_numbers = #tpu.dot_dimension_numbers<[1], [0], [0], [1], [0, 0, 1, 1], [], []>, transpose_lhs_hint = false} : vector<200x112xf32>, vector<112x128xf32>, vector<200x128xf32> -> vector<200x128xf32>
    %mul3A_376 = arith.mulf %convert_element_type3A_370, %dot_general3A_375 : vector<200x128xf32>
    %reduce_sum3A_377 = arith.constant dense<0.000000e+00> : vector<128xf32>
    %reduce_sum3A_378 = vector.multi_reduction <add>, %mul3A_376, %reduce_sum3A_377 [0] : vector<200x128xf32> to vector<128xf32>
    %broadcast_in_dim3A_379 = vector.shape_cast %reduce_sum3A_378 : vector<128xf32> to vector<1x128xf32>
    %swap3A_380 = arith.constant 3 : index
    %swap3A_381 = arith.constant 0 : index
    %swap3A_382 = vector.load %arg3[%swap3A_380, %swap3A_381] : memref<8x1024xf32, #tpu.memory_space<vmem>>, vector<1x128xf32>
    tpu.vector_store %arg3[%swap3A_380, %swap3A_381], %broadcast_in_dim3A_379 {strides = array<i32>} : memref<8x1024xf32, #tpu.memory_space<vmem>>, vector<1x128xf32>,
    %get3A_383 = arith.constant 5000 : index
    %get3A_384 = arith.constant 0 : index
    %get3A_385 = vector.load %arg2[%get3A_383, %get3A_384] : memref<12800x112xf32, #tpu.memory_space<vmem>>, vector<200x112xf32>
    %dot_general3A_386 = arith.constant dense<0.000000e+00> : vector<200x128xf32>
    %dot_general3A_387 = tpu.matmul %get3A_385, %convert_element_type3A_365, %dot_general3A_386 {dimension_numbers = #tpu.dot_dimension_numbers<[1], [0], [0], [1], [0, 0, 1, 1], [], []>, transpose_lhs_hint = false} : vector<200x112xf32>, vector<112x128xf32>, vector<200x128xf32> -> vector<200x128xf32>
    %mul3A_388 = arith.mulf %convert_element_type3A_370, %dot_general3A_387 : vector<200x128xf32>
    %reduce_sum3A_389 = arith.constant dense<0.000000e+00> : vector<128xf32>
    %reduce_sum3A_390 = vector.multi_reduction <add>, %mul3A_388, %reduce_sum3A_389 [0] : vector<200x128xf32> to vector<128xf32>
    %broadcast_in_dim3A_391 = vector.shape_cast %reduce_sum3A_390 : vector<128xf32> to vector<1x128xf32>
    %swap3A_392 = arith.constant 3 : index
    %swap3A_393 = arith.constant 128 : index
    %swap3A_394 = vector.load %arg3[%swap3A_392, %swap3A_393] : memref<8x1024xf32, #tpu.memory_space<vmem>>, vector<1x128xf32>
    tpu.vector_store %arg3[%swap3A_392, %swap3A_393], %broadcast_in_dim3A_391 {strides = array<i32>} : memref<8x1024xf32, #tpu.memory_space<vmem>>, vector<1x128xf32>,
    %get3A_395 = arith.constant 5200 : index
    %get3A_396 = arith.constant 0 : index
    %get3A_397 = vector.load %arg2[%get3A_395, %get3A_396] : memref<12800x112xf32, #tpu.memory_space<vmem>>, vector<200x112xf32>
    %dot_general3A_398 = arith.constant dense<0.000000e+00> : vector<200x128xf32>
    %dot_general3A_399 = tpu.matmul %get3A_397, %convert_element_type3A_365, %dot_general3A_398 {dimension_numbers = #tpu.dot_dimension_numbers<[1], [0], [0], [1], [0, 0, 1, 1], [], []>, transpose_lhs_hint = false} : vector<200x112xf32>, vector<112x128xf32>, vector<200x128xf32> -> vector<200x128xf32>
    %mul3A_400 = arith.mulf %convert_element_type3A_370, %dot_general3A_399 : vector<200x128xf32>
    %reduce_sum3A_401 = arith.constant dense<0.000000e+00> : vector<128xf32>
    %reduce_sum3A_402 = vector.multi_reduction <add>, %mul3A_400, %reduce_sum3A_401 [0] : vector<200x128xf32> to vector<128xf32>
    %broadcast_in_dim3A_403 = vector.shape_cast %reduce_sum3A_402 : vector<128xf32> to vector<1x128xf32>
    %swap3A_404 = arith.constant 3 : index
    %swap3A_405 = arith.constant 256 : index
    %swap3A_406 = vector.load %arg3[%swap3A_404, %swap3A_405] : memref<8x1024xf32, #tpu.memory_space<vmem>>, vector<1x128xf32>
    tpu.vector_store %arg3[%swap3A_404, %swap3A_405], %broadcast_in_dim3A_403 {strides = array<i32>} : memref<8x1024xf32, #tpu.memory_space<vmem>>, vector<1x128xf32>,
    %get3A_407 = arith.constant 5400 : index
    %get3A_408 = arith.constant 0 : index
    %get3A_409 = vector.load %arg2[%get3A_407, %get3A_408] : memref<12800x112xf32, #tpu.memory_space<vmem>>, vector<200x112xf32>
    %dot_general3A_410 = arith.constant dense<0.000000e+00> : vector<200x128xf32>
    %dot_general3A_411 = tpu.matmul %get3A_409, %convert_element_type3A_365, %dot_general3A_410 {dimension_numbers = #tpu.dot_dimension_numbers<[1], [0], [0], [1], [0, 0, 1, 1], [], []>, transpose_lhs_hint = false} : vector<200x112xf32>, vector<112x128xf32>, vector<200x128xf32> -> vector<200x128xf32>
    %mul3A_412 = arith.mulf %convert_element_type3A_370, %dot_general3A_411 : vector<200x128xf32>
    %reduce_sum3A_413 = arith.constant dense<0.000000e+00> : vector<128xf32>
    %reduce_sum3A_414 = vector.multi_reduction <add>, %mul3A_412, %reduce_sum3A_413 [0] : vector<200x128xf32> to vector<128xf32>
    %broadcast_in_dim3A_415 = vector.shape_cast %reduce_sum3A_414 : vector<128xf32> to vector<1x128xf32>
    %swap3A_416 = arith.constant 3 : index
    %swap3A_417 = arith.constant 384 : index
    %swap3A_418 = vector.load %arg3[%swap3A_416, %swap3A_417] : memref<8x1024xf32, #tpu.memory_space<vmem>>, vector<1x128xf32>
    tpu.vector_store %arg3[%swap3A_416, %swap3A_417], %broadcast_in_dim3A_415 {strides = array<i32>} : memref<8x1024xf32, #tpu.memory_space<vmem>>, vector<1x128xf32>,
    %get3A_419 = arith.constant 5600 : index
    %get3A_420 = arith.constant 0 : index
    %get3A_421 = vector.load %arg2[%get3A_419, %get3A_420] : memref<12800x112xf32, #tpu.memory_space<vmem>>, vector<200x112xf32>
    %dot_general3A_422 = arith.constant dense<0.000000e+00> : vector<200x128xf32>
    %dot_general3A_423 = tpu.matmul %get3A_421, %convert_element_type3A_365, %dot_general3A_422 {dimension_numbers = #tpu.dot_dimension_numbers<[1], [0], [0], [1], [0, 0, 1, 1], [], []>, transpose_lhs_hint = false} : vector<200x112xf32>, vector<112x128xf32>, vector<200x128xf32> -> vector<200x128xf32>
    %mul3A_424 = arith.mulf %convert_element_type3A_370, %dot_general3A_423 : vector<200x128xf32>
    %reduce_sum3A_425 = arith.constant dense<0.000000e+00> : vector<128xf32>
    %reduce_sum3A_426 = vector.multi_reduction <add>, %mul3A_424, %reduce_sum3A_425 [0] : vector<200x128xf32> to vector<128xf32>
    %broadcast_in_dim3A_427 = vector.shape_cast %reduce_sum3A_426 : vector<128xf32> to vector<1x128xf32>
    %swap3A_428 = arith.constant 3 : index
    %swap3A_429 = arith.constant 512 : index
    %swap3A_430 = vector.load %arg3[%swap3A_428, %swap3A_429] : memref<8x1024xf32, #tpu.memory_space<vmem>>, vector<1x128xf32>
    tpu.vector_store %arg3[%swap3A_428, %swap3A_429], %broadcast_in_dim3A_427 {strides = array<i32>} : memref<8x1024xf32, #tpu.memory_space<vmem>>, vector<1x128xf32>,
    %get3A_431 = arith.constant 5800 : index
    %get3A_432 = arith.constant 0 : index
    %get3A_433 = vector.load %arg2[%get3A_431, %get3A_432] : memref<12800x112xf32, #tpu.memory_space<vmem>>, vector<200x112xf32>
    %dot_general3A_434 = arith.constant dense<0.000000e+00> : vector<200x128xf32>
    %dot_general3A_435 = tpu.matmul %get3A_433, %convert_element_type3A_365, %dot_general3A_434 {dimension_numbers = #tpu.dot_dimension_numbers<[1], [0], [0], [1], [0, 0, 1, 1], [], []>, transpose_lhs_hint = false} : vector<200x112xf32>, vector<112x128xf32>, vector<200x128xf32> -> vector<200x128xf32>
    %mul3A_436 = arith.mulf %convert_element_type3A_370, %dot_general3A_435 : vector<200x128xf32>
    %reduce_sum3A_437 = arith.constant dense<0.000000e+00> : vector<128xf32>
    %reduce_sum3A_438 = vector.multi_reduction <add>, %mul3A_436, %reduce_sum3A_437 [0] : vector<200x128xf32> to vector<128xf32>
    %broadcast_in_dim3A_439 = vector.shape_cast %reduce_sum3A_438 : vector<128xf32> to vector<1x128xf32>
    %swap3A_440 = arith.constant 3 : index
    %swap3A_441 = arith.constant 640 : index
    %swap3A_442 = vector.load %arg3[%swap3A_440, %swap3A_441] : memref<8x1024xf32, #tpu.memory_space<vmem>>, vector<1x128xf32>
    tpu.vector_store %arg3[%swap3A_440, %swap3A_441], %broadcast_in_dim3A_439 {strides = array<i32>} : memref<8x1024xf32, #tpu.memory_space<vmem>>, vector<1x128xf32>,
    %get3A_443 = arith.constant 6000 : index
    %get3A_444 = arith.constant 0 : index
    %get3A_445 = vector.load %arg2[%get3A_443, %get3A_444] : memref<12800x112xf32, #tpu.memory_space<vmem>>, vector<200x112xf32>
    %dot_general3A_446 = arith.constant dense<0.000000e+00> : vector<200x128xf32>
    %dot_general3A_447 = tpu.matmul %get3A_445, %convert_element_type3A_365, %dot_general3A_446 {dimension_numbers = #tpu.dot_dimension_numbers<[1], [0], [0], [1], [0, 0, 1, 1], [], []>, transpose_lhs_hint = false} : vector<200x112xf32>, vector<112x128xf32>, vector<200x128xf32> -> vector<200x128xf32>
    %mul3A_448 = arith.mulf %convert_element_type3A_370, %dot_general3A_447 : vector<200x128xf32>
    %reduce_sum3A_449 = arith.constant dense<0.000000e+00> : vector<128xf32>
    %reduce_sum3A_450 = vector.multi_reduction <add>, %mul3A_448, %reduce_sum3A_449 [0] : vector<200x128xf32> to vector<128xf32>
    %broadcast_in_dim3A_451 = vector.shape_cast %reduce_sum3A_450 : vector<128xf32> to vector<1x128xf32>
    %swap3A_452 = arith.constant 3 : index
    %swap3A_453 = arith.constant 768 : index
    %swap3A_454 = vector.load %arg3[%swap3A_452, %swap3A_453] : memref<8x1024xf32, #tpu.memory_space<vmem>>, vector<1x128xf32>
    tpu.vector_store %arg3[%swap3A_452, %swap3A_453], %broadcast_in_dim3A_451 {strides = array<i32>} : memref<8x1024xf32, #tpu.memory_space<vmem>>, vector<1x128xf32>,
    %get3A_455 = arith.constant 6200 : index
    %get3A_456 = arith.constant 0 : index
    %get3A_457 = vector.load %arg2[%get3A_455, %get3A_456] : memref<12800x112xf32, #tpu.memory_space<vmem>>, vector<200x112xf32>
    %dot_general3A_458 = arith.constant dense<0.000000e+00> : vector<200x128xf32>
    %dot_general3A_459 = tpu.matmul %get3A_457, %convert_element_type3A_365, %dot_general3A_458 {dimension_numbers = #tpu.dot_dimension_numbers<[1], [0], [0], [1], [0, 0, 1, 1], [], []>, transpose_lhs_hint = false} : vector<200x112xf32>, vector<112x128xf32>, vector<200x128xf32> -> vector<200x128xf32>
    %mul3A_460 = arith.mulf %convert_element_type3A_370, %dot_general3A_459 : vector<200x128xf32>
    %reduce_sum3A_461 = arith.constant dense<0.000000e+00> : vector<128xf32>
    %reduce_sum3A_462 = vector.multi_reduction <add>, %mul3A_460, %reduce_sum3A_461 [0] : vector<200x128xf32> to vector<128xf32>
    %broadcast_in_dim3A_463 = vector.shape_cast %reduce_sum3A_462 : vector<128xf32> to vector<1x128xf32>
    %swap3A_464 = arith.constant 3 : index
    %swap3A_465 = arith.constant 896 : index
    %swap3A_466 = vector.load %arg3[%swap3A_464, %swap3A_465] : memref<8x1024xf32, #tpu.memory_space<vmem>>, vector<1x128xf32>
    tpu.vector_store %arg3[%swap3A_464, %swap3A_465], %broadcast_in_dim3A_463 {strides = array<i32>} : memref<8x1024xf32, #tpu.memory_space<vmem>>, vector<1x128xf32>,
    %get3A_467 = arith.constant 4 : index
    %get3A_468 = arith.constant 0 : index
    %get3A_469 = vector.load %arg1[%get3A_467, %get3A_468] : memref<8x128xi32, #tpu.memory_space<vmem>>, vector<1x128xi32>
    %mul3A_470 = arith.constant 5243 : i32
    %mul3A_471 = vector.broadcast %mul3A_470 : i32 to vector<1x128xi32>
    %mul3A_472 = arith.muli %get3A_469, %mul3A_471 : vector<1x128xi32>
    %shift_right_logical3A_473 = arith.constant 20 : i32
    %shift_right_logical3A_474 = vector.broadcast %shift_right_logical3A_473 : i32 to vector<1x128xi32>
    %shift_right_logical3A_475 = arith.shrui %mul3A_472, %shift_right_logical3A_474 : vector<1x128xi32>
    %mul3A_476 = arith.constant 200 : i32
    %mul3A_477 = vector.broadcast %mul3A_476 : i32 to vector<1x128xi32>
    %mul3A_478 = arith.muli %shift_right_logical3A_475, %mul3A_477 : vector<1x128xi32>
    %sub3A_479 = arith.subi %get3A_469, %mul3A_478 : vector<1x128xi32>
    %broadcast_in_dim3A_480 = vector.shape_cast %shift_right_logical3A_475 : vector<1x128xi32> to vector<1x128xi32>
    %broadcast_in_dim3A_481 = vector.broadcast %broadcast_in_dim3A_480 : vector<1x128xi32> to vector<112x128xi32>
    %eq3A_482 = arith.cmpi eq, %iota3A_0, %broadcast_in_dim3A_481 : vector<112x128xi32>
    %convert_element_type3A_483 = arith.extui %eq3A_482 : vector<112x128xi1> to vector<112x128xi32>
    %convert_element_type3A_484 = arith.sitofp %convert_element_type3A_483 : vector<112x128xi32> to vector<112x128xf32>
    %broadcast_in_dim3A_485 = vector.shape_cast %sub3A_479 : vector<1x128xi32> to vector<1x128xi32>
    %broadcast_in_dim3A_486 = vector.broadcast %broadcast_in_dim3A_485 : vector<1x128xi32> to vector<200x128xi32>
    %eq3A_487 = arith.cmpi eq, %iota3A, %broadcast_in_dim3A_486 : vector<200x128xi32>
    %convert_element_type3A_488 = arith.extui %eq3A_487 : vector<200x128xi1> to vector<200x128xi32>
    %convert_element_type3A_489 = arith.sitofp %convert_element_type3A_488 : vector<200x128xi32> to vector<200x128xf32>
    %get3A_490 = arith.constant 6400 : index
    %get3A_491 = arith.constant 0 : index
    %get3A_492 = vector.load %arg2[%get3A_490, %get3A_491] : memref<12800x112xf32, #tpu.memory_space<vmem>>, vector<200x112xf32>
    %dot_general3A_493 = arith.constant dense<0.000000e+00> : vector<200x128xf32>
    %dot_general3A_494 = tpu.matmul %get3A_492, %convert_element_type3A_484, %dot_general3A_493 {dimension_numbers = #tpu.dot_dimension_numbers<[1], [0], [0], [1], [0, 0, 1, 1], [], []>, transpose_lhs_hint = false} : vector<200x112xf32>, vector<112x128xf32>, vector<200x128xf32> -> vector<200x128xf32>
    %mul3A_495 = arith.mulf %convert_element_type3A_489, %dot_general3A_494 : vector<200x128xf32>
    %reduce_sum3A_496 = arith.constant dense<0.000000e+00> : vector<128xf32>
    %reduce_sum3A_497 = vector.multi_reduction <add>, %mul3A_495, %reduce_sum3A_496 [0] : vector<200x128xf32> to vector<128xf32>
    %broadcast_in_dim3A_498 = vector.shape_cast %reduce_sum3A_497 : vector<128xf32> to vector<1x128xf32>
    %swap3A_499 = arith.constant 4 : index
    %swap3A_500 = arith.constant 0 : index
    %swap3A_501 = vector.load %arg3[%swap3A_499, %swap3A_500] : memref<8x1024xf32, #tpu.memory_space<vmem>>, vector<1x128xf32>
    tpu.vector_store %arg3[%swap3A_499, %swap3A_500], %broadcast_in_dim3A_498 {strides = array<i32>} : memref<8x1024xf32, #tpu.memory_space<vmem>>, vector<1x128xf32>,
    %get3A_502 = arith.constant 6600 : index
    %get3A_503 = arith.constant 0 : index
    %get3A_504 = vector.load %arg2[%get3A_502, %get3A_503] : memref<12800x112xf32, #tpu.memory_space<vmem>>, vector<200x112xf32>
    %dot_general3A_505 = arith.constant dense<0.000000e+00> : vector<200x128xf32>
    %dot_general3A_506 = tpu.matmul %get3A_504, %convert_element_type3A_484, %dot_general3A_505 {dimension_numbers = #tpu.dot_dimension_numbers<[1], [0], [0], [1], [0, 0, 1, 1], [], []>, transpose_lhs_hint = false} : vector<200x112xf32>, vector<112x128xf32>, vector<200x128xf32> -> vector<200x128xf32>
    %mul3A_507 = arith.mulf %convert_element_type3A_489, %dot_general3A_506 : vector<200x128xf32>
    %reduce_sum3A_508 = arith.constant dense<0.000000e+00> : vector<128xf32>
    %reduce_sum3A_509 = vector.multi_reduction <add>, %mul3A_507, %reduce_sum3A_508 [0] : vector<200x128xf32> to vector<128xf32>
    %broadcast_in_dim3A_510 = vector.shape_cast %reduce_sum3A_509 : vector<128xf32> to vector<1x128xf32>
    %swap3A_511 = arith.constant 4 : index
    %swap3A_512 = arith.constant 128 : index
    %swap3A_513 = vector.load %arg3[%swap3A_511, %swap3A_512] : memref<8x1024xf32, #tpu.memory_space<vmem>>, vector<1x128xf32>
    tpu.vector_store %arg3[%swap3A_511, %swap3A_512], %broadcast_in_dim3A_510 {strides = array<i32>} : memref<8x1024xf32, #tpu.memory_space<vmem>>, vector<1x128xf32>,
    %get3A_514 = arith.constant 6800 : index
    %get3A_515 = arith.constant 0 : index
    %get3A_516 = vector.load %arg2[%get3A_514, %get3A_515] : memref<12800x112xf32, #tpu.memory_space<vmem>>, vector<200x112xf32>
    %dot_general3A_517 = arith.constant dense<0.000000e+00> : vector<200x128xf32>
    %dot_general3A_518 = tpu.matmul %get3A_516, %convert_element_type3A_484, %dot_general3A_517 {dimension_numbers = #tpu.dot_dimension_numbers<[1], [0], [0], [1], [0, 0, 1, 1], [], []>, transpose_lhs_hint = false} : vector<200x112xf32>, vector<112x128xf32>, vector<200x128xf32> -> vector<200x128xf32>
    %mul3A_519 = arith.mulf %convert_element_type3A_489, %dot_general3A_518 : vector<200x128xf32>
    %reduce_sum3A_520 = arith.constant dense<0.000000e+00> : vector<128xf32>
    %reduce_sum3A_521 = vector.multi_reduction <add>, %mul3A_519, %reduce_sum3A_520 [0] : vector<200x128xf32> to vector<128xf32>
    %broadcast_in_dim3A_522 = vector.shape_cast %reduce_sum3A_521 : vector<128xf32> to vector<1x128xf32>
    %swap3A_523 = arith.constant 4 : index
    %swap3A_524 = arith.constant 256 : index
    %swap3A_525 = vector.load %arg3[%swap3A_523, %swap3A_524] : memref<8x1024xf32, #tpu.memory_space<vmem>>, vector<1x128xf32>
    tpu.vector_store %arg3[%swap3A_523, %swap3A_524], %broadcast_in_dim3A_522 {strides = array<i32>} : memref<8x1024xf32, #tpu.memory_space<vmem>>, vector<1x128xf32>,
    %get3A_526 = arith.constant 7000 : index
    %get3A_527 = arith.constant 0 : index
    %get3A_528 = vector.load %arg2[%get3A_526, %get3A_527] : memref<12800x112xf32, #tpu.memory_space<vmem>>, vector<200x112xf32>
    %dot_general3A_529 = arith.constant dense<0.000000e+00> : vector<200x128xf32>
    %dot_general3A_530 = tpu.matmul %get3A_528, %convert_element_type3A_484, %dot_general3A_529 {dimension_numbers = #tpu.dot_dimension_numbers<[1], [0], [0], [1], [0, 0, 1, 1], [], []>, transpose_lhs_hint = false} : vector<200x112xf32>, vector<112x128xf32>, vector<200x128xf32> -> vector<200x128xf32>
    %mul3A_531 = arith.mulf %convert_element_type3A_489, %dot_general3A_530 : vector<200x128xf32>
    %reduce_sum3A_532 = arith.constant dense<0.000000e+00> : vector<128xf32>
    %reduce_sum3A_533 = vector.multi_reduction <add>, %mul3A_531, %reduce_sum3A_532 [0] : vector<200x128xf32> to vector<128xf32>
    %broadcast_in_dim3A_534 = vector.shape_cast %reduce_sum3A_533 : vector<128xf32> to vector<1x128xf32>
    %swap3A_535 = arith.constant 4 : index
    %swap3A_536 = arith.constant 384 : index
    %swap3A_537 = vector.load %arg3[%swap3A_535, %swap3A_536] : memref<8x1024xf32, #tpu.memory_space<vmem>>, vector<1x128xf32>
    tpu.vector_store %arg3[%swap3A_535, %swap3A_536], %broadcast_in_dim3A_534 {strides = array<i32>} : memref<8x1024xf32, #tpu.memory_space<vmem>>, vector<1x128xf32>,
    %get3A_538 = arith.constant 7200 : index
    %get3A_539 = arith.constant 0 : index
    %get3A_540 = vector.load %arg2[%get3A_538, %get3A_539] : memref<12800x112xf32, #tpu.memory_space<vmem>>, vector<200x112xf32>
    %dot_general3A_541 = arith.constant dense<0.000000e+00> : vector<200x128xf32>
    %dot_general3A_542 = tpu.matmul %get3A_540, %convert_element_type3A_484, %dot_general3A_541 {dimension_numbers = #tpu.dot_dimension_numbers<[1], [0], [0], [1], [0, 0, 1, 1], [], []>, transpose_lhs_hint = false} : vector<200x112xf32>, vector<112x128xf32>, vector<200x128xf32> -> vector<200x128xf32>
    %mul3A_543 = arith.mulf %convert_element_type3A_489, %dot_general3A_542 : vector<200x128xf32>
    %reduce_sum3A_544 = arith.constant dense<0.000000e+00> : vector<128xf32>
    %reduce_sum3A_545 = vector.multi_reduction <add>, %mul3A_543, %reduce_sum3A_544 [0] : vector<200x128xf32> to vector<128xf32>
    %broadcast_in_dim3A_546 = vector.shape_cast %reduce_sum3A_545 : vector<128xf32> to vector<1x128xf32>
    %swap3A_547 = arith.constant 4 : index
    %swap3A_548 = arith.constant 512 : index
    %swap3A_549 = vector.load %arg3[%swap3A_547, %swap3A_548] : memref<8x1024xf32, #tpu.memory_space<vmem>>, vector<1x128xf32>
    tpu.vector_store %arg3[%swap3A_547, %swap3A_548], %broadcast_in_dim3A_546 {strides = array<i32>} : memref<8x1024xf32, #tpu.memory_space<vmem>>, vector<1x128xf32>,
    %get3A_550 = arith.constant 7400 : index
    %get3A_551 = arith.constant 0 : index
    %get3A_552 = vector.load %arg2[%get3A_550, %get3A_551] : memref<12800x112xf32, #tpu.memory_space<vmem>>, vector<200x112xf32>
    %dot_general3A_553 = arith.constant dense<0.000000e+00> : vector<200x128xf32>
    %dot_general3A_554 = tpu.matmul %get3A_552, %convert_element_type3A_484, %dot_general3A_553 {dimension_numbers = #tpu.dot_dimension_numbers<[1], [0], [0], [1], [0, 0, 1, 1], [], []>, transpose_lhs_hint = false} : vector<200x112xf32>, vector<112x128xf32>, vector<200x128xf32> -> vector<200x128xf32>
    %mul3A_555 = arith.mulf %convert_element_type3A_489, %dot_general3A_554 : vector<200x128xf32>
    %reduce_sum3A_556 = arith.constant dense<0.000000e+00> : vector<128xf32>
    %reduce_sum3A_557 = vector.multi_reduction <add>, %mul3A_555, %reduce_sum3A_556 [0] : vector<200x128xf32> to vector<128xf32>
    %broadcast_in_dim3A_558 = vector.shape_cast %reduce_sum3A_557 : vector<128xf32> to vector<1x128xf32>
    %swap3A_559 = arith.constant 4 : index
    %swap3A_560 = arith.constant 640 : index
    %swap3A_561 = vector.load %arg3[%swap3A_559, %swap3A_560] : memref<8x1024xf32, #tpu.memory_space<vmem>>, vector<1x128xf32>
    tpu.vector_store %arg3[%swap3A_559, %swap3A_560], %broadcast_in_dim3A_558 {strides = array<i32>} : memref<8x1024xf32, #tpu.memory_space<vmem>>, vector<1x128xf32>,
    %get3A_562 = arith.constant 7600 : index
    %get3A_563 = arith.constant 0 : index
    %get3A_564 = vector.load %arg2[%get3A_562, %get3A_563] : memref<12800x112xf32, #tpu.memory_space<vmem>>, vector<200x112xf32>
    %dot_general3A_565 = arith.constant dense<0.000000e+00> : vector<200x128xf32>
    %dot_general3A_566 = tpu.matmul %get3A_564, %convert_element_type3A_484, %dot_general3A_565 {dimension_numbers = #tpu.dot_dimension_numbers<[1], [0], [0], [1], [0, 0, 1, 1], [], []>, transpose_lhs_hint = false} : vector<200x112xf32>, vector<112x128xf32>, vector<200x128xf32> -> vector<200x128xf32>
    %mul3A_567 = arith.mulf %convert_element_type3A_489, %dot_general3A_566 : vector<200x128xf32>
    %reduce_sum3A_568 = arith.constant dense<0.000000e+00> : vector<128xf32>
    %reduce_sum3A_569 = vector.multi_reduction <add>, %mul3A_567, %reduce_sum3A_568 [0] : vector<200x128xf32> to vector<128xf32>
    %broadcast_in_dim3A_570 = vector.shape_cast %reduce_sum3A_569 : vector<128xf32> to vector<1x128xf32>
    %swap3A_571 = arith.constant 4 : index
    %swap3A_572 = arith.constant 768 : index
    %swap3A_573 = vector.load %arg3[%swap3A_571, %swap3A_572] : memref<8x1024xf32, #tpu.memory_space<vmem>>, vector<1x128xf32>
    tpu.vector_store %arg3[%swap3A_571, %swap3A_572], %broadcast_in_dim3A_570 {strides = array<i32>} : memref<8x1024xf32, #tpu.memory_space<vmem>>, vector<1x128xf32>,
    %get3A_574 = arith.constant 7800 : index
    %get3A_575 = arith.constant 0 : index
    %get3A_576 = vector.load %arg2[%get3A_574, %get3A_575] : memref<12800x112xf32, #tpu.memory_space<vmem>>, vector<200x112xf32>
    %dot_general3A_577 = arith.constant dense<0.000000e+00> : vector<200x128xf32>
    %dot_general3A_578 = tpu.matmul %get3A_576, %convert_element_type3A_484, %dot_general3A_577 {dimension_numbers = #tpu.dot_dimension_numbers<[1], [0], [0], [1], [0, 0, 1, 1], [], []>, transpose_lhs_hint = false} : vector<200x112xf32>, vector<112x128xf32>, vector<200x128xf32> -> vector<200x128xf32>
    %mul3A_579 = arith.mulf %convert_element_type3A_489, %dot_general3A_578 : vector<200x128xf32>
    %reduce_sum3A_580 = arith.constant dense<0.000000e+00> : vector<128xf32>
    %reduce_sum3A_581 = vector.multi_reduction <add>, %mul3A_579, %reduce_sum3A_580 [0] : vector<200x128xf32> to vector<128xf32>
    %broadcast_in_dim3A_582 = vector.shape_cast %reduce_sum3A_581 : vector<128xf32> to vector<1x128xf32>
    %swap3A_583 = arith.constant 4 : index
    %swap3A_584 = arith.constant 896 : index
    %swap3A_585 = vector.load %arg3[%swap3A_583, %swap3A_584] : memref<8x1024xf32, #tpu.memory_space<vmem>>, vector<1x128xf32>
    tpu.vector_store %arg3[%swap3A_583, %swap3A_584], %broadcast_in_dim3A_582 {strides = array<i32>} : memref<8x1024xf32, #tpu.memory_space<vmem>>, vector<1x128xf32>,
    %get3A_586 = arith.constant 5 : index
    %get3A_587 = arith.constant 0 : index
    %get3A_588 = vector.load %arg1[%get3A_586, %get3A_587] : memref<8x128xi32, #tpu.memory_space<vmem>>, vector<1x128xi32>
    %mul3A_589 = arith.constant 5243 : i32
    %mul3A_590 = vector.broadcast %mul3A_589 : i32 to vector<1x128xi32>
    %mul3A_591 = arith.muli %get3A_588, %mul3A_590 : vector<1x128xi32>
    %shift_right_logical3A_592 = arith.constant 20 : i32
    %shift_right_logical3A_593 = vector.broadcast %shift_right_logical3A_592 : i32 to vector<1x128xi32>
    %shift_right_logical3A_594 = arith.shrui %mul3A_591, %shift_right_logical3A_593 : vector<1x128xi32>
    %mul3A_595 = arith.constant 200 : i32
    %mul3A_596 = vector.broadcast %mul3A_595 : i32 to vector<1x128xi32>
    %mul3A_597 = arith.muli %shift_right_logical3A_594, %mul3A_596 : vector<1x128xi32>
    %sub3A_598 = arith.subi %get3A_588, %mul3A_597 : vector<1x128xi32>
    %broadcast_in_dim3A_599 = vector.shape_cast %shift_right_logical3A_594 : vector<1x128xi32> to vector<1x128xi32>
    %broadcast_in_dim3A_600 = vector.broadcast %broadcast_in_dim3A_599 : vector<1x128xi32> to vector<112x128xi32>
    %eq3A_601 = arith.cmpi eq, %iota3A_0, %broadcast_in_dim3A_600 : vector<112x128xi32>
    %convert_element_type3A_602 = arith.extui %eq3A_601 : vector<112x128xi1> to vector<112x128xi32>
    %convert_element_type3A_603 = arith.sitofp %convert_element_type3A_602 : vector<112x128xi32> to vector<112x128xf32>
    %broadcast_in_dim3A_604 = vector.shape_cast %sub3A_598 : vector<1x128xi32> to vector<1x128xi32>
    %broadcast_in_dim3A_605 = vector.broadcast %broadcast_in_dim3A_604 : vector<1x128xi32> to vector<200x128xi32>
    %eq3A_606 = arith.cmpi eq, %iota3A, %broadcast_in_dim3A_605 : vector<200x128xi32>
    %convert_element_type3A_607 = arith.extui %eq3A_606 : vector<200x128xi1> to vector<200x128xi32>
    %convert_element_type3A_608 = arith.sitofp %convert_element_type3A_607 : vector<200x128xi32> to vector<200x128xf32>
    %get3A_609 = arith.constant 8000 : index
    %get3A_610 = arith.constant 0 : index
    %get3A_611 = vector.load %arg2[%get3A_609, %get3A_610] : memref<12800x112xf32, #tpu.memory_space<vmem>>, vector<200x112xf32>
    %dot_general3A_612 = arith.constant dense<0.000000e+00> : vector<200x128xf32>
    %dot_general3A_613 = tpu.matmul %get3A_611, %convert_element_type3A_603, %dot_general3A_612 {dimension_numbers = #tpu.dot_dimension_numbers<[1], [0], [0], [1], [0, 0, 1, 1], [], []>, transpose_lhs_hint = false} : vector<200x112xf32>, vector<112x128xf32>, vector<200x128xf32> -> vector<200x128xf32>
    %mul3A_614 = arith.mulf %convert_element_type3A_608, %dot_general3A_613 : vector<200x128xf32>
    %reduce_sum3A_615 = arith.constant dense<0.000000e+00> : vector<128xf32>
    %reduce_sum3A_616 = vector.multi_reduction <add>, %mul3A_614, %reduce_sum3A_615 [0] : vector<200x128xf32> to vector<128xf32>
    %broadcast_in_dim3A_617 = vector.shape_cast %reduce_sum3A_616 : vector<128xf32> to vector<1x128xf32>
    %swap3A_618 = arith.constant 5 : index
    %swap3A_619 = arith.constant 0 : index
    %swap3A_620 = vector.load %arg3[%swap3A_618, %swap3A_619] : memref<8x1024xf32, #tpu.memory_space<vmem>>, vector<1x128xf32>
    tpu.vector_store %arg3[%swap3A_618, %swap3A_619], %broadcast_in_dim3A_617 {strides = array<i32>} : memref<8x1024xf32, #tpu.memory_space<vmem>>, vector<1x128xf32>,
    %get3A_621 = arith.constant 8200 : index
    %get3A_622 = arith.constant 0 : index
    %get3A_623 = vector.load %arg2[%get3A_621, %get3A_622] : memref<12800x112xf32, #tpu.memory_space<vmem>>, vector<200x112xf32>
    %dot_general3A_624 = arith.constant dense<0.000000e+00> : vector<200x128xf32>
    %dot_general3A_625 = tpu.matmul %get3A_623, %convert_element_type3A_603, %dot_general3A_624 {dimension_numbers = #tpu.dot_dimension_numbers<[1], [0], [0], [1], [0, 0, 1, 1], [], []>, transpose_lhs_hint = false} : vector<200x112xf32>, vector<112x128xf32>, vector<200x128xf32> -> vector<200x128xf32>
    %mul3A_626 = arith.mulf %convert_element_type3A_608, %dot_general3A_625 : vector<200x128xf32>
    %reduce_sum3A_627 = arith.constant dense<0.000000e+00> : vector<128xf32>
    %reduce_sum3A_628 = vector.multi_reduction <add>, %mul3A_626, %reduce_sum3A_627 [0] : vector<200x128xf32> to vector<128xf32>
    %broadcast_in_dim3A_629 = vector.shape_cast %reduce_sum3A_628 : vector<128xf32> to vector<1x128xf32>
    %swap3A_630 = arith.constant 5 : index
    %swap3A_631 = arith.constant 128 : index
    %swap3A_632 = vector.load %arg3[%swap3A_630, %swap3A_631] : memref<8x1024xf32, #tpu.memory_space<vmem>>, vector<1x128xf32>
    tpu.vector_store %arg3[%swap3A_630, %swap3A_631], %broadcast_in_dim3A_629 {strides = array<i32>} : memref<8x1024xf32, #tpu.memory_space<vmem>>, vector<1x128xf32>,
    %get3A_633 = arith.constant 8400 : index
    %get3A_634 = arith.constant 0 : index
    %get3A_635 = vector.load %arg2[%get3A_633, %get3A_634] : memref<12800x112xf32, #tpu.memory_space<vmem>>, vector<200x112xf32>
    %dot_general3A_636 = arith.constant dense<0.000000e+00> : vector<200x128xf32>
    %dot_general3A_637 = tpu.matmul %get3A_635, %convert_element_type3A_603, %dot_general3A_636 {dimension_numbers = #tpu.dot_dimension_numbers<[1], [0], [0], [1], [0, 0, 1, 1], [], []>, transpose_lhs_hint = false} : vector<200x112xf32>, vector<112x128xf32>, vector<200x128xf32> -> vector<200x128xf32>
    %mul3A_638 = arith.mulf %convert_element_type3A_608, %dot_general3A_637 : vector<200x128xf32>
    %reduce_sum3A_639 = arith.constant dense<0.000000e+00> : vector<128xf32>
    %reduce_sum3A_640 = vector.multi_reduction <add>, %mul3A_638, %reduce_sum3A_639 [0] : vector<200x128xf32> to vector<128xf32>
    %broadcast_in_dim3A_641 = vector.shape_cast %reduce_sum3A_640 : vector<128xf32> to vector<1x128xf32>
    %swap3A_642 = arith.constant 5 : index
    %swap3A_643 = arith.constant 256 : index
    %swap3A_644 = vector.load %arg3[%swap3A_642, %swap3A_643] : memref<8x1024xf32, #tpu.memory_space<vmem>>, vector<1x128xf32>
    tpu.vector_store %arg3[%swap3A_642, %swap3A_643], %broadcast_in_dim3A_641 {strides = array<i32>} : memref<8x1024xf32, #tpu.memory_space<vmem>>, vector<1x128xf32>,
    %get3A_645 = arith.constant 8600 : index
    %get3A_646 = arith.constant 0 : index
    %get3A_647 = vector.load %arg2[%get3A_645, %get3A_646] : memref<12800x112xf32, #tpu.memory_space<vmem>>, vector<200x112xf32>
    %dot_general3A_648 = arith.constant dense<0.000000e+00> : vector<200x128xf32>
    %dot_general3A_649 = tpu.matmul %get3A_647, %convert_element_type3A_603, %dot_general3A_648 {dimension_numbers = #tpu.dot_dimension_numbers<[1], [0], [0], [1], [0, 0, 1, 1], [], []>, transpose_lhs_hint = false} : vector<200x112xf32>, vector<112x128xf32>, vector<200x128xf32> -> vector<200x128xf32>
    %mul3A_650 = arith.mulf %convert_element_type3A_608, %dot_general3A_649 : vector<200x128xf32>
    %reduce_sum3A_651 = arith.constant dense<0.000000e+00> : vector<128xf32>
    %reduce_sum3A_652 = vector.multi_reduction <add>, %mul3A_650, %reduce_sum3A_651 [0] : vector<200x128xf32> to vector<128xf32>
    %broadcast_in_dim3A_653 = vector.shape_cast %reduce_sum3A_652 : vector<128xf32> to vector<1x128xf32>
    %swap3A_654 = arith.constant 5 : index
    %swap3A_655 = arith.constant 384 : index
    %swap3A_656 = vector.load %arg3[%swap3A_654, %swap3A_655] : memref<8x1024xf32, #tpu.memory_space<vmem>>, vector<1x128xf32>
    tpu.vector_store %arg3[%swap3A_654, %swap3A_655], %broadcast_in_dim3A_653 {strides = array<i32>} : memref<8x1024xf32, #tpu.memory_space<vmem>>, vector<1x128xf32>,
    %get3A_657 = arith.constant 8800 : index
    %get3A_658 = arith.constant 0 : index
    %get3A_659 = vector.load %arg2[%get3A_657, %get3A_658] : memref<12800x112xf32, #tpu.memory_space<vmem>>, vector<200x112xf32>
    %dot_general3A_660 = arith.constant dense<0.000000e+00> : vector<200x128xf32>
    %dot_general3A_661 = tpu.matmul %get3A_659, %convert_element_type3A_603, %dot_general3A_660 {dimension_numbers = #tpu.dot_dimension_numbers<[1], [0], [0], [1], [0, 0, 1, 1], [], []>, transpose_lhs_hint = false} : vector<200x112xf32>, vector<112x128xf32>, vector<200x128xf32> -> vector<200x128xf32>
    %mul3A_662 = arith.mulf %convert_element_type3A_608, %dot_general3A_661 : vector<200x128xf32>
    %reduce_sum3A_663 = arith.constant dense<0.000000e+00> : vector<128xf32>
    %reduce_sum3A_664 = vector.multi_reduction <add>, %mul3A_662, %reduce_sum3A_663 [0] : vector<200x128xf32> to vector<128xf32>
    %broadcast_in_dim3A_665 = vector.shape_cast %reduce_sum3A_664 : vector<128xf32> to vector<1x128xf32>
    %swap3A_666 = arith.constant 5 : index
    %swap3A_667 = arith.constant 512 : index
    %swap3A_668 = vector.load %arg3[%swap3A_666, %swap3A_667] : memref<8x1024xf32, #tpu.memory_space<vmem>>, vector<1x128xf32>
    tpu.vector_store %arg3[%swap3A_666, %swap3A_667], %broadcast_in_dim3A_665 {strides = array<i32>} : memref<8x1024xf32, #tpu.memory_space<vmem>>, vector<1x128xf32>,
    %get3A_669 = arith.constant 9000 : index
    %get3A_670 = arith.constant 0 : index
    %get3A_671 = vector.load %arg2[%get3A_669, %get3A_670] : memref<12800x112xf32, #tpu.memory_space<vmem>>, vector<200x112xf32>
    %dot_general3A_672 = arith.constant dense<0.000000e+00> : vector<200x128xf32>
    %dot_general3A_673 = tpu.matmul %get3A_671, %convert_element_type3A_603, %dot_general3A_672 {dimension_numbers = #tpu.dot_dimension_numbers<[1], [0], [0], [1], [0, 0, 1, 1], [], []>, transpose_lhs_hint = false} : vector<200x112xf32>, vector<112x128xf32>, vector<200x128xf32> -> vector<200x128xf32>
    %mul3A_674 = arith.mulf %convert_element_type3A_608, %dot_general3A_673 : vector<200x128xf32>
    %reduce_sum3A_675 = arith.constant dense<0.000000e+00> : vector<128xf32>
    %reduce_sum3A_676 = vector.multi_reduction <add>, %mul3A_674, %reduce_sum3A_675 [0] : vector<200x128xf32> to vector<128xf32>
    %broadcast_in_dim3A_677 = vector.shape_cast %reduce_sum3A_676 : vector<128xf32> to vector<1x128xf32>
    %swap3A_678 = arith.constant 5 : index
    %swap3A_679 = arith.constant 640 : index
    %swap3A_680 = vector.load %arg3[%swap3A_678, %swap3A_679] : memref<8x1024xf32, #tpu.memory_space<vmem>>, vector<1x128xf32>
    tpu.vector_store %arg3[%swap3A_678, %swap3A_679], %broadcast_in_dim3A_677 {strides = array<i32>} : memref<8x1024xf32, #tpu.memory_space<vmem>>, vector<1x128xf32>,
    %get3A_681 = arith.constant 9200 : index
    %get3A_682 = arith.constant 0 : index
    %get3A_683 = vector.load %arg2[%get3A_681, %get3A_682] : memref<12800x112xf32, #tpu.memory_space<vmem>>, vector<200x112xf32>
    %dot_general3A_684 = arith.constant dense<0.000000e+00> : vector<200x128xf32>
    %dot_general3A_685 = tpu.matmul %get3A_683, %convert_element_type3A_603, %dot_general3A_684 {dimension_numbers = #tpu.dot_dimension_numbers<[1], [0], [0], [1], [0, 0, 1, 1], [], []>, transpose_lhs_hint = false} : vector<200x112xf32>, vector<112x128xf32>, vector<200x128xf32> -> vector<200x128xf32>
    %mul3A_686 = arith.mulf %convert_element_type3A_608, %dot_general3A_685 : vector<200x128xf32>
    %reduce_sum3A_687 = arith.constant dense<0.000000e+00> : vector<128xf32>
    %reduce_sum3A_688 = vector.multi_reduction <add>, %mul3A_686, %reduce_sum3A_687 [0] : vector<200x128xf32> to vector<128xf32>
    %broadcast_in_dim3A_689 = vector.shape_cast %reduce_sum3A_688 : vector<128xf32> to vector<1x128xf32>
    %swap3A_690 = arith.constant 5 : index
    %swap3A_691 = arith.constant 768 : index
    %swap3A_692 = vector.load %arg3[%swap3A_690, %swap3A_691] : memref<8x1024xf32, #tpu.memory_space<vmem>>, vector<1x128xf32>
    tpu.vector_store %arg3[%swap3A_690, %swap3A_691], %broadcast_in_dim3A_689 {strides = array<i32>} : memref<8x1024xf32, #tpu.memory_space<vmem>>, vector<1x128xf32>,
    %get3A_693 = arith.constant 9400 : index
    %get3A_694 = arith.constant 0 : index
    %get3A_695 = vector.load %arg2[%get3A_693, %get3A_694] : memref<12800x112xf32, #tpu.memory_space<vmem>>, vector<200x112xf32>
    %dot_general3A_696 = arith.constant dense<0.000000e+00> : vector<200x128xf32>
    %dot_general3A_697 = tpu.matmul %get3A_695, %convert_element_type3A_603, %dot_general3A_696 {dimension_numbers = #tpu.dot_dimension_numbers<[1], [0], [0], [1], [0, 0, 1, 1], [], []>, transpose_lhs_hint = false} : vector<200x112xf32>, vector<112x128xf32>, vector<200x128xf32> -> vector<200x128xf32>
    %mul3A_698 = arith.mulf %convert_element_type3A_608, %dot_general3A_697 : vector<200x128xf32>
    %reduce_sum3A_699 = arith.constant dense<0.000000e+00> : vector<128xf32>
    %reduce_sum3A_700 = vector.multi_reduction <add>, %mul3A_698, %reduce_sum3A_699 [0] : vector<200x128xf32> to vector<128xf32>
    %broadcast_in_dim3A_701 = vector.shape_cast %reduce_sum3A_700 : vector<128xf32> to vector<1x128xf32>
    %swap3A_702 = arith.constant 5 : index
    %swap3A_703 = arith.constant 896 : index
    %swap3A_704 = vector.load %arg3[%swap3A_702, %swap3A_703] : memref<8x1024xf32, #tpu.memory_space<vmem>>, vector<1x128xf32>
    tpu.vector_store %arg3[%swap3A_702, %swap3A_703], %broadcast_in_dim3A_701 {strides = array<i32>} : memref<8x1024xf32, #tpu.memory_space<vmem>>, vector<1x128xf32>,
    %get3A_705 = arith.constant 6 : index
    %get3A_706 = arith.constant 0 : index
    %get3A_707 = vector.load %arg1[%get3A_705, %get3A_706] : memref<8x128xi32, #tpu.memory_space<vmem>>, vector<1x128xi32>
    %mul3A_708 = arith.constant 5243 : i32
    %mul3A_709 = vector.broadcast %mul3A_708 : i32 to vector<1x128xi32>
    %mul3A_710 = arith.muli %get3A_707, %mul3A_709 : vector<1x128xi32>
    %shift_right_logical3A_711 = arith.constant 20 : i32
    %shift_right_logical3A_712 = vector.broadcast %shift_right_logical3A_711 : i32 to vector<1x128xi32>
    %shift_right_logical3A_713 = arith.shrui %mul3A_710, %shift_right_logical3A_712 : vector<1x128xi32>
    %mul3A_714 = arith.constant 200 : i32
    %mul3A_715 = vector.broadcast %mul3A_714 : i32 to vector<1x128xi32>
    %mul3A_716 = arith.muli %shift_right_logical3A_713, %mul3A_715 : vector<1x128xi32>
    %sub3A_717 = arith.subi %get3A_707, %mul3A_716 : vector<1x128xi32>
    %broadcast_in_dim3A_718 = vector.shape_cast %shift_right_logical3A_713 : vector<1x128xi32> to vector<1x128xi32>
    %broadcast_in_dim3A_719 = vector.broadcast %broadcast_in_dim3A_718 : vector<1x128xi32> to vector<112x128xi32>
    %eq3A_720 = arith.cmpi eq, %iota3A_0, %broadcast_in_dim3A_719 : vector<112x128xi32>
    %convert_element_type3A_721 = arith.extui %eq3A_720 : vector<112x128xi1> to vector<112x128xi32>
    %convert_element_type3A_722 = arith.sitofp %convert_element_type3A_721 : vector<112x128xi32> to vector<112x128xf32>
    %broadcast_in_dim3A_723 = vector.shape_cast %sub3A_717 : vector<1x128xi32> to vector<1x128xi32>
    %broadcast_in_dim3A_724 = vector.broadcast %broadcast_in_dim3A_723 : vector<1x128xi32> to vector<200x128xi32>
    %eq3A_725 = arith.cmpi eq, %iota3A, %broadcast_in_dim3A_724 : vector<200x128xi32>
    %convert_element_type3A_726 = arith.extui %eq3A_725 : vector<200x128xi1> to vector<200x128xi32>
    %convert_element_type3A_727 = arith.sitofp %convert_element_type3A_726 : vector<200x128xi32> to vector<200x128xf32>
    %get3A_728 = arith.constant 9600 : index
    %get3A_729 = arith.constant 0 : index
    %get3A_730 = vector.load %arg2[%get3A_728, %get3A_729] : memref<12800x112xf32, #tpu.memory_space<vmem>>, vector<200x112xf32>
    %dot_general3A_731 = arith.constant dense<0.000000e+00> : vector<200x128xf32>
    %dot_general3A_732 = tpu.matmul %get3A_730, %convert_element_type3A_722, %dot_general3A_731 {dimension_numbers = #tpu.dot_dimension_numbers<[1], [0], [0], [1], [0, 0, 1, 1], [], []>, transpose_lhs_hint = false} : vector<200x112xf32>, vector<112x128xf32>, vector<200x128xf32> -> vector<200x128xf32>
    %mul3A_733 = arith.mulf %convert_element_type3A_727, %dot_general3A_732 : vector<200x128xf32>
    %reduce_sum3A_734 = arith.constant dense<0.000000e+00> : vector<128xf32>
    %reduce_sum3A_735 = vector.multi_reduction <add>, %mul3A_733, %reduce_sum3A_734 [0] : vector<200x128xf32> to vector<128xf32>
    %broadcast_in_dim3A_736 = vector.shape_cast %reduce_sum3A_735 : vector<128xf32> to vector<1x128xf32>
    %swap3A_737 = arith.constant 6 : index
    %swap3A_738 = arith.constant 0 : index
    %swap3A_739 = vector.load %arg3[%swap3A_737, %swap3A_738] : memref<8x1024xf32, #tpu.memory_space<vmem>>, vector<1x128xf32>
    tpu.vector_store %arg3[%swap3A_737, %swap3A_738], %broadcast_in_dim3A_736 {strides = array<i32>} : memref<8x1024xf32, #tpu.memory_space<vmem>>, vector<1x128xf32>,
    %get3A_740 = arith.constant 9800 : index
    %get3A_741 = arith.constant 0 : index
    %get3A_742 = vector.load %arg2[%get3A_740, %get3A_741] : memref<12800x112xf32, #tpu.memory_space<vmem>>, vector<200x112xf32>
    %dot_general3A_743 = arith.constant dense<0.000000e+00> : vector<200x128xf32>
    %dot_general3A_744 = tpu.matmul %get3A_742, %convert_element_type3A_722, %dot_general3A_743 {dimension_numbers = #tpu.dot_dimension_numbers<[1], [0], [0], [1], [0, 0, 1, 1], [], []>, transpose_lhs_hint = false} : vector<200x112xf32>, vector<112x128xf32>, vector<200x128xf32> -> vector<200x128xf32>
    %mul3A_745 = arith.mulf %convert_element_type3A_727, %dot_general3A_744 : vector<200x128xf32>
    %reduce_sum3A_746 = arith.constant dense<0.000000e+00> : vector<128xf32>
    %reduce_sum3A_747 = vector.multi_reduction <add>, %mul3A_745, %reduce_sum3A_746 [0] : vector<200x128xf32> to vector<128xf32>
    %broadcast_in_dim3A_748 = vector.shape_cast %reduce_sum3A_747 : vector<128xf32> to vector<1x128xf32>
    %swap3A_749 = arith.constant 6 : index
    %swap3A_750 = arith.constant 128 : index
    %swap3A_751 = vector.load %arg3[%swap3A_749, %swap3A_750] : memref<8x1024xf32, #tpu.memory_space<vmem>>, vector<1x128xf32>
    tpu.vector_store %arg3[%swap3A_749, %swap3A_750], %broadcast_in_dim3A_748 {strides = array<i32>} : memref<8x1024xf32, #tpu.memory_space<vmem>>, vector<1x128xf32>,
    %get3A_752 = arith.constant 10000 : index
    %get3A_753 = arith.constant 0 : index
    %get3A_754 = vector.load %arg2[%get3A_752, %get3A_753] : memref<12800x112xf32, #tpu.memory_space<vmem>>, vector<200x112xf32>
    %dot_general3A_755 = arith.constant dense<0.000000e+00> : vector<200x128xf32>
    %dot_general3A_756 = tpu.matmul %get3A_754, %convert_element_type3A_722, %dot_general3A_755 {dimension_numbers = #tpu.dot_dimension_numbers<[1], [0], [0], [1], [0, 0, 1, 1], [], []>, transpose_lhs_hint = false} : vector<200x112xf32>, vector<112x128xf32>, vector<200x128xf32> -> vector<200x128xf32>
    %mul3A_757 = arith.mulf %convert_element_type3A_727, %dot_general3A_756 : vector<200x128xf32>
    %reduce_sum3A_758 = arith.constant dense<0.000000e+00> : vector<128xf32>
    %reduce_sum3A_759 = vector.multi_reduction <add>, %mul3A_757, %reduce_sum3A_758 [0] : vector<200x128xf32> to vector<128xf32>
    %broadcast_in_dim3A_760 = vector.shape_cast %reduce_sum3A_759 : vector<128xf32> to vector<1x128xf32>
    %swap3A_761 = arith.constant 6 : index
    %swap3A_762 = arith.constant 256 : index
    %swap3A_763 = vector.load %arg3[%swap3A_761, %swap3A_762] : memref<8x1024xf32, #tpu.memory_space<vmem>>, vector<1x128xf32>
    tpu.vector_store %arg3[%swap3A_761, %swap3A_762], %broadcast_in_dim3A_760 {strides = array<i32>} : memref<8x1024xf32, #tpu.memory_space<vmem>>, vector<1x128xf32>,
    %get3A_764 = arith.constant 10200 : index
    %get3A_765 = arith.constant 0 : index
    %get3A_766 = vector.load %arg2[%get3A_764, %get3A_765] : memref<12800x112xf32, #tpu.memory_space<vmem>>, vector<200x112xf32>
    %dot_general3A_767 = arith.constant dense<0.000000e+00> : vector<200x128xf32>
    %dot_general3A_768 = tpu.matmul %get3A_766, %convert_element_type3A_722, %dot_general3A_767 {dimension_numbers = #tpu.dot_dimension_numbers<[1], [0], [0], [1], [0, 0, 1, 1], [], []>, transpose_lhs_hint = false} : vector<200x112xf32>, vector<112x128xf32>, vector<200x128xf32> -> vector<200x128xf32>
    %mul3A_769 = arith.mulf %convert_element_type3A_727, %dot_general3A_768 : vector<200x128xf32>
    %reduce_sum3A_770 = arith.constant dense<0.000000e+00> : vector<128xf32>
    %reduce_sum3A_771 = vector.multi_reduction <add>, %mul3A_769, %reduce_sum3A_770 [0] : vector<200x128xf32> to vector<128xf32>
    %broadcast_in_dim3A_772 = vector.shape_cast %reduce_sum3A_771 : vector<128xf32> to vector<1x128xf32>
    %swap3A_773 = arith.constant 6 : index
    %swap3A_774 = arith.constant 384 : index
    %swap3A_775 = vector.load %arg3[%swap3A_773, %swap3A_774] : memref<8x1024xf32, #tpu.memory_space<vmem>>, vector<1x128xf32>
    tpu.vector_store %arg3[%swap3A_773, %swap3A_774], %broadcast_in_dim3A_772 {strides = array<i32>} : memref<8x1024xf32, #tpu.memory_space<vmem>>, vector<1x128xf32>,
    %get3A_776 = arith.constant 10400 : index
    %get3A_777 = arith.constant 0 : index
    %get3A_778 = vector.load %arg2[%get3A_776, %get3A_777] : memref<12800x112xf32, #tpu.memory_space<vmem>>, vector<200x112xf32>
    %dot_general3A_779 = arith.constant dense<0.000000e+00> : vector<200x128xf32>
    %dot_general3A_780 = tpu.matmul %get3A_778, %convert_element_type3A_722, %dot_general3A_779 {dimension_numbers = #tpu.dot_dimension_numbers<[1], [0], [0], [1], [0, 0, 1, 1], [], []>, transpose_lhs_hint = false} : vector<200x112xf32>, vector<112x128xf32>, vector<200x128xf32> -> vector<200x128xf32>
    %mul3A_781 = arith.mulf %convert_element_type3A_727, %dot_general3A_780 : vector<200x128xf32>
    %reduce_sum3A_782 = arith.constant dense<0.000000e+00> : vector<128xf32>
    %reduce_sum3A_783 = vector.multi_reduction <add>, %mul3A_781, %reduce_sum3A_782 [0] : vector<200x128xf32> to vector<128xf32>
    %broadcast_in_dim3A_784 = vector.shape_cast %reduce_sum3A_783 : vector<128xf32> to vector<1x128xf32>
    %swap3A_785 = arith.constant 6 : index
    %swap3A_786 = arith.constant 512 : index
    %swap3A_787 = vector.load %arg3[%swap3A_785, %swap3A_786] : memref<8x1024xf32, #tpu.memory_space<vmem>>, vector<1x128xf32>
    tpu.vector_store %arg3[%swap3A_785, %swap3A_786], %broadcast_in_dim3A_784 {strides = array<i32>} : memref<8x1024xf32, #tpu.memory_space<vmem>>, vector<1x128xf32>,
    %get3A_788 = arith.constant 10600 : index
    %get3A_789 = arith.constant 0 : index
    %get3A_790 = vector.load %arg2[%get3A_788, %get3A_789] : memref<12800x112xf32, #tpu.memory_space<vmem>>, vector<200x112xf32>
    %dot_general3A_791 = arith.constant dense<0.000000e+00> : vector<200x128xf32>
    %dot_general3A_792 = tpu.matmul %get3A_790, %convert_element_type3A_722, %dot_general3A_791 {dimension_numbers = #tpu.dot_dimension_numbers<[1], [0], [0], [1], [0, 0, 1, 1], [], []>, transpose_lhs_hint = false} : vector<200x112xf32>, vector<112x128xf32>, vector<200x128xf32> -> vector<200x128xf32>
    %mul3A_793 = arith.mulf %convert_element_type3A_727, %dot_general3A_792 : vector<200x128xf32>
    %reduce_sum3A_794 = arith.constant dense<0.000000e+00> : vector<128xf32>
    %reduce_sum3A_795 = vector.multi_reduction <add>, %mul3A_793, %reduce_sum3A_794 [0] : vector<200x128xf32> to vector<128xf32>
    %broadcast_in_dim3A_796 = vector.shape_cast %reduce_sum3A_795 : vector<128xf32> to vector<1x128xf32>
    %swap3A_797 = arith.constant 6 : index
    %swap3A_798 = arith.constant 640 : index
    %swap3A_799 = vector.load %arg3[%swap3A_797, %swap3A_798] : memref<8x1024xf32, #tpu.memory_space<vmem>>, vector<1x128xf32>
    tpu.vector_store %arg3[%swap3A_797, %swap3A_798], %broadcast_in_dim3A_796 {strides = array<i32>} : memref<8x1024xf32, #tpu.memory_space<vmem>>, vector<1x128xf32>,
    %get3A_800 = arith.constant 10800 : index
    %get3A_801 = arith.constant 0 : index
    %get3A_802 = vector.load %arg2[%get3A_800, %get3A_801] : memref<12800x112xf32, #tpu.memory_space<vmem>>, vector<200x112xf32>
    %dot_general3A_803 = arith.constant dense<0.000000e+00> : vector<200x128xf32>
    %dot_general3A_804 = tpu.matmul %get3A_802, %convert_element_type3A_722, %dot_general3A_803 {dimension_numbers = #tpu.dot_dimension_numbers<[1], [0], [0], [1], [0, 0, 1, 1], [], []>, transpose_lhs_hint = false} : vector<200x112xf32>, vector<112x128xf32>, vector<200x128xf32> -> vector<200x128xf32>
    %mul3A_805 = arith.mulf %convert_element_type3A_727, %dot_general3A_804 : vector<200x128xf32>
    %reduce_sum3A_806 = arith.constant dense<0.000000e+00> : vector<128xf32>
    %reduce_sum3A_807 = vector.multi_reduction <add>, %mul3A_805, %reduce_sum3A_806 [0] : vector<200x128xf32> to vector<128xf32>
    %broadcast_in_dim3A_808 = vector.shape_cast %reduce_sum3A_807 : vector<128xf32> to vector<1x128xf32>
    %swap3A_809 = arith.constant 6 : index
    %swap3A_810 = arith.constant 768 : index
    %swap3A_811 = vector.load %arg3[%swap3A_809, %swap3A_810] : memref<8x1024xf32, #tpu.memory_space<vmem>>, vector<1x128xf32>
    tpu.vector_store %arg3[%swap3A_809, %swap3A_810], %broadcast_in_dim3A_808 {strides = array<i32>} : memref<8x1024xf32, #tpu.memory_space<vmem>>, vector<1x128xf32>,
    %get3A_812 = arith.constant 11000 : index
    %get3A_813 = arith.constant 0 : index
    %get3A_814 = vector.load %arg2[%get3A_812, %get3A_813] : memref<12800x112xf32, #tpu.memory_space<vmem>>, vector<200x112xf32>
    %dot_general3A_815 = arith.constant dense<0.000000e+00> : vector<200x128xf32>
    %dot_general3A_816 = tpu.matmul %get3A_814, %convert_element_type3A_722, %dot_general3A_815 {dimension_numbers = #tpu.dot_dimension_numbers<[1], [0], [0], [1], [0, 0, 1, 1], [], []>, transpose_lhs_hint = false} : vector<200x112xf32>, vector<112x128xf32>, vector<200x128xf32> -> vector<200x128xf32>
    %mul3A_817 = arith.mulf %convert_element_type3A_727, %dot_general3A_816 : vector<200x128xf32>
    %reduce_sum3A_818 = arith.constant dense<0.000000e+00> : vector<128xf32>
    %reduce_sum3A_819 = vector.multi_reduction <add>, %mul3A_817, %reduce_sum3A_818 [0] : vector<200x128xf32> to vector<128xf32>
    %broadcast_in_dim3A_820 = vector.shape_cast %reduce_sum3A_819 : vector<128xf32> to vector<1x128xf32>
    %swap3A_821 = arith.constant 6 : index
    %swap3A_822 = arith.constant 896 : index
    %swap3A_823 = vector.load %arg3[%swap3A_821, %swap3A_822] : memref<8x1024xf32, #tpu.memory_space<vmem>>, vector<1x128xf32>
    tpu.vector_store %arg3[%swap3A_821, %swap3A_822], %broadcast_in_dim3A_820 {strides = array<i32>} : memref<8x1024xf32, #tpu.memory_space<vmem>>, vector<1x128xf32>,
    %get3A_824 = arith.constant 7 : index
    %get3A_825 = arith.constant 0 : index
    %get3A_826 = vector.load %arg1[%get3A_824, %get3A_825] : memref<8x128xi32, #tpu.memory_space<vmem>>, vector<1x128xi32>
    %mul3A_827 = arith.constant 5243 : i32
    %mul3A_828 = vector.broadcast %mul3A_827 : i32 to vector<1x128xi32>
    %mul3A_829 = arith.muli %get3A_826, %mul3A_828 : vector<1x128xi32>
    %shift_right_logical3A_830 = arith.constant 20 : i32
    %shift_right_logical3A_831 = vector.broadcast %shift_right_logical3A_830 : i32 to vector<1x128xi32>
    %shift_right_logical3A_832 = arith.shrui %mul3A_829, %shift_right_logical3A_831 : vector<1x128xi32>
    %mul3A_833 = arith.constant 200 : i32
    %mul3A_834 = vector.broadcast %mul3A_833 : i32 to vector<1x128xi32>
    %mul3A_835 = arith.muli %shift_right_logical3A_832, %mul3A_834 : vector<1x128xi32>
    %sub3A_836 = arith.subi %get3A_826, %mul3A_835 : vector<1x128xi32>
    %broadcast_in_dim3A_837 = vector.shape_cast %shift_right_logical3A_832 : vector<1x128xi32> to vector<1x128xi32>
    %broadcast_in_dim3A_838 = vector.broadcast %broadcast_in_dim3A_837 : vector<1x128xi32> to vector<112x128xi32>
    %eq3A_839 = arith.cmpi eq, %iota3A_0, %broadcast_in_dim3A_838 : vector<112x128xi32>
    %convert_element_type3A_840 = arith.extui %eq3A_839 : vector<112x128xi1> to vector<112x128xi32>
    %convert_element_type3A_841 = arith.sitofp %convert_element_type3A_840 : vector<112x128xi32> to vector<112x128xf32>
    %broadcast_in_dim3A_842 = vector.shape_cast %sub3A_836 : vector<1x128xi32> to vector<1x128xi32>
    %broadcast_in_dim3A_843 = vector.broadcast %broadcast_in_dim3A_842 : vector<1x128xi32> to vector<200x128xi32>
    %eq3A_844 = arith.cmpi eq, %iota3A, %broadcast_in_dim3A_843 : vector<200x128xi32>
    %convert_element_type3A_845 = arith.extui %eq3A_844 : vector<200x128xi1> to vector<200x128xi32>
    %convert_element_type3A_846 = arith.sitofp %convert_element_type3A_845 : vector<200x128xi32> to vector<200x128xf32>
    %get3A_847 = arith.constant 11200 : index
    %get3A_848 = arith.constant 0 : index
    %get3A_849 = vector.load %arg2[%get3A_847, %get3A_848] : memref<12800x112xf32, #tpu.memory_space<vmem>>, vector<200x112xf32>
    %dot_general3A_850 = arith.constant dense<0.000000e+00> : vector<200x128xf32>
    %dot_general3A_851 = tpu.matmul %get3A_849, %convert_element_type3A_841, %dot_general3A_850 {dimension_numbers = #tpu.dot_dimension_numbers<[1], [0], [0], [1], [0, 0, 1, 1], [], []>, transpose_lhs_hint = false} : vector<200x112xf32>, vector<112x128xf32>, vector<200x128xf32> -> vector<200x128xf32>
    %mul3A_852 = arith.mulf %convert_element_type3A_846, %dot_general3A_851 : vector<200x128xf32>
    %reduce_sum3A_853 = arith.constant dense<0.000000e+00> : vector<128xf32>
    %reduce_sum3A_854 = vector.multi_reduction <add>, %mul3A_852, %reduce_sum3A_853 [0] : vector<200x128xf32> to vector<128xf32>
    %broadcast_in_dim3A_855 = vector.shape_cast %reduce_sum3A_854 : vector<128xf32> to vector<1x128xf32>
    %swap3A_856 = arith.constant 7 : index
    %swap3A_857 = arith.constant 0 : index
    %swap3A_858 = vector.load %arg3[%swap3A_856, %swap3A_857] : memref<8x1024xf32, #tpu.memory_space<vmem>>, vector<1x128xf32>
    tpu.vector_store %arg3[%swap3A_856, %swap3A_857], %broadcast_in_dim3A_855 {strides = array<i32>} : memref<8x1024xf32, #tpu.memory_space<vmem>>, vector<1x128xf32>,
    %get3A_859 = arith.constant 11400 : index
    %get3A_860 = arith.constant 0 : index
    %get3A_861 = vector.load %arg2[%get3A_859, %get3A_860] : memref<12800x112xf32, #tpu.memory_space<vmem>>, vector<200x112xf32>
    %dot_general3A_862 = arith.constant dense<0.000000e+00> : vector<200x128xf32>
    %dot_general3A_863 = tpu.matmul %get3A_861, %convert_element_type3A_841, %dot_general3A_862 {dimension_numbers = #tpu.dot_dimension_numbers<[1], [0], [0], [1], [0, 0, 1, 1], [], []>, transpose_lhs_hint = false} : vector<200x112xf32>, vector<112x128xf32>, vector<200x128xf32> -> vector<200x128xf32>
    %mul3A_864 = arith.mulf %convert_element_type3A_846, %dot_general3A_863 : vector<200x128xf32>
    %reduce_sum3A_865 = arith.constant dense<0.000000e+00> : vector<128xf32>
    %reduce_sum3A_866 = vector.multi_reduction <add>, %mul3A_864, %reduce_sum3A_865 [0] : vector<200x128xf32> to vector<128xf32>
    %broadcast_in_dim3A_867 = vector.shape_cast %reduce_sum3A_866 : vector<128xf32> to vector<1x128xf32>
    %swap3A_868 = arith.constant 7 : index
    %swap3A_869 = arith.constant 128 : index
    %swap3A_870 = vector.load %arg3[%swap3A_868, %swap3A_869] : memref<8x1024xf32, #tpu.memory_space<vmem>>, vector<1x128xf32>
    tpu.vector_store %arg3[%swap3A_868, %swap3A_869], %broadcast_in_dim3A_867 {strides = array<i32>} : memref<8x1024xf32, #tpu.memory_space<vmem>>, vector<1x128xf32>,
    %get3A_871 = arith.constant 11600 : index
    %get3A_872 = arith.constant 0 : index
    %get3A_873 = vector.load %arg2[%get3A_871, %get3A_872] : memref<12800x112xf32, #tpu.memory_space<vmem>>, vector<200x112xf32>
    %dot_general3A_874 = arith.constant dense<0.000000e+00> : vector<200x128xf32>
    %dot_general3A_875 = tpu.matmul %get3A_873, %convert_element_type3A_841, %dot_general3A_874 {dimension_numbers = #tpu.dot_dimension_numbers<[1], [0], [0], [1], [0, 0, 1, 1], [], []>, transpose_lhs_hint = false} : vector<200x112xf32>, vector<112x128xf32>, vector<200x128xf32> -> vector<200x128xf32>
    %mul3A_876 = arith.mulf %convert_element_type3A_846, %dot_general3A_875 : vector<200x128xf32>
    %reduce_sum3A_877 = arith.constant dense<0.000000e+00> : vector<128xf32>
    %reduce_sum3A_878 = vector.multi_reduction <add>, %mul3A_876, %reduce_sum3A_877 [0] : vector<200x128xf32> to vector<128xf32>
    %broadcast_in_dim3A_879 = vector.shape_cast %reduce_sum3A_878 : vector<128xf32> to vector<1x128xf32>
    %swap3A_880 = arith.constant 7 : index
    %swap3A_881 = arith.constant 256 : index
    %swap3A_882 = vector.load %arg3[%swap3A_880, %swap3A_881] : memref<8x1024xf32, #tpu.memory_space<vmem>>, vector<1x128xf32>
    tpu.vector_store %arg3[%swap3A_880, %swap3A_881], %broadcast_in_dim3A_879 {strides = array<i32>} : memref<8x1024xf32, #tpu.memory_space<vmem>>, vector<1x128xf32>,
    %get3A_883 = arith.constant 11800 : index
    %get3A_884 = arith.constant 0 : index
    %get3A_885 = vector.load %arg2[%get3A_883, %get3A_884] : memref<12800x112xf32, #tpu.memory_space<vmem>>, vector<200x112xf32>
    %dot_general3A_886 = arith.constant dense<0.000000e+00> : vector<200x128xf32>
    %dot_general3A_887 = tpu.matmul %get3A_885, %convert_element_type3A_841, %dot_general3A_886 {dimension_numbers = #tpu.dot_dimension_numbers<[1], [0], [0], [1], [0, 0, 1, 1], [], []>, transpose_lhs_hint = false} : vector<200x112xf32>, vector<112x128xf32>, vector<200x128xf32> -> vector<200x128xf32>
    %mul3A_888 = arith.mulf %convert_element_type3A_846, %dot_general3A_887 : vector<200x128xf32>
    %reduce_sum3A_889 = arith.constant dense<0.000000e+00> : vector<128xf32>
    %reduce_sum3A_890 = vector.multi_reduction <add>, %mul3A_888, %reduce_sum3A_889 [0] : vector<200x128xf32> to vector<128xf32>
    %broadcast_in_dim3A_891 = vector.shape_cast %reduce_sum3A_890 : vector<128xf32> to vector<1x128xf32>
    %swap3A_892 = arith.constant 7 : index
    %swap3A_893 = arith.constant 384 : index
    %swap3A_894 = vector.load %arg3[%swap3A_892, %swap3A_893] : memref<8x1024xf32, #tpu.memory_space<vmem>>, vector<1x128xf32>
    tpu.vector_store %arg3[%swap3A_892, %swap3A_893], %broadcast_in_dim3A_891 {strides = array<i32>} : memref<8x1024xf32, #tpu.memory_space<vmem>>, vector<1x128xf32>,
    %get3A_895 = arith.constant 12000 : index
    %get3A_896 = arith.constant 0 : index
    %get3A_897 = vector.load %arg2[%get3A_895, %get3A_896] : memref<12800x112xf32, #tpu.memory_space<vmem>>, vector<200x112xf32>
    %dot_general3A_898 = arith.constant dense<0.000000e+00> : vector<200x128xf32>
    %dot_general3A_899 = tpu.matmul %get3A_897, %convert_element_type3A_841, %dot_general3A_898 {dimension_numbers = #tpu.dot_dimension_numbers<[1], [0], [0], [1], [0, 0, 1, 1], [], []>, transpose_lhs_hint = false} : vector<200x112xf32>, vector<112x128xf32>, vector<200x128xf32> -> vector<200x128xf32>
    %mul3A_900 = arith.mulf %convert_element_type3A_846, %dot_general3A_899 : vector<200x128xf32>
    %reduce_sum3A_901 = arith.constant dense<0.000000e+00> : vector<128xf32>
    %reduce_sum3A_902 = vector.multi_reduction <add>, %mul3A_900, %reduce_sum3A_901 [0] : vector<200x128xf32> to vector<128xf32>
    %broadcast_in_dim3A_903 = vector.shape_cast %reduce_sum3A_902 : vector<128xf32> to vector<1x128xf32>
    %swap3A_904 = arith.constant 7 : index
    %swap3A_905 = arith.constant 512 : index
    %swap3A_906 = vector.load %arg3[%swap3A_904, %swap3A_905] : memref<8x1024xf32, #tpu.memory_space<vmem>>, vector<1x128xf32>
    tpu.vector_store %arg3[%swap3A_904, %swap3A_905], %broadcast_in_dim3A_903 {strides = array<i32>} : memref<8x1024xf32, #tpu.memory_space<vmem>>, vector<1x128xf32>,
    %get3A_907 = arith.constant 12200 : index
    %get3A_908 = arith.constant 0 : index
    %get3A_909 = vector.load %arg2[%get3A_907, %get3A_908] : memref<12800x112xf32, #tpu.memory_space<vmem>>, vector<200x112xf32>
    %dot_general3A_910 = arith.constant dense<0.000000e+00> : vector<200x128xf32>
    %dot_general3A_911 = tpu.matmul %get3A_909, %convert_element_type3A_841, %dot_general3A_910 {dimension_numbers = #tpu.dot_dimension_numbers<[1], [0], [0], [1], [0, 0, 1, 1], [], []>, transpose_lhs_hint = false} : vector<200x112xf32>, vector<112x128xf32>, vector<200x128xf32> -> vector<200x128xf32>
    %mul3A_912 = arith.mulf %convert_element_type3A_846, %dot_general3A_911 : vector<200x128xf32>
    %reduce_sum3A_913 = arith.constant dense<0.000000e+00> : vector<128xf32>
    %reduce_sum3A_914 = vector.multi_reduction <add>, %mul3A_912, %reduce_sum3A_913 [0] : vector<200x128xf32> to vector<128xf32>
    %broadcast_in_dim3A_915 = vector.shape_cast %reduce_sum3A_914 : vector<128xf32> to vector<1x128xf32>
    %swap3A_916 = arith.constant 7 : index
    %swap3A_917 = arith.constant 640 : index
    %swap3A_918 = vector.load %arg3[%swap3A_916, %swap3A_917] : memref<8x1024xf32, #tpu.memory_space<vmem>>, vector<1x128xf32>
    tpu.vector_store %arg3[%swap3A_916, %swap3A_917], %broadcast_in_dim3A_915 {strides = array<i32>} : memref<8x1024xf32, #tpu.memory_space<vmem>>, vector<1x128xf32>,
    %get3A_919 = arith.constant 12400 : index
    %get3A_920 = arith.constant 0 : index
    %get3A_921 = vector.load %arg2[%get3A_919, %get3A_920] : memref<12800x112xf32, #tpu.memory_space<vmem>>, vector<200x112xf32>
    %dot_general3A_922 = arith.constant dense<0.000000e+00> : vector<200x128xf32>
    %dot_general3A_923 = tpu.matmul %get3A_921, %convert_element_type3A_841, %dot_general3A_922 {dimension_numbers = #tpu.dot_dimension_numbers<[1], [0], [0], [1], [0, 0, 1, 1], [], []>, transpose_lhs_hint = false} : vector<200x112xf32>, vector<112x128xf32>, vector<200x128xf32> -> vector<200x128xf32>
    %mul3A_924 = arith.mulf %convert_element_type3A_846, %dot_general3A_923 : vector<200x128xf32>
    %reduce_sum3A_925 = arith.constant dense<0.000000e+00> : vector<128xf32>
    %reduce_sum3A_926 = vector.multi_reduction <add>, %mul3A_924, %reduce_sum3A_925 [0] : vector<200x128xf32> to vector<128xf32>
    %broadcast_in_dim3A_927 = vector.shape_cast %reduce_sum3A_926 : vector<128xf32> to vector<1x128xf32>
    %swap3A_928 = arith.constant 7 : index
    %swap3A_929 = arith.constant 768 : index
    %swap3A_930 = vector.load %arg3[%swap3A_928, %swap3A_929] : memref<8x1024xf32, #tpu.memory_space<vmem>>, vector<1x128xf32>
    tpu.vector_store %arg3[%swap3A_928, %swap3A_929], %broadcast_in_dim3A_927 {strides = array<i32>} : memref<8x1024xf32, #tpu.memory_space<vmem>>, vector<1x128xf32>,
    %get3A_931 = arith.constant 12600 : index
    %get3A_932 = arith.constant 0 : index
    %get3A_933 = vector.load %arg2[%get3A_931, %get3A_932] : memref<12800x112xf32, #tpu.memory_space<vmem>>, vector<200x112xf32>
    %dot_general3A_934 = arith.constant dense<0.000000e+00> : vector<200x128xf32>
    %dot_general3A_935 = tpu.matmul %get3A_933, %convert_element_type3A_841, %dot_general3A_934 {dimension_numbers = #tpu.dot_dimension_numbers<[1], [0], [0], [1], [0, 0, 1, 1], [], []>, transpose_lhs_hint = false} : vector<200x112xf32>, vector<112x128xf32>, vector<200x128xf32> -> vector<200x128xf32>
    %mul3A_936 = arith.mulf %convert_element_type3A_846, %dot_general3A_935 : vector<200x128xf32>
    %reduce_sum3A_937 = arith.constant dense<0.000000e+00> : vector<128xf32>
    %reduce_sum3A_938 = vector.multi_reduction <add>, %mul3A_936, %reduce_sum3A_937 [0] : vector<200x128xf32> to vector<128xf32>
    %broadcast_in_dim3A_939 = vector.shape_cast %reduce_sum3A_938 : vector<128xf32> to vector<1x128xf32>
    %swap3A_940 = arith.constant 7 : index
    %swap3A_941 = arith.constant 896 : index
    %swap3A_942 = vector.load %arg3[%swap3A_940, %swap3A_941] : memref<8x1024xf32, #tpu.memory_space<vmem>>, vector<1x128xf32>
    tpu.vector_store %arg3[%swap3A_940, %swap3A_941], %broadcast_in_dim3A_939 {strides = array<i32>} : memref<8x1024xf32, #tpu.memory_space<vmem>>, vector<1x128xf32>,
    return
  }
  func.func @transform_0(%arg0: i32) -> (i32, i32) {
    %add3A = arith.constant 4 : i32
    %add3A_0 = arith.addi %arg0, %add3A : i32
    %c0_i32 = arith.constant 0 : i32
    %c0_i32_1 = arith.constant 0 : i32
    return %add3A_0, %c0_i32 : i32, i32
  }
  func.func @transform_1(%arg0: i32) -> (i32, i32) {
    %add3A = arith.constant 4 : i32
    %add3A_0 = arith.addi %arg0, %add3A : i32
    %c0_i32 = arith.constant 0 : i32
    %c0_i32_1 = arith.constant 0 : i32
    return %add3A_0, %c0_i32 : i32, i32
  }
  func.func @transform_2(%arg0: i32) -> (i32, i32) {
    %c0_i32 = arith.constant 0 : i32
    %c0_i32_0 = arith.constant 0 : i32
    return %arg0, %c0_i32 : i32, i32
  }
}

</mosaic_0001>

<sc_bundles>
// kernel: kernel.5.cloned.1.call-start
scs
__scs_entry_jumppad:
0x0: {  	(pc) =	sbr.rel $0x88, $3  }
0x1: {  	(tag) =	ssettag $0x0;
	lr =	simm.s32 $0x1  }
0x2: {  	[smem:$0x3F9C] =	sst lr;
	_ =	strace $0xD0000000  }
0x3: {  	_ = 	snop  }
0x4: {  	_ = 	snop  }
0x5: {  	_ = 	snop  }
0x6: {  	_ = 	snop  }
0x7: {  	_ = 	snop  }
__scs_overlays_trampoline_lowered:
0x8: {  	[smem:$0x3FAB] =	sst s0  }
0x9: {  	[smem:$0x3FAC] =	sst s1  }
0xa: {  	[smem:$0x3FAD] =	sst s2  }
0xb: {  	[smem:$0x3FAE] =	sst s3  }
0xc: {  	[smem:$0x3FAF] =	sst s4  }
0xd: {  	[smem:$0x3FB0] =	sst s5  }
0xe: {  	[smem:$0x3FB1] =	sst s6  }
0xf: {  	[smem:$0x3FB2] =	sst s7  }
0x10: {  	[smem:$0x3FB3] =	sst s8  }
0x11: {  	[smem:$0x3FB4] =	sst s9;
	s0 =	simm.s32 @!p0 $0x0  }
0x12: {  	s1 =	sld [smem:$0x3F9A];
	s0 =	simm.s32 @p0 $0x1  }
0x13: {  	[smem:$0x3FB5] =	sst s0;
	s0 =	simm.s32 @!p1 $0x0  }
0x14: {  	s2 =	sld [smem:$0x3F99];
	s0 =	simm.s32 @p1 $0x1  }
0x15: {  	[smem:$0x3FB6] =	sst s0;
	s0 =	simm.s32 @!p2 $0x0  }
0x16: {  	s3 =	sld [smem:$0x3FDB];
	s0 =	simm.s32 @p2 $0x1  }
0x17: {  	s4 =	simm.s32 $0x1BF5;
	[smem:$0x3FB8] =	sst s0  }
0x18: {  	s0 =	sld [smem:$0x3F9B];
	_ =	swait.ge [sflag:s4], $0x0  }
0x19: {  	s7 =	sld [smem:$0x3F9C]  }
0x1a: {  	s8 =	sadd.s32 $0xFFFFE003, lr  }
0x1b: {  	s9 =	sadd.s32 $0xFFFFFEF7, lr;
	s5 =	simm.s32 $0xFFFFFFFF;
	p2 =	slt.u32 s8, $0xFFFFF086  }
0x1c: {  	p1 =	slt.u32 s9, $0xF7A;
	s5 =	simm.s32 @!p2 $0x0  }
0x1d: {  	s5 =	simm.s32 @p1 $0x1;
	p0 =	seq.s32 s7, s2  }
0x1e: {  	s7 =	smul.u32 @!p0 $0xF7A, s2;
	p2 =	seq.s32 @!p0 s5, $0x0  }
0x1f: {  	s9 =	smul.u32 $0xF7A, s1;
	s8 =	simm.s32 @!p0 $0x1BF5;
	p2 =	por !p2, p0  }
0x20: {  	[sflag:s8] =	ssyncset.s32 @!p0 $0xFFFFF086;
	s6 =	sadd.s32 @!p0 s3, s7;
	s7 =	simm.s32 @!p0 $0x108  }
0x21: {  	s3 =	sadd.s32 s3, s9;
	s6 =	sadd.s32 @!p0 $0x88, s6;
	s7 =	simm.s32 @p2 $0x1082  }
0x22: {  	[simem:s7], [sflag:s8] =	dma.local @!p0 [hbm:s6], $0xF7A  }
0x23: {  	s9 =	sor.u32 $0xD0000000, s2;
	s6 =	simm.s32 $0x108;
	_ =	swait.ge @!p0 [sflag:s8], $0x0  }
0x24: {  	s3 =	sadd.s32 $0x88, s3;
	s6 =	simm.s32 @!p1 $0x1082;
	[sflag:s4] =	ssyncset.s32 $0xFFFFF086  }
0x25: {  	[simem:s6], [sflag:s4] =	dma.local [hbm:s3], $0xF7A  }
0x26: {  	[smem:$0x3F9C] =	sst s1;
	(tag) =	ssettag s2;
	_ =	strace s9  }
0x27: {  	s1 =	sld [smem:$0x3FAC]  }
0x28: {  	s2 =	sld [smem:$0x3FAD]  }
0x29: {  	s4 =	sld [smem:$0x3FAF]  }
0x2a: {  	p0 =	seq.s32 s5, $0x0;
	s5 =	sld [smem:$0x3FB0]  }
0x2b: {  	s6 =	sld [smem:$0x3FB1]  }
0x2c: {  	s7 =	sld [smem:$0x3FB2]  }
0x2d: {  	s3 =	simm.s32 $0x108;
	s8 =	sld [smem:$0x3FB3]  }
0x2e: {  	s3 =	simm.s32 @!p0 $0x1082;
	s9 =	sld [smem:$0x3FB4]  }
0x2f: {  	lr =	sadd.s32 s0, s3;
	s0 =	sld [smem:$0x3FAB]  }
0x30: {  	s3 =	sld [smem:$0x3FAE]  }
0x31: {  	[smem:$0x3FB7] =	sst s10  }
0x32: {  	s10 =	sld [smem:$0x3FB5];
	_ =	sdelay $0x3  }
0x33: {  	p0 =	seq.s32 s10, $0x1;
	s10 =	sld [smem:$0x3FB7];
	_ =	sdelay $0x3  }
0x34: {  	[smem:$0x3FB7] =	sst s10  }
0x35: {  	s10 =	sld [smem:$0x3FB6];
	_ =	sdelay $0x3  }
0x36: {  	p1 =	seq.s32 s10, $0x1;
	s10 =	sld [smem:$0x3FB7];
	_ =	sdelay $0x3  }
0x37: {  	[smem:$0x3FB7] =	sst s10  }
0x38: {  	s10 =	sld [smem:$0x3FB8]  }
0x39: {  	_ = 	snop;
	(pc) =	sbr.ind lr, $3  }
0x3a: {  	_ = 	snop  }
0x3b: {  	_ = 	snop  }
0x3c: {  	p2 =	seq.s32 s10, $0x1;
	s10 =	sld [smem:$0x3FB7]  }
0x3d: {  	_ =	shalt  }
0x3e: {  	_ =	shalt  }
0x3f: {  	_ =	shalt  }
0x40: {  	_ =	shalt  }
0x41: {  	_ =	shalt  }
0x42: {  	_ =	shalt  }
0x43: {  	_ =	shalt  }
0x44: {  	_ =	shalt  }
0x45: {  	_ =	shalt  }
0x46: {  	_ =	shalt  }
0x47: {  	_ =	shalt  }
0x48: {  	_ =	shalt  }
0x49: {  	_ =	shalt  }
0x4a: {  	_ =	shalt  }
0x4b: {  	_ =	shalt  }
0x4c: {  	_ =	shalt  }
0x4d: {  	_ =	shalt  }
0x4e: {  	_ =	shalt  }
0x4f: {  	_ =	shalt  }
0x50: {  	_ =	shalt  }
0x51: {  	_ =	shalt  }
0x52: {  	_ =	shalt  }
0x53: {  	_ =	shalt  }
0x54: {  	_ =	shalt  }
0x55: {  	_ =	shalt  }
0x56: {  	_ =	shalt  }
0x57: {  	_ =	shalt  }
0x58: {  	_ =	shalt  }
0x59: {  	_ =	shalt  }
0x5a: {  	_ =	shalt  }
0x5b: {  	_ =	shalt  }
0x5c: {  	_ =	shalt  }
0x5d: {  	_ =	shalt  }
0x5e: {  	_ =	shalt  }
0x5f: {  	_ =	shalt  }
0x60: {  	_ =	shalt  }
0x61: {  	_ =	shalt  }
0x62: {  	_ =	shalt  }
0x63: {  	_ =	shalt  }
0x64: {  	_ =	shalt  }
0x65: {  	_ =	shalt  }
0x66: {  	_ =	shalt  }
0x67: {  	_ =	shalt  }
0x68: {  	_ =	shalt  }
0x69: {  	_ =	shalt  }
0x6a: {  	_ =	shalt  }
0x6b: {  	_ =	shalt  }
0x6c: {  	_ =	shalt  }
0x6d: {  	_ =	shalt  }
0x6e: {  	_ =	shalt  }
0x6f: {  	_ =	shalt  }
0x70: {  	_ =	shalt  }
0x71: {  	_ =	shalt  }
0x72: {  	_ =	shalt  }
0x73: {  	_ =	shalt  }
0x74: {  	_ =	shalt  }
0x75: {  	_ =	shalt  }
0x76: {  	_ =	shalt  }
0x77: {  	_ =	shalt  }
0x78: {  	_ =	shalt  }
0x79: {  	_ =	shalt  }
0x7a: {  	_ =	shalt  }
0x7b: {  	_ =	shalt  }
0x7c: {  	_ =	shalt  }
0x7d: {  	_ =	shalt  }
0x7e: {  	_ =	shalt  }
0x7f: {  	_ =	shalt  }
0x80: {  	_ =	shalt  }
0x81: {  	_ =	shalt  }
0x82: {  	_ =	shalt  }
0x83: {  	_ =	shalt  }
0x84: {  	_ =	shalt  }
0x85: {  	_ =	shalt  }
0x86: {  	_ =	shalt  }
0x87: {  	_ =	shalt  }
.Lfunc_end0:
.L_simem_size_0:
called_computation_lowered:
.L_overlay_start_0:
0x88: {  	s2 =	sld [smem:$0x3FD9]  }
0x89: {  	s3 =	sld [smem:$0x3FFE];
	_ =	sdelay $0x1  }
0x8a: {  	s1 =	srdreg.scid  }
0x8b: {  	s0 =	sand.u32 $0x1, s1  }
0x8c: {  	s17 =	sshll.u32 s0, $0xA;
	s2 =	sadd.s32 s3, s2  }
0x8d: {  	s2 =	sadd.s32 s2, s17  }
0x8e: {  	[smem:$0x3FC3] =	sst s2  }
0x8f: {  	_ = 	snop  }
0x90: {  	s2 =	sld [smem:$0x3FC9]  }
0x91: {  	s18 =	sld [smem:$0x3FC7];
	(tm) =	ssettm $0x1  }
0x92: {  	s4 =	sld [smem:$0x3FFB];
	_ =	sdelay $0x3  }
0x93: {  	_ =	strace s4  }
0x94: {  	s4 =	sld [smem:$0x3FFC];
	_ =	sdelay $0x3  }
0x95: {  	_ =	strace s4  }
0x96: {  	s4 =	sld [smem:$0x3FFD];
	_ =	sdelay $0x3  }
0x97: {  	_ =	strace s4  }
0x98: {  	_ =	strace $0x8FFFFFFF  }
0x99: {  	s19 =	sld [smem:$0x3FDB];
	_ =	sdelay $0x1  }
0x9a: {  	s5 =	simm.s32 $_scs_section_size  }
0x9b: {  	s6 =	simm.s32 $_size__tile_overlayer_lowered;
	s7 =	simm.s32 $_tile_overlayer_lowered  }
0x9c: {  	s22 =	simm.s32 $0x1BFF;
	s21 =	sshll.u32 s7, $0x1;
	s4 =	sadd.s32 s5, s19  }
0x9d: {  	s8 =	simm.s32 $0x0;
	s20 =	sshll.u32 s6, $0x1;
	s6 =	sadd.s32 s21, s4  }
0x9e: {  	[timem:s8], [sflag:s22] =	dma.local [hbm:s6], s20  }
0x9f: {  	_ =	swait.ge [sflag:s22], s20  }
0xa0: {  	s5 =	ssub.s32 $0x0, s20;
	[sflag:s22] =	ssyncset.done $0x0  }
0xa1: {  	[sflag:s22] =	ssyncadd.s32 s5;
	_ =	sdelay $0x1  }
0xa2: {  	s23 =	simm.s32 $0x1B8B  }
0xa3: {  	_ =	swait.ge [sflag:s23], $0x1  }
0xa4: {  	[sflag:s23] =	ssyncset.done $0x0  }
0xa5: {  	s25 =	simm.s32 $0x1B8E;
	s24 =	sld [smem:$0x3FFE];
	[sflag:s23] =	ssyncadd.s32 $0xFFFFFFFF  }
0xa6: {  	s26 =	simm.s32 $execute0_lowered;
	[smem:$0x3FD2] =	sst s25  }
0xa7: {  	s6 =	sshll.u32 s26, $0x1;
	_ =	strace $0x80000046;
	[dreg:$0x1] =	wrdreg $0xFFFFFFFF  }
0xa8: {  	s28 =	simm.s32 $_size_execute0_lowered;
	s4 =	sadd.s32 s4, s6;
	[dreg:$0x0] =	wrdreg $0x0  }
0xa9: {  	s6 =	sshll.u32 s28, $0x1;
	[dreg:$0x2] =	wrdreg s4  }
0xaa: {  	[dreg:$0x3] =	wrdreg s6  }
0xab: {  	[dreg:$0x4] =	wrdreg $0xC0  }
0xac: {  	_ =	task [dreg:s8], $0x5FFFF  }
0xad: {  	[dreg:$0x1] =	wrdreg $0xFFFFFFFF  }
0xae: {  	[dreg:$0x0] =	wrdreg $0x60  }
0xaf: {  	[dreg:$0x2] =	wrdreg s2  }
0xb0: {  	[dreg:$0x3] =	wrdreg s18  }
0xb1: {  	[dreg:$0x4] =	wrdreg s24  }
0xb2: {  	[dreg:$0x5] =	wrdreg $0x9  }
0xb3: {  	_ =	task.clear_ibuf [dreg:s8], $0x6FFFF;
	_ =	strace $0x90000046  }
0xb4: {  	s29 =	simm.s32 $0x9;
	_ =	strace $0x80000048  }
0xb5: {  	_ =	swait.ge [sflag:s29], $0x1  }
0xb6: {  	[sflag:s29] =	ssyncadd.s32 $0xFFFFFFFF  }
0xb7: {  	_ =	strace $0x90000048  }
0xb8: {  	_ =	sfence  }
0xb9: {  	s30 =	sld [smem:$0x0];
	_ =	sdelay $0x2  }
0xba: {  	s31 =	sshll.u32 s1, $0xD;
	s1 =	sshrl.u32 s1, $0x2  }
0xbb: {  	s3 =	sand.u32 $0x4000, s31;
	s1 =	sadd.s32 s1, s30  }
0xbc: {  	s0 =	sor.u32 s3, s0;
	s1 =	sshll.u32 s1, $0x11  }
0xbd: {  	s0 =	sor.u32 s1, s0  }
0xbe: {  	s0 =	sadd.s32 $0x8F2B, s0  }
0xbf: {  	[sflag:s0] =	ssyncadd.remote.s32 $0x1  }
0xc0: {  	_ =	sfence.sel $0xFFFF  }
0xc1: {  	[dreg:$0x0] =	wrdreg $0xFFFFFFFF;
	(pc) =	sbr.abs _section_cstart, $3  }
0xc2: {  	[dreg:$0x1] =	wrdreg $0xFFFFFFFF  }
0xc3: {  	_ =	task.clear_ibuf [dreg:s8], $0x2FFFF;
	_ =	strace $0x9FFFFFFF  }
0xc4: {  	(tm) =	ssettm $0x7FFFFFFF  }
0xc5: {  	_ =	shalt  }
tec
execute0_lowered:
.L_overlay_start_1:
0x0: {  	(tag) =	ssettag $0x1  }
0x1: {  	s3 =	rddreg [dreg:$0x0]  }
0x2: {  	s7 =	rddreg [dreg:$0x1];
	s0 =	stileid.u32  }
0x3: {  	s1 =	srdreg.scid;
	s4 =	rddreg [dreg:$0x2]  }
0x4: {  	s2 =	simm.s32 $0x0;
	s15 =	simm.s32 $0x6700;
	s16 =	simm.s32 $0xCB00  }
0x5: {  	s17 =	simm.s32 $0x12F00;
	s18 =	simm.s32 $0x5;
	s19 =	simm.s32 $0x1  }
0x6: {  	s20 =	simm.s32 $0x2;
	s21 =	simm.s32 $0x3;
	s22 =	simm.s32 $0x4  }
0x7: {  	s23 =	simm.s32 $0x80;
	s24 =	simm.s32 $0x400;
	s25 =	simm.s32 $0x19300  }
0x8: {  	s26 =	simm.s32 $0x0;
	s5 =	sand.u32 $0x1, s1;
	s1 =	rddreg [dreg:$0x3]  }
0x9: {  	s6 =	sshll.u32 s0, $0x1;
	[smem:$0x7FF] =	sst s2;
	s8 =	sshll.u32 s0, $0x8  }
0xa: {  	s6 =	sor.u32 s5, s6;
	_ =	strace $0x80000047;
	s5 =	ssub.s32 $0x2, s5  }
0xb: {  	s8 =	sand.u32 $0xC00, s8;
	s9 =	smul.u32 $0x32000, s6;
	s10 =	sshrl.u32 s5, $0x1  }
0xc: {  	s11 =	smul.u32 $0x6400, s6;
	s12 =	sadd.s32 s8, s4;
	s31 =	sshll.u32 s6, $0x4  }
0xd: {  	s13 =	ssub.s32 s5, s10;
	s7 =	sadd.s32 s7, s31;
	s14 =	sand.u32 $0x70, s31  }
.Ltmp0:
0xe: {  	s9 =	sshrl.u32 s9, $0x3;
	s12 =	sadd.s32 s14, s12;
	(pc) =	sbr.rel .LBB2_1-.Ltmp0, $4  }
0xf: {  	s13 =	smax.u32 s13, $0x1;
	s14 =	simm.s32 $0x300;
	s30 =	sadd.s32 s3, s9  }
0x10: {  	s3 =	sadd.s32 s3, s11;
	s12 =	sadd.s32 $0x1200, s12;
	s4 =	sadd.s32 $0xC80, s30  }
0x11: {  	s5 =	sadd.s32 $0x1900, s30;
	s6 =	sadd.s32 $0x2580, s30;
	s8 =	sadd.s32 $0x3200, s3  }
0x12: {  	s9 =	sadd.s32 $0x3E80, s3;
	s10 =	sadd.s32 $0x4B00, s3;
	s11 =	sadd.s32 $0x5780, s3  }
.LBB2_6:
0x13: {  	s26 =	sadd.s32 $0x1, s26  }
0x14: {  	p0 =	sne.s32 s26, s13  }
.Ltmp1:
0x15: {  	_ = 	snop;
	(pc) =	sbr.rel @!p0 .LBB2_7-.Ltmp1, $4  }
0x16: {  	[hbm4b:s12+s23] =	stream.strided.scatter [tilespmem:s25], [sflag:$0x5], $0x400, s24, s23, $0x38;
	[tilespmem:$0x19700] =	vst v63  }
0x17: {  	_ =	swait.ge [sflag:s18], $0x400  }
0x18: {  	[sflag:s18] =	ssyncset.done $0x0  }
0x19: {  	[sflag:s18] =	ssyncadd.s32 $0xFFFFFC00  }
.LBB2_1:
0x1a: {  	[tilespmem:s14], [sflag:$0x1] =	stream.linear.gather [hbm4b:s3+s2], $0x6400, $0x38;
	[tilespmem:$0x19700] =	vst v63  }
0x1b: {  	_ = 	snop  }
0x1c: {  	[tilespmem:s15], [sflag:$0x2] =	stream.linear.gather [hbm4b:s4+s2], $0x6400, $0x38;
	[tilespmem:$0x19700] =	vst v63  }
0x1d: {  	_ = 	snop  }
0x1e: {  	[tilespmem:s16], [sflag:$0x3] =	stream.linear.gather [hbm4b:s5+s2], $0x6400, $0x38;
	[tilespmem:$0x19700] =	vst v63  }
0x1f: {  	_ = 	snop  }
0x20: {  	[tilespmem:s17], [sflag:$0x4] =	stream.linear.gather [hbm4b:s6+s2], $0x6400, $0x38;
	[tilespmem:$0x19700] =	vst v63  }
0x21: {  	_ = 	snop  }
0x22: {  	[tilespmem:s2], [sflag:$0x5] =	stream.linear.gather [hbm4b:s7+s2], $0x100, $0x38;
	[tilespmem:$0x19700] =	vst v63  }
0x23: {  	_ =	swait.ge [sflag:s18], $0x100  }
0x24: {  	[sflag:s18] =	ssyncset.done $0x0  }
0x25: {  	s29 =	simm.s32 $0x0;
	[sflag:s18] =	ssyncadd.s32 $0xFFFFFF00  }
0x26: {  	v1 =	vld [tilespmem:s29+$0x0];
	_ =	sdelay $0x4  }
0x27: {  	v0 =	vmul.u32 $0x147B, v1  }
0x28: {  	s28 =	simm.s32 $0x10  }
0x29: {  	v2 =	vshrl.u32 v0, $0x14;
	v0 =	vld [tilespmem:s28+$0x0];
	_ =	sdelay $0x1  }
0x2a: {  	v3 =	vmul.u32 $0xFFFFFF38, v2;
	_ =	sdelay $0x1  }
0x2b: {  	s30 =	simm.s32 $0x80;
	[tilespmem:s29+$0x200] =	vst v2;
	v1 =	vadd.s32 v1, v3  }
.LBB2_2:
0x2c: {  	s31 =	sshra.s32 s30, $0x2;
	p0 =	sne.s32 s30, $0x3C0;
	s30 =	sadd.s32 $0x40, s30;
	v2 =	vmul.u32 $0x147B, v0;
	[tilespmem:s29+$0x100] =	vst v1;
	v1 =	vmov v0  }
.Ltmp2:
0x2d: {  	s29 =	smov.u32 s28;
	v0 =	vld [tilespmem:s31+$0x0];
	s28 =	smov.u32 s31;
	(pc) =	sbr.rel @p0 .LBB2_2-.Ltmp2, $3  }
0x2e: {  	v2 =	vshrl.u32 v2, $0x14  }
0x2f: {  	[tilespmem:s29+$0x200] =	vst v2;
	v2 =	vmul.u32 $0xFFFFFF38, v2;
	_ =	sdelay $0x1  }
0x30: {  	v1 =	vadd.s32 v1, v2  }
0x31: {  	v2 =	vmul.u32 $0x147B, v0;
	_ =	sdelay $0x1  }
0x32: {  	v2 =	vshrl.u32 v2, $0x14  }
0x33: {  	v3 =	vmul.u32 $0xFFFFFF38, v2  }
0x34: {  	[tilespmem:s29+$0x100] =	vst v1  }
0x35: {  	[tilespmem:s28+$0x200] =	vst v2;
	v63 =	vadd.s32 v0, v3  }
0x36: {  	s29 =	simm.s32 $0x0;
	p0 =	por $0x1, $0x1;
	[tilespmem:s28+$0x100] =	vst v63  }
.LBB2_4:
0x37: {  	_ =	swait.ge [sflag:s19], $0x6400  }
0x38: {  	[sflag:s19] =	ssyncset.done $0x0  }
0x39: {  	[sflag:s19] =	ssyncadd.s32 $0xFFFF9C00  }
0x3a: {  	v0 =	vld [tilespmem:$0x100]  }
0x3b: {  	v1 =	vld [tilespmem:$0x200];
	_ =	sdelay $0x4  }
0x3c: {  	v2 =	vand.u32 $0xFFFFFF80, v1;
	v0 =	vshll.u32 v0, $0x7  }
0x3d: {  	v1 =	vand.u32 $0x7F, v1;
	v0 =	vadd.s32 v0, v2  }
0x3e: {  	v0 =	vor.u32 v1, v0;
	_ =	sdelay $0x4  }
0x3f: {  	v0 =	vld.idx.msk [tilespmem:v0+s14+$0x0], $0xffff;
	_ =	sdelay $0x3  }
0x40: {  	s28 =	sshra.s32 s29, $0x2  }
0x41: {  	[tilespmem:s28+$0x19300] =	vst v0  }
0x42: {  	v0 =	vld [tilespmem:$0x110]  }
0x43: {  	v59 =	vld [tilespmem:$0x210];
	_ =	sdelay $0x4  }
0x44: {  	v60 =	vand.u32 $0xFFFFFF80, v59;
	v0 =	vshll.u32 v0, $0x7  }
0x45: {  	v1 =	vand.u32 $0x7F, v59;
	v0 =	vadd.s32 v0, v60  }
0x46: {  	v0 =	vor.u32 v1, v0;
	_ =	sdelay $0x4  }
0x47: {  	v0 =	vld.idx.msk [tilespmem:v0+s14+$0x0], $0xffff;
	_ =	sdelay $0x4  }
0x48: {  	[tilespmem:s28+$0x19310] =	vst v0  }
0x49: {  	v0 =	vld [tilespmem:$0x120]  }
0x4a: {  	v61 =	vld [tilespmem:$0x220];
	_ =	sdelay $0x4  }
0x4b: {  	v62 =	vand.u32 $0xFFFFFF80, v61;
	v0 =	vshll.u32 v0, $0x7  }
0x4c: {  	v1 =	vand.u32 $0x7F, v61;
	v0 =	vadd.s32 v0, v62  }
0x4d: {  	v0 =	vor.u32 v1, v0;
	_ =	sdelay $0x4  }
0x4e: {  	v0 =	vld.idx.msk [tilespmem:v0+s14+$0x0], $0xffff;
	_ =	sdelay $0x4  }
0x4f: {  	[tilespmem:s28+$0x19320] =	vst v0  }
0x50: {  	v0 =	vld [tilespmem:$0x130]  }
0x51: {  	v63 =	vld [tilespmem:$0x230];
	_ =	sdelay $0x4  }
0x52: {  	v4 =	vand.u32 $0xFFFFFF80, v63;
	v0 =	vshll.u32 v0, $0x7  }
0x53: {  	v1 =	vand.u32 $0x7F, v63;
	v0 =	vadd.s32 v0, v4  }
0x54: {  	v0 =	vor.u32 v1, v0;
	_ =	sdelay $0x4  }
0x55: {  	v0 =	vld.idx.msk [tilespmem:v0+s14+$0x0], $0xffff;
	_ =	sdelay $0x4  }
0x56: {  	[tilespmem:s28+$0x19330] =	vst v0  }
0x57: {  	v0 =	vld [tilespmem:$0x140]  }
0x58: {  	v5 =	vld [tilespmem:$0x240];
	_ =	sdelay $0x4  }
0x59: {  	v6 =	vand.u32 $0xFFFFFF80, v5;
	v0 =	vshll.u32 v0, $0x7  }
0x5a: {  	v1 =	vand.u32 $0x7F, v5;
	v0 =	vadd.s32 v0, v6  }
0x5b: {  	v0 =	vor.u32 v1, v0;
	_ =	sdelay $0x4  }
0x5c: {  	v0 =	vld.idx.msk [tilespmem:v0+s14+$0x0], $0xffff;
	_ =	sdelay $0x4  }
0x5d: {  	[tilespmem:s28+$0x19340] =	vst v0  }
0x5e: {  	v0 =	vld [tilespmem:$0x150]  }
0x5f: {  	v7 =	vld [tilespmem:$0x250];
	_ =	sdelay $0x4  }
0x60: {  	v8 =	vand.u32 $0xFFFFFF80, v7;
	v0 =	vshll.u32 v0, $0x7  }
0x61: {  	v1 =	vand.u32 $0x7F, v7;
	v0 =	vadd.s32 v0, v8  }
0x62: {  	v0 =	vor.u32 v1, v0;
	_ =	sdelay $0x4  }
0x63: {  	v0 =	vld.idx.msk [tilespmem:v0+s14+$0x0], $0xffff;
	_ =	sdelay $0x4  }
0x64: {  	[tilespmem:s28+$0x19350] =	vst v0  }
0x65: {  	v0 =	vld [tilespmem:$0x160]  }
0x66: {  	v9 =	vld [tilespmem:$0x260];
	_ =	sdelay $0x4  }
0x67: {  	v10 =	vand.u32 $0xFFFFFF80, v9;
	v0 =	vshll.u32 v0, $0x7  }
0x68: {  	v1 =	vand.u32 $0x7F, v9;
	v0 =	vadd.s32 v0, v10  }
0x69: {  	v0 =	vor.u32 v1, v0;
	_ =	sdelay $0x4  }
0x6a: {  	v0 =	vld.idx.msk [tilespmem:v0+s14+$0x0], $0xffff;
	_ =	sdelay $0x4  }
0x6b: {  	[tilespmem:s28+$0x19360] =	vst v0  }
0x6c: {  	v0 =	vld [tilespmem:$0x170]  }
0x6d: {  	v11 =	vld [tilespmem:$0x270];
	_ =	sdelay $0x4  }
0x6e: {  	v12 =	vand.u32 $0xFFFFFF80, v11;
	v0 =	vshll.u32 v0, $0x7  }
0x6f: {  	v1 =	vand.u32 $0x7F, v11;
	v0 =	vadd.s32 v0, v12  }
0x70: {  	v0 =	vor.u32 v1, v0;
	_ =	sdelay $0x4  }
0x71: {  	v0 =	vld.idx.msk [tilespmem:v0+s14+$0x0], $0xffff;
	_ =	sdelay $0x4  }
0x72: {  	s29 =	simm.s32 @p0 $0x0;
	s30 =	simm.s32 @p0 $0x300;
	[tilespmem:s28+$0x19370] =	vst v0  }
0x73: {  	[tilespmem:s30], [sflag:$0x1] =	stream.linear.gather @p0 [hbm4b:s8+s29], $0x6400, $0x38;
	[tilespmem:$0x19700] =	vst v63  }
0x74: {  	_ =	swait.ge [sflag:s20], $0x6400  }
0x75: {  	[sflag:s20] =	ssyncset.done $0x0  }
0x76: {  	[sflag:s20] =	ssyncadd.s32 $0xFFFF9C00  }
0x77: {  	v13 =	vld [tilespmem:$0x100]  }
0x78: {  	v14 =	vld [tilespmem:$0x200];
	_ =	sdelay $0x4  }
0x79: {  	v15 =	vand.u32 $0xFFFFFF80, v14;
	v0 =	vshll.u32 v13, $0x7  }
0x7a: {  	v1 =	vand.u32 $0x7F, v14;
	v0 =	vadd.s32 v0, v15  }
0x7b: {  	v0 =	vor.u32 v1, v0;
	_ =	sdelay $0x4  }
0x7c: {  	v0 =	vld.idx.msk [tilespmem:v0+s15+$0x0], $0xffff;
	_ =	sdelay $0x4  }
0x7d: {  	[tilespmem:s28+$0x19380] =	vst v0  }
0x7e: {  	v0 =	vld [tilespmem:$0x110]  }
0x7f: {  	v16 =	vld [tilespmem:$0x210];
	_ =	sdelay $0x4  }
0x80: {  	v17 =	vand.u32 $0xFFFFFF80, v16;
	v0 =	vshll.u32 v0, $0x7  }
0x81: {  	v1 =	vand.u32 $0x7F, v16;
	v0 =	vadd.s32 v0, v17  }
0x82: {  	v0 =	vor.u32 v1, v0;
	_ =	sdelay $0x4  }
0x83: {  	v0 =	vld.idx.msk [tilespmem:v0+s15+$0x0], $0xffff;
	_ =	sdelay $0x4  }
0x84: {  	[tilespmem:s28+$0x19390] =	vst v0  }
0x85: {  	v0 =	vld [tilespmem:$0x120]  }
0x86: {  	v18 =	vld [tilespmem:$0x220];
	_ =	sdelay $0x4  }
0x87: {  	v19 =	vand.u32 $0xFFFFFF80, v18;
	v0 =	vshll.u32 v0, $0x7  }
0x88: {  	v1 =	vand.u32 $0x7F, v18;
	v0 =	vadd.s32 v0, v19  }
0x89: {  	v0 =	vor.u32 v1, v0;
	_ =	sdelay $0x4  }
0x8a: {  	v0 =	vld.idx.msk [tilespmem:v0+s15+$0x0], $0xffff;
	_ =	sdelay $0x4  }
0x8b: {  	[tilespmem:s28+$0x193A0] =	vst v0  }
0x8c: {  	v0 =	vld [tilespmem:$0x130]  }
0x8d: {  	v20 =	vld [tilespmem:$0x230];
	_ =	sdelay $0x4  }
0x8e: {  	v21 =	vand.u32 $0xFFFFFF80, v20;
	v0 =	vshll.u32 v0, $0x7  }
0x8f: {  	v1 =	vand.u32 $0x7F, v20;
	v0 =	vadd.s32 v0, v21  }
0x90: {  	v0 =	vor.u32 v1, v0;
	_ =	sdelay $0x4  }
0x91: {  	v0 =	vld.idx.msk [tilespmem:v0+s15+$0x0], $0xffff;
	_ =	sdelay $0x4  }
0x92: {  	[tilespmem:s28+$0x193B0] =	vst v0  }
0x93: {  	v0 =	vld [tilespmem:$0x140]  }
0x94: {  	v22 =	vld [tilespmem:$0x240];
	_ =	sdelay $0x4  }
0x95: {  	v23 =	vand.u32 $0xFFFFFF80, v22;
	v0 =	vshll.u32 v0, $0x7  }
0x96: {  	v1 =	vand.u32 $0x7F, v22;
	v0 =	vadd.s32 v0, v23  }
0x97: {  	v0 =	vor.u32 v1, v0;
	_ =	sdelay $0x4  }
0x98: {  	v0 =	vld.idx.msk [tilespmem:v0+s15+$0x0], $0xffff;
	_ =	sdelay $0x4  }
0x99: {  	[tilespmem:s28+$0x193C0] =	vst v0  }
0x9a: {  	v0 =	vld [tilespmem:$0x150]  }
0x9b: {  	v24 =	vld [tilespmem:$0x250];
	_ =	sdelay $0x4  }
0x9c: {  	v25 =	vand.u32 $0xFFFFFF80, v24;
	v0 =	vshll.u32 v0, $0x7  }
0x9d: {  	v1 =	vand.u32 $0x7F, v24;
	v0 =	vadd.s32 v0, v25  }
0x9e: {  	v0 =	vor.u32 v1, v0;
	_ =	sdelay $0x4  }
0x9f: {  	v0 =	vld.idx.msk [tilespmem:v0+s15+$0x0], $0xffff;
	_ =	sdelay $0x4  }
0xa0: {  	[tilespmem:s28+$0x193D0] =	vst v0  }
0xa1: {  	v0 =	vld [tilespmem:$0x160]  }
0xa2: {  	v26 =	vld [tilespmem:$0x260];
	_ =	sdelay $0x4  }
0xa3: {  	v27 =	vand.u32 $0xFFFFFF80, v26;
	v0 =	vshll.u32 v0, $0x7  }
0xa4: {  	v1 =	vand.u32 $0x7F, v26;
	v0 =	vadd.s32 v0, v27  }
0xa5: {  	v0 =	vor.u32 v1, v0;
	_ =	sdelay $0x4  }
0xa6: {  	v0 =	vld.idx.msk [tilespmem:v0+s15+$0x0], $0xffff;
	_ =	sdelay $0x4  }
0xa7: {  	[tilespmem:s28+$0x193E0] =	vst v0  }
0xa8: {  	v0 =	vld [tilespmem:$0x170]  }
0xa9: {  	v28 =	vld [tilespmem:$0x270];
	_ =	sdelay $0x4  }
0xaa: {  	v29 =	vand.u32 $0xFFFFFF80, v28;
	v0 =	vshll.u32 v0, $0x7  }
0xab: {  	v1 =	vand.u32 $0x7F, v28;
	v0 =	vadd.s32 v0, v29  }
0xac: {  	v0 =	vor.u32 v1, v0;
	_ =	sdelay $0x4  }
0xad: {  	v0 =	vld.idx.msk [tilespmem:v0+s15+$0x0], $0xffff;
	_ =	sdelay $0x4  }
0xae: {  	s30 =	simm.s32 @p0 $0x6700;
	[tilespmem:s28+$0x193F0] =	vst v0  }
0xaf: {  	[tilespmem:s30], [sflag:$0x2] =	stream.linear.gather @p0 [hbm4b:s9+s29], $0x6400, $0x38;
	[tilespmem:$0x19700] =	vst v63  }
0xb0: {  	_ =	swait.ge [sflag:s21], $0x6400  }
0xb1: {  	[sflag:s21] =	ssyncset.done $0x0  }
0xb2: {  	[sflag:s21] =	ssyncadd.s32 $0xFFFF9C00  }
0xb3: {  	v30 =	vld [tilespmem:$0x100]  }
0xb4: {  	v31 =	vld [tilespmem:$0x200];
	_ =	sdelay $0x4  }
0xb5: {  	v32 =	vand.u32 $0xFFFFFF80, v31;
	v0 =	vshll.u32 v30, $0x7  }
0xb6: {  	v1 =	vand.u32 $0x7F, v31;
	v0 =	vadd.s32 v0, v32  }
0xb7: {  	v0 =	vor.u32 v1, v0;
	_ =	sdelay $0x4  }
0xb8: {  	v0 =	vld.idx.msk [tilespmem:v0+s16+$0x0], $0xffff;
	_ =	sdelay $0x4  }
0xb9: {  	[tilespmem:s28+$0x19400] =	vst v0  }
0xba: {  	v0 =	vld [tilespmem:$0x110]  }
0xbb: {  	v33 =	vld [tilespmem:$0x210];
	_ =	sdelay $0x4  }
0xbc: {  	v34 =	vand.u32 $0xFFFFFF80, v33;
	v0 =	vshll.u32 v0, $0x7  }
0xbd: {  	v1 =	vand.u32 $0x7F, v33;
	v0 =	vadd.s32 v0, v34  }
0xbe: {  	v0 =	vor.u32 v1, v0;
	_ =	sdelay $0x4  }
0xbf: {  	v0 =	vld.idx.msk [tilespmem:v0+s16+$0x0], $0xffff;
	_ =	sdelay $0x4  }
0xc0: {  	[tilespmem:s28+$0x19410] =	vst v0  }
0xc1: {  	v0 =	vld [tilespmem:$0x120]  }
0xc2: {  	v35 =	vld [tilespmem:$0x220];
	_ =	sdelay $0x4  }
0xc3: {  	v36 =	vand.u32 $0xFFFFFF80, v35;
	v0 =	vshll.u32 v0, $0x7  }
0xc4: {  	v1 =	vand.u32 $0x7F, v35;
	v0 =	vadd.s32 v0, v36  }
0xc5: {  	v0 =	vor.u32 v1, v0;
	_ =	sdelay $0x4  }
0xc6: {  	v0 =	vld.idx.msk [tilespmem:v0+s16+$0x0], $0xffff;
	_ =	sdelay $0x4  }
0xc7: {  	[tilespmem:s28+$0x19420] =	vst v0  }
0xc8: {  	v0 =	vld [tilespmem:$0x130]  }
0xc9: {  	v37 =	vld [tilespmem:$0x230];
	_ =	sdelay $0x4  }
0xca: {  	v38 =	vand.u32 $0xFFFFFF80, v37;
	v0 =	vshll.u32 v0, $0x7  }
0xcb: {  	v1 =	vand.u32 $0x7F, v37;
	v0 =	vadd.s32 v0, v38  }
0xcc: {  	v0 =	vor.u32 v1, v0;
	_ =	sdelay $0x4  }
0xcd: {  	v0 =	vld.idx.msk [tilespmem:v0+s16+$0x0], $0xffff;
	_ =	sdelay $0x4  }
0xce: {  	[tilespmem:s28+$0x19430] =	vst v0  }
0xcf: {  	v0 =	vld [tilespmem:$0x140]  }
0xd0: {  	v39 =	vld [tilespmem:$0x240];
	_ =	sdelay $0x4  }
0xd1: {  	v40 =	vand.u32 $0xFFFFFF80, v39;
	v0 =	vshll.u32 v0, $0x7  }
0xd2: {  	v1 =	vand.u32 $0x7F, v39;
	v0 =	vadd.s32 v0, v40  }
0xd3: {  	v0 =	vor.u32 v1, v0;
	_ =	sdelay $0x4  }
0xd4: {  	v0 =	vld.idx.msk [tilespmem:v0+s16+$0x0], $0xffff;
	_ =	sdelay $0x4  }
0xd5: {  	[tilespmem:s28+$0x19440] =	vst v0  }
0xd6: {  	v0 =	vld [tilespmem:$0x150]  }
0xd7: {  	v41 =	vld [tilespmem:$0x250];
	_ =	sdelay $0x4  }
0xd8: {  	v42 =	vand.u32 $0xFFFFFF80, v41;
	v0 =	vshll.u32 v0, $0x7  }
0xd9: {  	v1 =	vand.u32 $0x7F, v41;
	v0 =	vadd.s32 v0, v42  }
0xda: {  	v0 =	vor.u32 v1, v0;
	_ =	sdelay $0x4  }
0xdb: {  	v0 =	vld.idx.msk [tilespmem:v0+s16+$0x0], $0xffff;
	_ =	sdelay $0x4  }
0xdc: {  	[tilespmem:s28+$0x19450] =	vst v0  }
0xdd: {  	v0 =	vld [tilespmem:$0x160]  }
0xde: {  	v43 =	vld [tilespmem:$0x260];
	_ =	sdelay $0x4  }
0xdf: {  	v44 =	vand.u32 $0xFFFFFF80, v43;
	v0 =	vshll.u32 v0, $0x7  }
0xe0: {  	v1 =	vand.u32 $0x7F, v43;
	v0 =	vadd.s32 v0, v44  }
0xe1: {  	v0 =	vor.u32 v1, v0;
	_ =	sdelay $0x4  }
0xe2: {  	v0 =	vld.idx.msk [tilespmem:v0+s16+$0x0], $0xffff;
	_ =	sdelay $0x4  }
0xe3: {  	[tilespmem:s28+$0x19460] =	vst v0  }
0xe4: {  	v0 =	vld [tilespmem:$0x170]  }
0xe5: {  	v45 =	vld [tilespmem:$0x270];
	_ =	sdelay $0x4  }
0xe6: {  	v46 =	vand.u32 $0xFFFFFF80, v45;
	v0 =	vshll.u32 v0, $0x7  }
0xe7: {  	v1 =	vand.u32 $0x7F, v45;
	v0 =	vadd.s32 v0, v46  }
0xe8: {  	v0 =	vor.u32 v1, v0;
	_ =	sdelay $0x4  }
0xe9: {  	v0 =	vld.idx.msk [tilespmem:v0+s16+$0x0], $0xffff;
	_ =	sdelay $0x4  }
0xea: {  	s30 =	simm.s32 @p0 $0xCB00;
	[tilespmem:s28+$0x19470] =	vst v0  }
0xeb: {  	[tilespmem:s30], [sflag:$0x3] =	stream.linear.gather @p0 [hbm4b:s10+s29], $0x6400, $0x38;
	[tilespmem:$0x19700] =	vst v63  }
0xec: {  	_ =	swait.ge [sflag:s22], $0x6400  }
0xed: {  	[sflag:s22] =	ssyncset.done $0x0  }
0xee: {  	[sflag:s22] =	ssyncadd.s32 $0xFFFF9C00  }
0xef: {  	v47 =	vld [tilespmem:$0x100]  }
0xf0: {  	v48 =	vld [tilespmem:$0x200];
	_ =	sdelay $0x4  }
0xf1: {  	v49 =	vand.u32 $0xFFFFFF80, v48;
	v0 =	vshll.u32 v47, $0x7  }
0xf2: {  	v1 =	vand.u32 $0x7F, v48;
	v0 =	vadd.s32 v0, v49  }
0xf3: {  	v0 =	vor.u32 v1, v0;
	_ =	sdelay $0x4  }
0xf4: {  	v0 =	vld.idx.msk [tilespmem:v0+s17+$0x0], $0xffff;
	_ =	sdelay $0x4  }
0xf5: {  	[tilespmem:s28+$0x19480] =	vst v0  }
0xf6: {  	v0 =	vld [tilespmem:$0x110]  }
0xf7: {  	v50 =	vld [tilespmem:$0x210];
	_ =	sdelay $0x4  }
0xf8: {  	v51 =	vand.u32 $0xFFFFFF80, v50;
	v0 =	vshll.u32 v0, $0x7  }
0xf9: {  	v1 =	vand.u32 $0x7F, v50;
	v0 =	vadd.s32 v0, v51  }
0xfa: {  	v0 =	vor.u32 v1, v0;
	_ =	sdelay $0x4  }
0xfb: {  	v0 =	vld.idx.msk [tilespmem:v0+s17+$0x0], $0xffff;
	_ =	sdelay $0x4  }
0xfc: {  	[tilespmem:s28+$0x19490] =	vst v0  }
0xfd: {  	v0 =	vld [tilespmem:$0x120]  }
0xfe: {  	v52 =	vld [tilespmem:$0x220];
	_ =	sdelay $0x4  }
0xff: {  	v53 =	vand.u32 $0xFFFFFF80, v52;
	v0 =	vshll.u32 v0, $0x7  }
0x100: {  	v1 =	vand.u32 $0x7F, v52;
	v0 =	vadd.s32 v0, v53  }
0x101: {  	v0 =	vor.u32 v1, v0;
	_ =	sdelay $0x4  }
0x102: {  	v0 =	vld.idx.msk [tilespmem:v0+s17+$0x0], $0xffff;
	_ =	sdelay $0x4  }
0x103: {  	[tilespmem:s28+$0x194A0] =	vst v0  }
0x104: {  	v0 =	vld [tilespmem:$0x130]  }
0x105: {  	v54 =	vld [tilespmem:$0x230];
	_ =	sdelay $0x4  }
0x106: {  	v55 =	vand.u32 $0xFFFFFF80, v54;
	v0 =	vshll.u32 v0, $0x7  }
0x107: {  	v1 =	vand.u32 $0x7F, v54;
	v0 =	vadd.s32 v0, v55  }
0x108: {  	v0 =	vor.u32 v1, v0;
	_ =	sdelay $0x4  }
0x109: {  	v0 =	vld.idx.msk [tilespmem:v0+s17+$0x0], $0xffff;
	_ =	sdelay $0x4  }
0x10a: {  	[tilespmem:s28+$0x194B0] =	vst v0  }
0x10b: {  	v0 =	vld [tilespmem:$0x140]  }
0x10c: {  	v56 =	vld [tilespmem:$0x240];
	_ =	sdelay $0x4  }
0x10d: {  	v57 =	vand.u32 $0xFFFFFF80, v56;
	v0 =	vshll.u32 v0, $0x7  }
0x10e: {  	v1 =	vand.u32 $0x7F, v56;
	v0 =	vadd.s32 v0, v57  }
0x10f: {  	v0 =	vor.u32 v1, v0;
	_ =	sdelay $0x4  }
0x110: {  	v0 =	vld.idx.msk [tilespmem:v0+s17+$0x0], $0xffff;
	_ =	sdelay $0x4  }
0x111: {  	[tilespmem:s28+$0x194C0] =	vst v0  }
0x112: {  	v0 =	vld [tilespmem:$0x150]  }
0x113: {  	v58 =	vld [tilespmem:$0x250];
	_ =	sdelay $0x4  }
0x114: {  	v59 =	vand.u32 $0xFFFFFF80, v58;
	v0 =	vshll.u32 v0, $0x7  }
0x115: {  	v1 =	vand.u32 $0x7F, v58;
	v0 =	vadd.s32 v0, v59  }
0x116: {  	v0 =	vor.u32 v1, v0;
	_ =	sdelay $0x4  }
0x117: {  	v0 =	vld.idx.msk [tilespmem:v0+s17+$0x0], $0xffff;
	_ =	sdelay $0x4  }
0x118: {  	[tilespmem:s28+$0x194D0] =	vst v0  }
0x119: {  	v0 =	vld [tilespmem:$0x160]  }
0x11a: {  	v60 =	vld [tilespmem:$0x260];
	_ =	sdelay $0x4  }
0x11b: {  	v61 =	vand.u32 $0xFFFFFF80, v60;
	v0 =	vshll.u32 v0, $0x7  }
0x11c: {  	v1 =	vand.u32 $0x7F, v60;
	v0 =	vadd.s32 v0, v61  }
0x11d: {  	v0 =	vor.u32 v1, v0;
	_ =	sdelay $0x4  }
0x11e: {  	v0 =	vld.idx.msk [tilespmem:v0+s17+$0x0], $0xffff;
	_ =	sdelay $0x4  }
0x11f: {  	[tilespmem:s28+$0x194E0] =	vst v0  }
0x120: {  	v0 =	vld [tilespmem:$0x170]  }
0x121: {  	v62 =	vld [tilespmem:$0x270];
	_ =	sdelay $0x4  }
0x122: {  	v63 =	vand.u32 $0xFFFFFF80, v62;
	v0 =	vshll.u32 v0, $0x7  }
0x123: {  	v1 =	vand.u32 $0x7F, v62;
	v0 =	vadd.s32 v0, v63  }
0x124: {  	v0 =	vor.u32 v1, v0;
	_ =	sdelay $0x4  }
0x125: {  	v0 =	vld.idx.msk [tilespmem:v0+s17+$0x0], $0xffff  }
.Ltmp3:
0x126: {  	_ = 	snop;
	(pc) =	sbr.rel @!p0 .LBB2_6-.Ltmp3, $2  }
0x127: {  	_ =	sdelay $0x2  }
0x128: {  	[tilespmem:s28+$0x194F0] =	vst v0  }
.Ltmp4:
0x129: {  	(pc) =	sbr.rel .LBB2_4-.Ltmp4, $3  }
0x12a: {  	_ =	sdelay $0x1  }
0x12b: {  	[tilespmem:s17], [sflag:$0x4] =	stream.linear.gather [hbm4b:s11+s2], $0x6400, $0x38;
	[tilespmem:$0x19700] =	vst v63  }
0x12c: {  	s29 =	simm.s32 $0x800;
	p0 =	por $0x0, $0x0  }
.LBB2_7:
0x12d: {  	_ =	sfence.sel $0x180000  }
0x12e: {  	[bflag:$0x0] =	sbarrier.arrive $0xFFFF  }
0x12f: {  	p0 =	sne.s32 s0, $0x0;
	_ =	strace $0x90000047  }
0x130: {  	s0 =	sadd.s32 @!p0 $0x100000, s1;
	[bflag:$0x2] =	sbarrier.arrive $0xFFFF  }
0x131: {  	[sflag:s0] =	ssyncadd.tile.s32 @!p0 $0x1;
	_ =	shalt  }
.Lfunc_end2:
_tile_overlayer_lowered:
.L_overlay_start_2:
0x132: {  	(tag) =	ssettag $0x2  }
0x133: {  	s0 =	rddreg [dreg:$0x0];
	s2 =	stileid.u32  }
0x134: {  	s1 =	rddreg [dreg:$0x1];
	p0 =	sne.s32 s2, $0x0  }
0x135: {  	s3 =	rddreg [dreg:$0x2];
	[bflag:$0x3] =	sbarrier.arrive $0xFFFF;
	s2 =	simm.s32 @!p0 $0x1C05  }
0x136: {  	[timem:s3], [sflag:s2] =	dma.local @!p0 [hbm:s0], s1  }
0x137: {  	s0 =	simm.s32 @!p0 $0x5  }
0x138: {  	_ =	swait.ge @!p0 [sflag:s0], s1  }
0x139: {  	s1 =	ssub.s32 @!p0 $0x0, s1;
	[sflag:s0] =	ssyncset.done @!p0 $0x0  }
0x13a: {  	[sflag:s0] =	ssyncadd.s32 @!p0 s1  }
0x13b: {  	[bflag:$0x3] =	sbarrier.arrive $0xFFFF  }
0x13c: {  	_ =	shalt  }

</sc_bundles>
